<compile_context>
chip_gen: v7x
topology: tpu7x:2x2x1
jax: 0.10.2.dev20260603
libtpu: 0.0.44.dev20260713+nightly
codegen_flags: <defaults>
</compile_context>

<pallas_src>
import functools

import jax
import jax.numpy as jnp
from jax import lax
from jax.experimental import pallas as pl
from jax.experimental.pallas import tpu as pltpu
from jax.experimental.pallas import tpu_sc as plsc

N = 10000
E = 320000
F = 128
B = 128
NC = 2
NS = 16
NW = NC * NS
EPW = E // NW
K = 80
NCH = EPW // K
RPS = N // NS
NJUNK = N + 16
RBLK = 2000
G = N // RBLK

_mesh = plsc.VectorSubcoreMesh(core_axis_name="c", subcore_axis_name="s")
_sc_params = pltpu.CompilerParams(
    needs_layout_passes=False, use_tc_tiling_on_sc=False
)


@functools.partial(
    pl.kernel,
    out_type=jax.ShapeDtypeStruct((N // RBLK, NW, RBLK), jnp.float32),
    mesh=_mesh,
    compiler_params=_sc_params,
    scratch_types=[
        pltpu.VMEM((NCH, K), jnp.int32),
        pltpu.VMEM((NCH, K), jnp.int32),
        pltpu.VMEM((N,), jnp.float32),
    ],
)
def _deg_kernel(row_hbm, col_hbm, dall_hbm, ridx, cidx, deg):
    c = lax.axis_index("c")
    s = lax.axis_index("s")
    w = s * NC + c
    pltpu.sync_copy(row_hbm.at[w], ridx)
    pltpu.sync_copy(col_hbm.at[w], cidx)

    zero16 = jnp.zeros((16,), jnp.float32)

    @pl.loop(0, N // 16)
    def _(i):
        deg[pl.ds(i * 16, 16)] = zero16

    ones16 = jnp.ones((16,), jnp.float32)

    @pl.loop(0, NCH)
    def _(j):
        @pl.loop(0, K // 16)
        def _(i):
            sl = pl.ds(i * 16, 16)
            r16 = ridx[j, sl]
            c16 = cidx[j, sl]
            plsc.addupdate_scatter(deg, [r16], ones16, mask=r16 != c16)

    @pl.loop(0, N // RBLK)
    def _(g):
        pltpu.sync_copy(deg.at[pl.ds(g * RBLK, RBLK)], dall_hbm.at[g, w])


@functools.partial(
    pl.kernel,
    out_type=jax.ShapeDtypeStruct((NC, N, F), jnp.float32),
    mesh=_mesh,
    compiler_params=_sc_params,
    scratch_types=[
        pltpu.VMEM_SHARED((NJUNK, F), jnp.float32),
        pltpu.VMEM((NCH, K), jnp.int32),
        pltpu.VMEM((NCH, K), jnp.int32),
        pltpu.VMEM((K, F), jnp.float32),
        pltpu.VMEM((K, F), jnp.float32),
        pltpu.VMEM((K, F), jnp.float32),
        pltpu.SemaphoreType.DMA,
        pltpu.SemaphoreType.DMA,
        pltpu.SemaphoreType.DMA,
        pltpu.SemaphoreType.DMA,
        pltpu.SemaphoreType.DMA,
        pltpu.SemaphoreType.DMA,
    ],
)
def _conv_kernel(row_hbm, col_hbm, y_hbm, p_hbm,
                 acc, ridx, cidx, buf0, buf1, buf2,
                 gsem0, gsem1, gsem2, ssem0, ssem1, ssem2):
    c = lax.axis_index("c")
    s = lax.axis_index("s")
    w = s * NC + c
    pltpu.sync_copy(row_hbm.at[w], ridx)
    pltpu.sync_copy(col_hbm.at[w], cidx)

    njunk16 = jnp.full((16,), N, jnp.int32)

    @pl.loop(0, NCH)
    def _(j):
        @pl.loop(0, K // 16)
        def _(i):
            sl = pl.ds(i * 16, 16)
            r16 = ridx[j, sl]
            c16 = cidx[j, sl]
            cidx[j, sl] = jnp.where(r16 == c16, njunk16, c16)

    zero16 = jnp.zeros((16,), jnp.float32)

    @pl.loop(0, K)
    def _(e):
        @pl.loop(0, F // 16)
        def _(i):
            buf0[e, pl.ds(i * 16, 16)] = zero16

    base = s * RPS
    nfull = RPS // K
    rem = RPS - nfull * K

    @pl.loop(0, nfull)
    def _(i):
        pltpu.sync_copy(buf0, acc.at[pl.ds(base + i * K, K)])

    pltpu.sync_copy(
        buf0.at[pl.ds(0, rem)], acc.at[pl.ds(base + nfull * K, rem)]
    )

    bufs = (buf0, buf1, buf2)
    gsems = (gsem0, gsem1, gsem2)
    ssems = (ssem0, ssem1, ssem2)
    pltpu.async_copy(y_hbm.at[ridx.at[0]], buf0, gsem0)
    pltpu.async_copy(y_hbm.at[ridx.at[1]], buf1, gsem1)
    plsc.subcore_barrier()

    NGRP = (NCH - 2) // 3

    @pl.loop(0, NGRP)
    def _(t):
        for b in range(3):
            j = 3 * t + b
            bn = (b + 2) % 3
            pltpu.make_async_copy(y_hbm.at[ridx.at[j]], bufs[b], gsems[b]).wait()

            @pl.when(j >= 1)
            def _():
                pltpu.make_async_copy(
                    bufs[bn], acc.at[cidx.at[j - 1]], ssems[bn]
                ).wait()

            pltpu.async_copy(y_hbm.at[ridx.at[j + 2]], bufs[bn], gsems[bn])
            pltpu.async_copy(bufs[b], acc.at[cidx.at[j]], ssems[b], add=True)

    for j in (NCH - 2, NCH - 1):
        b = j % 3
        bn = (b + 2) % 3
        pltpu.make_async_copy(y_hbm.at[ridx.at[j]], bufs[b], gsems[b]).wait()
        pltpu.make_async_copy(bufs[bn], acc.at[cidx.at[j - 1]], ssems[bn]).wait()
        pltpu.async_copy(bufs[b], acc.at[cidx.at[j]], ssems[b], add=True)

    pltpu.make_async_copy(
        bufs[(NCH - 1) % 3], acc.at[cidx.at[NCH - 1]], ssems[(NCH - 1) % 3]
    ).wait()
    plsc.subcore_barrier()

    @pl.loop(0, nfull)
    def _(i):
        sl = pl.ds(base + i * K, K)
        pltpu.sync_copy(acc.at[sl], p_hbm.at[c, sl])

    sl = pl.ds(base + nfull * K, rem)
    pltpu.sync_copy(acc.at[sl], p_hbm.at[c, sl])


def _firsts_from_counts(cnt):
    lower = (
        lax.broadcasted_iota(jnp.int32, (B, B), 1)
        < lax.broadcasted_iota(jnp.int32, (B, B), 0)
    ).astype(jnp.float32)
    return lax.dot_general(
        lower, cnt, (((1,), (0,)), ((), ())), preferred_element_type=jnp.float32
    )


def _y1cnt_body(x_ref, w1_ref, batch_ref, y_ref, cnt_ref):
    i = pl.program_id(0)
    y_ref[...] = jnp.dot(x_ref[...], w1_ref[...],
                         preferred_element_type=jnp.float32)
    seg = lax.broadcasted_iota(jnp.int32, (RBLK, B), 1)
    m = (batch_ref[...] == seg).astype(jnp.float32)
    csum = lax.dot_general(
        m,
        jnp.ones((RBLK, 1), jnp.float32),
        (((0,), (0,)), ((), ())),
        preferred_element_type=jnp.float32,
    )

    @pl.when(i == 0)
    def _():
        cnt_ref[...] = csum

    @pl.when(i > 0)
    def _():
        cnt_ref[...] += csum


def _y1cnt(x, W1, batchcol):
    return pl.pallas_call(
        _y1cnt_body,
        grid=(G,),
        in_specs=[
            pl.BlockSpec((RBLK, F), lambda i: (i, 0)),
            pl.BlockSpec((F, F), lambda i: (0, 0)),
            pl.BlockSpec((RBLK, 1), lambda i: (i, 0)),
        ],
        out_specs=[
            pl.BlockSpec((RBLK, F), lambda i: (i, 0)),
            pl.BlockSpec((B, 1), lambda i: (0, 0)),
        ],
        out_shape=[
            jax.ShapeDtypeStruct((N, F), jnp.float32),
            jax.ShapeDtypeStruct((B, 1), jnp.float32),
        ],
    )(x, W1, batchcol)


def _scale_root_body(y_ref, dall_ref, x_ref, cnt_ref, w2b_ref,
                     ys_ref, dis_ref, r_ref, xf_ref):
    i = pl.program_id(0)
    deg = jnp.sum(dall_ref[...], axis=(0, 1)) + 1.0
    dis = lax.rsqrt(deg).reshape(RBLK, 1)
    dis_ref[...] = dis
    ys_ref[...] = y_ref[...] * dis
    firsts = _firsts_from_counts(cnt_ref[...]).astype(jnp.int32)
    rowid = i * RBLK + lax.broadcasted_iota(jnp.int32, (B, RBLK), 1)
    fsel = (rowid == firsts).astype(jnp.float32)
    part = jnp.dot(fsel, x_ref[...], preferred_element_type=jnp.float32)

    @pl.when(i == 0)
    def _():
        xf_ref[...] = part

    @pl.when(i > 0)
    def _():
        xf_ref[...] += part

    @pl.when(i == G - 1)
    def _():
        r_ref[...] = jnp.dot(
            jnp.maximum(xf_ref[...], 0.0),
            w2b_ref[...],
            preferred_element_type=jnp.float32,
        )


def _scale_root(y1, dall, x, cnt, W2b):
    return pl.pallas_call(
        _scale_root_body,
        grid=(G,),
        in_specs=[
            pl.BlockSpec((RBLK, F), lambda i: (i, 0)),
            pl.BlockSpec((1, NW, RBLK), lambda i: (i, 0, 0)),
            pl.BlockSpec((RBLK, F), lambda i: (i, 0)),
            pl.BlockSpec((B, 1), lambda i: (0, 0)),
            pl.BlockSpec((F, F), lambda i: (0, 0)),
        ],
        out_specs=[
            pl.BlockSpec((RBLK, F), lambda i: (i, 0)),
            pl.BlockSpec((RBLK, 1), lambda i: (i, 0)),
            pl.BlockSpec((B, F), lambda i: (0, 0)),
        ],
        out_shape=[
            jax.ShapeDtypeStruct((N, F), jnp.float32),
            jax.ShapeDtypeStruct((N, 1), jnp.float32),
            jax.ShapeDtypeStruct((B, F), jnp.float32),
        ],
        scratch_shapes=[pltpu.VMEM((B, F), jnp.float32)],
    )(y1, dall, x, cnt, W2b)


def _mid_body(p_ref, ys_ref, dis_ref, b1_ref, r_ref, batch_ref, w2a_ref,
              h1_ref, ys2_ref):
    dis = dis_ref[...]
    h1 = dis * (p_ref[0] + p_ref[1] + ys_ref[...]) + b1_ref[...]
    h1_ref[...] = h1
    seg = lax.broadcasted_iota(jnp.int32, (RBLK, B), 1)
    m = (batch_ref[...] == seg).astype(jnp.float32)
    rblk = jnp.dot(m, r_ref[...], preferred_element_type=jnp.float32)
    u = (
        jnp.dot(jnp.maximum(h1, 0.0), w2a_ref[...],
                preferred_element_type=jnp.float32)
        + rblk
    )
    ys2_ref[...] = u * dis


def _mid(p1, ys1, discol, b1r, r, batchcol, W2a):
    return pl.pallas_call(
        _mid_body,
        grid=(G,),
        in_specs=[
            pl.BlockSpec((NC, RBLK, F), lambda i: (0, i, 0)),
            pl.BlockSpec((RBLK, F), lambda i: (i, 0)),
            pl.BlockSpec((RBLK, 1), lambda i: (i, 0)),
            pl.BlockSpec((1, F), lambda i: (0, 0)),
            pl.BlockSpec((B, F), lambda i: (0, 0)),
            pl.BlockSpec((RBLK, 1), lambda i: (i, 0)),
            pl.BlockSpec((F, F), lambda i: (0, 0)),
        ],
        out_specs=[
            pl.BlockSpec((RBLK, F), lambda i: (i, 0)),
            pl.BlockSpec((RBLK, F), lambda i: (i, 0)),
        ],
        out_shape=[
            jax.ShapeDtypeStruct((N, F), jnp.float32),
            jax.ShapeDtypeStruct((N, F), jnp.float32),
        ],
    )(p1, ys1, discol, b1r, r, batchcol, W2a)


def _final_body(p_ref, ys2_ref, dis_ref, b2_ref, h1_ref, batch_ref, cnt_ref,
                out_ref, s_ref, t_ref):
    i = pl.program_id(0)
    h2 = dis_ref[...] * (p_ref[0] + p_ref[1] + ys2_ref[...]) + b2_ref[...]
    g = jnp.maximum(h2, 0.0)
    seg = lax.broadcasted_iota(jnp.int32, (RBLK, B), 1)
    m = (batch_ref[...] == seg).astype(jnp.float32)
    spart = lax.dot_general(
        m, g, (((0,), (0,)), ((), ())), preferred_element_type=jnp.float32
    )
    firsts = _firsts_from_counts(cnt_ref[...]).astype(jnp.int32)
    rowid = i * RBLK + lax.broadcasted_iota(jnp.int32, (B, RBLK), 1)
    fsel = (rowid == firsts).astype(jnp.float32)
    tpart = jnp.dot(fsel, h1_ref[...], preferred_element_type=jnp.float32)

    @pl.when(i == 0)
    def _():
        s_ref[...] = spart
        t_ref[...] = tpart

    @pl.when(i > 0)
    def _():
        s_ref[...] += spart
        t_ref[...] += tpart

    @pl.when(i == G - 1)
    def _():
        cnt = cnt_ref[...]
        mean = s_ref[...] / jnp.maximum(cnt, 1.0)
        root = jnp.where(cnt > 0.0, t_ref[...], 0.0)
        out_ref[...] = jnp.concatenate([mean, root], axis=1)


def _final(p2, ys2, discol, b2r, h1, batchcol, cnt):
    return pl.pallas_call(
        _final_body,
        grid=(G,),
        in_specs=[
            pl.BlockSpec((NC, RBLK, F), lambda i: (0, i, 0)),
            pl.BlockSpec((RBLK, F), lambda i: (i, 0)),
            pl.BlockSpec((RBLK, 1), lambda i: (i, 0)),
            pl.BlockSpec((1, F), lambda i: (0, 0)),
            pl.BlockSpec((RBLK, F), lambda i: (i, 0)),
            pl.BlockSpec((RBLK, 1), lambda i: (i, 0)),
            pl.BlockSpec((B, 1), lambda i: (0, 0)),
        ],
        out_specs=pl.BlockSpec((B, 2 * F), lambda i: (0, 0)),
        out_shape=jax.ShapeDtypeStruct((B, 2 * F), jnp.float32),
        scratch_shapes=[
            pltpu.VMEM((B, F), jnp.float32),
            pltpu.VMEM((B, F), jnp.float32),
        ],
    )(p2, ys2, discol, b2r, h1, batchcol, cnt)


def kernel(x, W1, b1, W2, b2, edge_index, batch):
    row3 = edge_index[0].reshape(NW, NCH, K)
    col3 = edge_index[1].reshape(NW, NCH, K)
    batchcol = batch.reshape(N, 1)
    b1r = b1.reshape(1, F)
    b2r = b2.reshape(1, F)
    W2a = W2[:F]
    W2b = W2[F:]

    dall = _deg_kernel(row3, col3)
    y1, cnt = _y1cnt(x, W1, batchcol)
    ys1, discol, r = _scale_root(y1, dall, x, cnt, W2b)
    p1 = _conv_kernel(row3, col3, ys1)
    h1, ys2 = _mid(p1, ys1, discol, b1r, r, batchcol, W2a)
    p2 = _conv_kernel(row3, col3, ys2)
    return _final(p2, ys2, discol, b2r, h1, batchcol, cnt)

# --- scband reference (transcript-rebuilt; emitter-appended) ---
"""Pipeline reference for scband-tdrumor-gcn-15547781611783 (READ-ONLY COPY).

The authoritative reference and input builder live on the scoring server;
editing this copy changes nothing except your own understanding.
"""

import jax, jax.numpy as jnp
import numpy as np

N = 10000
E = 320000
IN_FEATS = 128
HID = 128
OUT = 128
B = 128


def _glorot(key, shape):
    s = float(np.sqrt(6.0 / (shape[0] + shape[1])))
    return jax.random.uniform(key, shape, dtype=jnp.float32, minval=-s, maxval=s)


def setup_inputs(seed: int = 0) -> dict:
    key = jax.random.key(seed)
    ks = jax.random.split(key, 6)
    x = jax.random.normal(ks[0], (N, IN_FEATS), dtype=jnp.float32)
    edge_index = jax.random.randint(ks[1], (2, E), 0, N, dtype=jnp.int32)
    batch = jnp.sort(jax.random.randint(ks[2], (N,), 0, B, dtype=jnp.int32))
    W1 = _glorot(ks[3], (IN_FEATS, HID))
    b1 = jnp.zeros((HID,), dtype=jnp.float32)
    W2 = _glorot(ks[4], (HID + IN_FEATS, OUT))
    b2 = jnp.zeros((OUT,), dtype=jnp.float32)
    return {"x": x, "W1": W1, "b1": b1, "W2": W2, "b2": b2, "edge_index": edge_index, "batch": batch}


def _compute_norm(edge_index, num_nodes):
    # GCNConv.norm: remove self loops, add self loops, symmetric normalization
    row = edge_index[0]
    col = edge_index[1]
    keep = (row != col).astype(jnp.float32)
    loop = jnp.arange(num_nodes, dtype=row.dtype)
    row = jnp.concatenate([row, loop])
    col = jnp.concatenate([col, loop])
    ew = jnp.concatenate([keep, jnp.ones((num_nodes,), dtype=jnp.float32)])
    deg = jnp.zeros((num_nodes,), dtype=jnp.float32).at[row].add(ew)
    dis = jnp.where(deg > 0, deg ** -0.5, 0.0).astype(jnp.float32)
    norm = dis[row] * ew * dis[col]
    return row, col, norm


def _gcn_conv(x, W, b, row, col, norm, num_nodes):
    x = x @ W
    msg = norm[:, None] * x[row]
    out = jnp.zeros((num_nodes, x.shape[1]), dtype=x.dtype).at[col].add(msg)
    return out + b


def reference(x, W1, b1, W2, b2, edge_index, batch):
    num_nodes = x.shape[0]
    row, col, norm = _compute_norm(edge_index, num_nodes)
    # tddroprate = 0.0 -> no edge dropping; eval mode -> dropout is identity
    firsts = jax.ops.segment_min(jnp.arange(num_nodes), batch, num_segments=B)
    firsts = jnp.minimum(firsts, num_nodes - 1)
    x1 = x
    h = _gcn_conv(x, W1, b1, row, col, norm, num_nodes)
    x2 = h
    root_extend = x1[firsts[batch]]
    h = jnp.concatenate([h, root_extend], axis=1)
    h = jax.nn.relu(h)
    h = _gcn_conv(h, W2, b2, row, col, norm, num_nodes)
    h = jax.nn.relu(h)
    root_extend2 = x2[firsts[batch]]
    h = jnp.concatenate([h, root_extend2], axis=1)
    sums = jax.ops.segment_sum(h, batch, num_segments=B)
    counts = jax.ops.segment_sum(jnp.ones((num_nodes,), dtype=h.dtype), batch, num_segments=B)
    return sums / jnp.maximum(counts, 1.0)[:, None]

if __name__ == "__main__":
    import jax
    _d = setup_inputs()
    print(jax.jit(kernel)(*tuple(_d.values())))

</pallas_src>

<mosaic_0001>
#map = affine_map<(d0, d1) -> (0, 0, 0)>
#map1 = affine_map<(d0, d1) -> (0, 0)>
module attributes {stable_mosaic.version = 14 : i64} {
  func.func @_conv_kernel(%arg0: i32, %arg1: i32, %arg2: memref<32x125x80xi32, #tpu.memory_space<hbm>>, %arg3: memref<32x125x80xi32, #tpu.memory_space<hbm>>, %arg4: memref<10000x128xf32, #tpu.memory_space<hbm>>, %arg5: memref<2x10000x128xf32, #tpu.memory_space<hbm>>, %arg6: memref<10016x128xf32, #tpu.memory_space<vmem_shared>>, %arg7: memref<125x80xi32, #tpu.memory_space<vmem>>, %arg8: memref<125x80xi32, #tpu.memory_space<vmem>>, %arg9: memref<80x128xf32, #tpu.memory_space<vmem>>, %arg10: memref<80x128xf32, #tpu.memory_space<vmem>>, %arg11: memref<80x128xf32, #tpu.memory_space<vmem>>, %arg12: memref<!tpu.dma_semaphore, #tpu.memory_space<semaphore_mem>>, %arg13: memref<!tpu.dma_semaphore, #tpu.memory_space<semaphore_mem>>, %arg14: memref<!tpu.dma_semaphore, #tpu.memory_space<semaphore_mem>>, %arg15: memref<!tpu.dma_semaphore, #tpu.memory_space<semaphore_mem>>, %arg16: memref<!tpu.dma_semaphore, #tpu.memory_space<semaphore_mem>>, %arg17: memref<!tpu.dma_semaphore, #tpu.memory_space<semaphore_mem>>) attributes {dimension_semantics = [#tpu.dimension_semantics<core_parallel>, #tpu.dimension_semantics<subcore_parallel>], iteration_bounds = array<i64: 2, 16>, scalar_prefetch = 0 : i64, scratch_operands = 12 : i64, tpu.core_type = #tpu.core_type<sc_vector_subcore>, window_params = [{transform_indices = #map}, {transform_indices = #map}, {transform_indices = #map1}, {transform_indices = #map}]} {
    %mul3A = arith.constant 2 : i32
    %mul3A_0 = arith.muli %arg1, %mul3A : i32
    %add3A = arith.addi %mul3A_0, %arg0 : i32
    "tpu.region"() ({
      %run_scoped3A = tpu.sem_alloc : memref<!tpu.dma_semaphore, #tpu.memory_space<semaphore_mem>>
      %dma_start3A_96 = arith.constant 0 : i32
      %dma_start3A_97 = arith.constant 0 : i32
      %dma_start3A_98 = tpu.memref_slice %arg2[%add3A, %dma_start3A_96, %dma_start3A_97] : memref<32x125x80xi32, #tpu.memory_space<hbm>> -> memref<1x125x80xi32, #tpu.memory_space<hbm>>
      %dma_start3A_99 = tpu.memref_squeeze %dma_start3A_98 : memref<1x125x80xi32, #tpu.memory_space<hbm>> -> memref<125x80xi32, #tpu.memory_space<hbm>>
      %dma_start3A_100 = arith.constant 0 : i32
      %dma_start3A_101 = arith.constant 0 : i32
      %dma_start3A_102 = tpu.memref_slice %arg2[%add3A, %dma_start3A_100, %dma_start3A_101] : memref<32x125x80xi32, #tpu.memory_space<hbm>> -> memref<1x125x80xi32, #tpu.memory_space<hbm>>
      %dma_start3A_103 = tpu.memref_squeeze %dma_start3A_102 : memref<1x125x80xi32, #tpu.memory_space<hbm>> -> memref<125x80xi32, #tpu.memory_space<hbm>>
      tpu.enqueue_dma source(%dma_start3A_103 : memref<125x80xi32, #tpu.memory_space<hbm>>) target(%arg7 : memref<125x80xi32, #tpu.memory_space<vmem>>) target_semaphore(%run_scoped3A : memref<!tpu.dma_semaphore, #tpu.memory_space<semaphore_mem>>)
      %dma_wait3A_104 = arith.constant 0 : i32
      %dma_wait3A_105 = arith.constant 0 : i32
      %dma_wait3A_106 = tpu.memref_slice %arg2[%add3A, %dma_wait3A_104, %dma_wait3A_105] : memref<32x125x80xi32, #tpu.memory_space<hbm>> -> memref<1x125x80xi32, #tpu.memory_space<hbm>>
      %dma_wait3A_107 = tpu.memref_squeeze %dma_wait3A_106 : memref<1x125x80xi32, #tpu.memory_space<hbm>> -> memref<125x80xi32, #tpu.memory_space<hbm>>
      %dma_wait3A_108 = arith.constant 0 : i32
      %dma_wait3A_109 = arith.constant 0 : i32
      %dma_wait3A_110 = tpu.memref_slice %arg2[%add3A, %dma_wait3A_108, %dma_wait3A_109] : memref<32x125x80xi32, #tpu.memory_space<hbm>> -> memref<1x125x80xi32, #tpu.memory_space<hbm>>
      %dma_wait3A_111 = tpu.memref_squeeze %dma_wait3A_110 : memref<1x125x80xi32, #tpu.memory_space<hbm>> -> memref<125x80xi32, #tpu.memory_space<hbm>>
      tpu.wait_dma2 semaphore(%run_scoped3A : memref<!tpu.dma_semaphore, #tpu.memory_space<semaphore_mem>>) src(%dma_wait3A_111 : memref<125x80xi32, #tpu.memory_space<hbm>>) dst(%arg7 : memref<125x80xi32, #tpu.memory_space<vmem>>)
      tpu.yield
    }) : () -> ()
    "tpu.region"() ({
      %run_scoped3A = tpu.sem_alloc : memref<!tpu.dma_semaphore, #tpu.memory_space<semaphore_mem>>
      %dma_start3A_96 = arith.constant 0 : i32
      %dma_start3A_97 = arith.constant 0 : i32
      %dma_start3A_98 = tpu.memref_slice %arg3[%add3A, %dma_start3A_96, %dma_start3A_97] : memref<32x125x80xi32, #tpu.memory_space<hbm>> -> memref<1x125x80xi32, #tpu.memory_space<hbm>>
      %dma_start3A_99 = tpu.memref_squeeze %dma_start3A_98 : memref<1x125x80xi32, #tpu.memory_space<hbm>> -> memref<125x80xi32, #tpu.memory_space<hbm>>
      %dma_start3A_100 = arith.constant 0 : i32
      %dma_start3A_101 = arith.constant 0 : i32
      %dma_start3A_102 = tpu.memref_slice %arg3[%add3A, %dma_start3A_100, %dma_start3A_101] : memref<32x125x80xi32, #tpu.memory_space<hbm>> -> memref<1x125x80xi32, #tpu.memory_space<hbm>>
      %dma_start3A_103 = tpu.memref_squeeze %dma_start3A_102 : memref<1x125x80xi32, #tpu.memory_space<hbm>> -> memref<125x80xi32, #tpu.memory_space<hbm>>
      tpu.enqueue_dma source(%dma_start3A_103 : memref<125x80xi32, #tpu.memory_space<hbm>>) target(%arg8 : memref<125x80xi32, #tpu.memory_space<vmem>>) target_semaphore(%run_scoped3A : memref<!tpu.dma_semaphore, #tpu.memory_space<semaphore_mem>>)
      %dma_wait3A_104 = arith.constant 0 : i32
      %dma_wait3A_105 = arith.constant 0 : i32
      %dma_wait3A_106 = tpu.memref_slice %arg3[%add3A, %dma_wait3A_104, %dma_wait3A_105] : memref<32x125x80xi32, #tpu.memory_space<hbm>> -> memref<1x125x80xi32, #tpu.memory_space<hbm>>
      %dma_wait3A_107 = tpu.memref_squeeze %dma_wait3A_106 : memref<1x125x80xi32, #tpu.memory_space<hbm>> -> memref<125x80xi32, #tpu.memory_space<hbm>>
      %dma_wait3A_108 = arith.constant 0 : i32
      %dma_wait3A_109 = arith.constant 0 : i32
      %dma_wait3A_110 = tpu.memref_slice %arg3[%add3A, %dma_wait3A_108, %dma_wait3A_109] : memref<32x125x80xi32, #tpu.memory_space<hbm>> -> memref<1x125x80xi32, #tpu.memory_space<hbm>>
      %dma_wait3A_111 = tpu.memref_squeeze %dma_wait3A_110 : memref<1x125x80xi32, #tpu.memory_space<hbm>> -> memref<125x80xi32, #tpu.memory_space<hbm>>
      tpu.wait_dma2 semaphore(%run_scoped3A : memref<!tpu.dma_semaphore, #tpu.memory_space<semaphore_mem>>) src(%dma_wait3A_111 : memref<125x80xi32, #tpu.memory_space<hbm>>) dst(%arg8 : memref<125x80xi32, #tpu.memory_space<vmem>>)
      tpu.yield
    }) : () -> ()
    %broadcast_in_dim3A = arith.constant 10000 : i32
    %broadcast_in_dim3A_1 = vector.broadcast %broadcast_in_dim3A : i32 to vector<16xi32>
    %scan3A = arith.constant 0 : i32
    %scan3A_2 = arith.constant 125 : i32
    %scan3A_3 = arith.addi %scan3A, %scan3A_2 : i32
    %scan3A_4 = arith.constant 1 : i32
    scf.for %scan3A_96 = %scan3A to %scan3A_3 step %scan3A_4  : i32 {
      %mul3A_97 = arith.constant 1 : i32
      %mul3A_98 = arith.muli %scan3A_96, %mul3A_97 : i32
      %add3A_99 = arith.constant 0 : i32
      %add3A_100 = arith.addi %add3A_99, %mul3A_98 : i32
      %scan3A_101 = arith.constant 0 : i32
      %scan3A_102 = arith.constant 5 : i32
      %scan3A_103 = arith.addi %scan3A_101, %scan3A_102 : i32
      %scan3A_104 = arith.constant 1 : i32
      scf.for %scan3A_106 = %scan3A_101 to %scan3A_103 step %scan3A_104  : i32 {
        %mul3A_107 = arith.constant 1 : i32
        %mul3A_108 = arith.muli %scan3A_106, %mul3A_107 : i32
        %add3A_109 = arith.constant 0 : i32
        %add3A_110 = arith.addi %add3A_109, %mul3A_108 : i32
        %mul3A_111 = arith.constant 16 : i32
        %mul3A_112 = arith.muli %add3A_110, %mul3A_111 : i32
        %get3A = arith.index_cast %add3A_100 : i32 to index
        %get3A_113 = arith.index_cast %mul3A_112 : i32 to index
        %get3A_114 = tpu.vector_load %arg7[%get3A, %get3A_113] {strides = array<i32>} : memref<125x80xi32, #tpu.memory_space<vmem>>, vector<16xi32>,
        %get3A_115 = arith.index_cast %add3A_100 : i32 to index
        %get3A_116 = arith.index_cast %mul3A_112 : i32 to index
        %get3A_117 = tpu.vector_load %arg8[%get3A_115, %get3A_116] {strides = array<i32>} : memref<125x80xi32, #tpu.memory_space<vmem>>, vector<16xi32>,
        %eq3A = arith.cmpi eq, %get3A_114, %get3A_117 : vector<16xi32>
        %select_n3A = arith.select %eq3A, %broadcast_in_dim3A_1, %get3A_117 : vector<16xi1>, vector<16xi32>
        %swap3A = arith.index_cast %add3A_100 : i32 to index
        %swap3A_118 = arith.index_cast %mul3A_112 : i32 to index
        %swap3A_119 = tpu.vector_load %arg8[%swap3A, %swap3A_118] {strides = array<i32>} : memref<125x80xi32, #tpu.memory_space<vmem>>, vector<16xi32>,
        tpu.vector_store %arg8[%swap3A, %swap3A_118], %select_n3A {strides = array<i32>} : memref<125x80xi32, #tpu.memory_space<vmem>>, vector<16xi32>,
      }
      %scan3A_105 = arith.constant 5 : i32
    }
    %scan3A_5 = arith.constant 125 : i32
    %broadcast_in_dim3A_6 = arith.constant 0.000000e+00 : f32
    %broadcast_in_dim3A_7 = vector.broadcast %broadcast_in_dim3A_6 : f32 to vector<16xf32>
    %scan3A_8 = arith.constant 0 : i32
    %scan3A_9 = arith.constant 80 : i32
    %scan3A_10 = arith.addi %scan3A_8, %scan3A_9 : i32
    %scan3A_11 = arith.constant 1 : i32
    scf.for %scan3A_96 = %scan3A_8 to %scan3A_10 step %scan3A_11  : i32 {
      %mul3A_97 = arith.constant 1 : i32
      %mul3A_98 = arith.muli %scan3A_96, %mul3A_97 : i32
      %add3A_99 = arith.constant 0 : i32
      %add3A_100 = arith.addi %add3A_99, %mul3A_98 : i32
      %scan3A_101 = arith.constant 0 : i32
      %scan3A_102 = arith.constant 8 : i32
      %scan3A_103 = arith.addi %scan3A_101, %scan3A_102 : i32
      %scan3A_104 = arith.constant 1 : i32
      scf.for %scan3A_106 = %scan3A_101 to %scan3A_103 step %scan3A_104  : i32 {
        %mul3A_107 = arith.constant 1 : i32
        %mul3A_108 = arith.muli %scan3A_106, %mul3A_107 : i32
        %add3A_109 = arith.constant 0 : i32
        %add3A_110 = arith.addi %add3A_109, %mul3A_108 : i32
        %mul3A_111 = arith.constant 16 : i32
        %mul3A_112 = arith.muli %add3A_110, %mul3A_111 : i32
        %swap3A = arith.index_cast %add3A_100 : i32 to index
        %swap3A_113 = arith.index_cast %mul3A_112 : i32 to index
        %swap3A_114 = tpu.vector_load %arg9[%swap3A, %swap3A_113] {strides = array<i32>} : memref<80x128xf32, #tpu.memory_space<vmem>>, vector<16xf32>,
        tpu.vector_store %arg9[%swap3A, %swap3A_113], %broadcast_in_dim3A_7 {strides = array<i32>} : memref<80x128xf32, #tpu.memory_space<vmem>>, vector<16xf32>,
      }
      %scan3A_105 = arith.constant 8 : i32
    }
    %scan3A_12 = arith.constant 80 : i32
    %mul3A_13 = arith.constant 625 : i32
    %mul3A_14 = arith.muli %arg1, %mul3A_13 : i32
    %scan3A_15 = arith.constant 0 : i32
    %scan3A_16 = arith.constant 7 : i32
    %scan3A_17 = arith.addi %scan3A_15, %scan3A_16 : i32
    %scan3A_18 = arith.constant 1 : i32
    scf.for %scan3A_96 = %scan3A_15 to %scan3A_17 step %scan3A_18  : i32 {
      %mul3A_97 = arith.constant 1 : i32
      %mul3A_98 = arith.muli %scan3A_96, %mul3A_97 : i32
      %add3A_99 = arith.constant 0 : i32
      %add3A_100 = arith.addi %add3A_99, %mul3A_98 : i32
      %mul3A_101 = arith.constant 80 : i32
      %mul3A_102 = arith.muli %add3A_100, %mul3A_101 : i32
      %add3A_103 = arith.addi %mul3A_14, %mul3A_102 : i32
      "tpu.region"() ({
        %run_scoped3A = tpu.sem_alloc : memref<!tpu.dma_semaphore, #tpu.memory_space<semaphore_mem>>
        %dma_start3A_104 = arith.constant 0 : i32
        %dma_start3A_105 = tpu.memref_slice %arg6[%add3A_103, %dma_start3A_104] : memref<10016x128xf32, #tpu.memory_space<vmem_shared>> -> memref<80x128xf32, #tpu.memory_space<vmem_shared>>
        %dma_start3A_106 = arith.constant 0 : i32
        %dma_start3A_107 = tpu.memref_slice %arg6[%add3A_103, %dma_start3A_106] : memref<10016x128xf32, #tpu.memory_space<vmem_shared>> -> memref<80x128xf32, #tpu.memory_space<vmem_shared>>
        tpu.enqueue_dma source(%arg9 : memref<80x128xf32, #tpu.memory_space<vmem>>) target(%dma_start3A_107 : memref<80x128xf32, #tpu.memory_space<vmem_shared>>) target_semaphore(%run_scoped3A : memref<!tpu.dma_semaphore, #tpu.memory_space<semaphore_mem>>)
        %dma_wait3A_108 = arith.constant 0 : i32
        %dma_wait3A_109 = tpu.memref_slice %arg6[%add3A_103, %dma_wait3A_108] : memref<10016x128xf32, #tpu.memory_space<vmem_shared>> -> memref<80x128xf32, #tpu.memory_space<vmem_shared>>
        %dma_wait3A_110 = arith.constant 0 : i32
        %dma_wait3A_111 = tpu.memref_slice %arg6[%add3A_103, %dma_wait3A_110] : memref<10016x128xf32, #tpu.memory_space<vmem_shared>> -> memref<80x128xf32, #tpu.memory_space<vmem_shared>>
        tpu.wait_dma2 semaphore(%run_scoped3A : memref<!tpu.dma_semaphore, #tpu.memory_space<semaphore_mem>>) src(%arg9 : memref<80x128xf32, #tpu.memory_space<vmem>>) dst(%dma_wait3A_111 : memref<80x128xf32, #tpu.memory_space<vmem_shared>>)
        tpu.yield
      }) : () -> ()
    }
    %scan3A_19 = arith.constant 7 : i32
    %add3A_20 = arith.constant 560 : i32
    %add3A_21 = arith.addi %mul3A_14, %add3A_20 : i32
    "tpu.region"() ({
      %run_scoped3A = tpu.sem_alloc : memref<!tpu.dma_semaphore, #tpu.memory_space<semaphore_mem>>
      %dma_start3A_96 = arith.constant 0 : i32
      %dma_start3A_97 = arith.constant 0 : i32
      %dma_start3A_98 = tpu.memref_slice %arg9[%dma_start3A_96, %dma_start3A_97] : memref<80x128xf32, #tpu.memory_space<vmem>> -> memref<65x128xf32, #tpu.memory_space<vmem>>
      %dma_start3A_99 = arith.constant 0 : i32
      %dma_start3A_100 = tpu.memref_slice %arg6[%add3A_21, %dma_start3A_99] : memref<10016x128xf32, #tpu.memory_space<vmem_shared>> -> memref<65x128xf32, #tpu.memory_space<vmem_shared>>
      %dma_start3A_101 = arith.constant 0 : i32
      %dma_start3A_102 = tpu.memref_slice %arg6[%add3A_21, %dma_start3A_101] : memref<10016x128xf32, #tpu.memory_space<vmem_shared>> -> memref<65x128xf32, #tpu.memory_space<vmem_shared>>
      %dma_start3A_103 = arith.constant 0 : i32
      %dma_start3A_104 = arith.constant 0 : i32
      %dma_start3A_105 = tpu.memref_slice %arg9[%dma_start3A_103, %dma_start3A_104] : memref<80x128xf32, #tpu.memory_space<vmem>> -> memref<65x128xf32, #tpu.memory_space<vmem>>
      tpu.enqueue_dma source(%dma_start3A_105 : memref<65x128xf32, #tpu.memory_space<vmem>>) target(%dma_start3A_102 : memref<65x128xf32, #tpu.memory_space<vmem_shared>>) target_semaphore(%run_scoped3A : memref<!tpu.dma_semaphore, #tpu.memory_space<semaphore_mem>>)
      %dma_wait3A_106 = arith.constant 0 : i32
      %dma_wait3A_107 = arith.constant 0 : i32
      %dma_wait3A_108 = tpu.memref_slice %arg9[%dma_wait3A_106, %dma_wait3A_107] : memref<80x128xf32, #tpu.memory_space<vmem>> -> memref<65x128xf32, #tpu.memory_space<vmem>>
      %dma_wait3A_109 = arith.constant 0 : i32
      %dma_wait3A_110 = tpu.memref_slice %arg6[%add3A_21, %dma_wait3A_109] : memref<10016x128xf32, #tpu.memory_space<vmem_shared>> -> memref<65x128xf32, #tpu.memory_space<vmem_shared>>
      %dma_wait3A_111 = arith.constant 0 : i32
      %dma_wait3A_112 = tpu.memref_slice %arg6[%add3A_21, %dma_wait3A_111] : memref<10016x128xf32, #tpu.memory_space<vmem_shared>> -> memref<65x128xf32, #tpu.memory_space<vmem_shared>>
      %dma_wait3A_113 = arith.constant 0 : i32
      %dma_wait3A_114 = arith.constant 0 : i32
      %dma_wait3A_115 = tpu.memref_slice %arg9[%dma_wait3A_113, %dma_wait3A_114] : memref<80x128xf32, #tpu.memory_space<vmem>> -> memref<65x128xf32, #tpu.memory_space<vmem>>
      tpu.wait_dma2 semaphore(%run_scoped3A : memref<!tpu.dma_semaphore, #tpu.memory_space<semaphore_mem>>) src(%dma_wait3A_115 : memref<65x128xf32, #tpu.memory_space<vmem>>) dst(%dma_wait3A_112 : memref<65x128xf32, #tpu.memory_space<vmem_shared>>)
      tpu.yield
    }) : () -> ()
    %dma_start3A = arith.constant 0 : i32
    %dma_start3A_22 = arith.constant 0 : i32
    %dma_start3A_23 = tpu.memref_slice %arg7[%dma_start3A, %dma_start3A_22] : memref<125x80xi32, #tpu.memory_space<vmem>> -> memref<1x80xi32, #tpu.memory_space<vmem>>
    %dma_start3A_24 = tpu.memref_squeeze %dma_start3A_23 : memref<1x80xi32, #tpu.memory_space<vmem>> -> memref<80xi32, #tpu.memory_space<vmem>>
    %dma_start3A_25 = arith.constant 0 : i32
    %dma_start3A_26 = arith.constant 0 : i32
    %dma_start3A_27 = tpu.memref_slice %arg4[%dma_start3A_25, %dma_start3A_26] : memref<10000x128xf32, #tpu.memory_space<hbm>> -> memref<10000x128xf32, #tpu.memory_space<hbm>>
    tpu.enqueue_indirect_dma source(%dma_start3A_27 : memref<10000x128xf32, #tpu.memory_space<hbm>>) target(%arg9 : memref<80x128xf32, #tpu.memory_space<vmem>>) offsets(%dma_start3A_24 : memref<80xi32, #tpu.memory_space<vmem>>) semaphore(%arg12 : memref<!tpu.dma_semaphore, #tpu.memory_space<semaphore_mem>>)
    %dma_start3A_28 = arith.constant 1 : i32
    %dma_start3A_29 = arith.constant 0 : i32
    %dma_start3A_30 = tpu.memref_slice %arg7[%dma_start3A_28, %dma_start3A_29] : memref<125x80xi32, #tpu.memory_space<vmem>> -> memref<1x80xi32, #tpu.memory_space<vmem>>
    %dma_start3A_31 = tpu.memref_squeeze %dma_start3A_30 : memref<1x80xi32, #tpu.memory_space<vmem>> -> memref<80xi32, #tpu.memory_space<vmem>>
    %dma_start3A_32 = arith.constant 0 : i32
    %dma_start3A_33 = arith.constant 0 : i32
    %dma_start3A_34 = tpu.memref_slice %arg4[%dma_start3A_32, %dma_start3A_33] : memref<10000x128xf32, #tpu.memory_space<hbm>> -> memref<10000x128xf32, #tpu.memory_space<hbm>>
    tpu.enqueue_indirect_dma source(%dma_start3A_34 : memref<10000x128xf32, #tpu.memory_space<hbm>>) target(%arg10 : memref<80x128xf32, #tpu.memory_space<vmem>>) offsets(%dma_start3A_31 : memref<80xi32, #tpu.memory_space<vmem>>) semaphore(%arg13 : memref<!tpu.dma_semaphore, #tpu.memory_space<semaphore_mem>>)
    %barrier3A = arith.constant 0 : index
    tpu.barrier barrier_id(%barrier3A)
    %scan3A_35 = arith.constant 0 : i32
    %scan3A_36 = arith.constant 41 : i32
    %scan3A_37 = arith.addi %scan3A_35, %scan3A_36 : i32
    %scan3A_38 = arith.constant 1 : i32
    scf.for %scan3A_96 = %scan3A_35 to %scan3A_37 step %scan3A_38  : i32 {
      %mul3A_97 = arith.constant 1 : i32
      %mul3A_98 = arith.muli %scan3A_96, %mul3A_97 : i32
      %add3A_99 = arith.constant 0 : i32
      %add3A_100 = arith.addi %add3A_99, %mul3A_98 : i32
      %mul3A_101 = arith.constant 3 : i32
      %mul3A_102 = arith.muli %mul3A_101, %add3A_100 : i32
      %add3A_103 = arith.constant 0 : i32
      %add3A_104 = arith.addi %mul3A_102, %add3A_103 : i32
      %dma_wait3A_105 = arith.constant 0 : i32
      %dma_wait3A_106 = tpu.memref_slice %arg7[%add3A_104, %dma_wait3A_105] : memref<125x80xi32, #tpu.memory_space<vmem>> -> memref<1x80xi32, #tpu.memory_space<vmem>>
      %dma_wait3A_107 = tpu.memref_squeeze %dma_wait3A_106 : memref<1x80xi32, #tpu.memory_space<vmem>> -> memref<80xi32, #tpu.memory_space<vmem>>
      %dma_wait3A_108 = arith.constant 0 : i32
      %dma_wait3A_109 = arith.constant 0 : i32
      %dma_wait3A_110 = tpu.memref_slice %arg4[%dma_wait3A_108, %dma_wait3A_109] : memref<10000x128xf32, #tpu.memory_space<hbm>> -> memref<10000x128xf32, #tpu.memory_space<hbm>>
      tpu.wait_indirect_dma semaphore(%arg12 : memref<!tpu.dma_semaphore, #tpu.memory_space<semaphore_mem>>) src(%dma_wait3A_110 : memref<10000x128xf32, #tpu.memory_space<hbm>>) dst(%arg9 : memref<80x128xf32, #tpu.memory_space<vmem>>)
      %ge3A = arith.constant 1 : i32
      %ge3A_111 = arith.cmpi sge, %add3A_104, %ge3A : i32
      %convert_element_type3A = arith.extui %ge3A_111 : i1 to i32
      %cond3A = arith.constant 0 : i32
      %cond3A_112 = arith.cmpi ne, %convert_element_type3A, %cond3A : i32
      scf.if %cond3A_112 {
        %sub3A = arith.constant 1 : i32
        %sub3A_185 = arith.subi %add3A_104, %sub3A : i32
        %dma_wait3A_186 = arith.constant 0 : i32
        %dma_wait3A_187 = tpu.memref_slice %arg8[%sub3A_185, %dma_wait3A_186] : memref<125x80xi32, #tpu.memory_space<vmem>> -> memref<1x80xi32, #tpu.memory_space<vmem>>
        %dma_wait3A_188 = tpu.memref_squeeze %dma_wait3A_187 : memref<1x80xi32, #tpu.memory_space<vmem>> -> memref<80xi32, #tpu.memory_space<vmem>>
        %dma_wait3A_189 = arith.constant 0 : i32
        %dma_wait3A_190 = arith.constant 0 : i32
        %dma_wait3A_191 = tpu.memref_slice %arg6[%dma_wait3A_189, %dma_wait3A_190] : memref<10016x128xf32, #tpu.memory_space<vmem_shared>> -> memref<10016x128xf32, #tpu.memory_space<vmem_shared>>
        tpu.wait_indirect_dma semaphore(%arg17 : memref<!tpu.dma_semaphore, #tpu.memory_space<semaphore_mem>>) src(%arg11 : memref<80x128xf32, #tpu.memory_space<vmem>>) dst(%dma_wait3A_191 : memref<10016x128xf32, #tpu.memory_space<vmem_shared>>)
      } else {
      }
      %add3A_113 = arith.constant 2 : i32
      %add3A_114 = arith.addi %add3A_104, %add3A_113 : i32
      %dma_start3A_115 = arith.constant 0 : i32
      %dma_start3A_116 = tpu.memref_slice %arg7[%add3A_114, %dma_start3A_115] : memref<125x80xi32, #tpu.memory_space<vmem>> -> memref<1x80xi32, #tpu.memory_space<vmem>>
      %dma_start3A_117 = tpu.memref_squeeze %dma_start3A_116 : memref<1x80xi32, #tpu.memory_space<vmem>> -> memref<80xi32, #tpu.memory_space<vmem>>
      %dma_start3A_118 = arith.constant 0 : i32
      %dma_start3A_119 = arith.constant 0 : i32
      %dma_start3A_120 = tpu.memref_slice %arg4[%dma_start3A_118, %dma_start3A_119] : memref<10000x128xf32, #tpu.memory_space<hbm>> -> memref<10000x128xf32, #tpu.memory_space<hbm>>
      tpu.enqueue_indirect_dma source(%dma_start3A_120 : memref<10000x128xf32, #tpu.memory_space<hbm>>) target(%arg11 : memref<80x128xf32, #tpu.memory_space<vmem>>) offsets(%dma_start3A_117 : memref<80xi32, #tpu.memory_space<vmem>>) semaphore(%arg14 : memref<!tpu.dma_semaphore, #tpu.memory_space<semaphore_mem>>)
      %dma_start3A_121 = arith.constant 0 : i32
      %dma_start3A_122 = tpu.memref_slice %arg8[%add3A_104, %dma_start3A_121] : memref<125x80xi32, #tpu.memory_space<vmem>> -> memref<1x80xi32, #tpu.memory_space<vmem>>
      %dma_start3A_123 = tpu.memref_squeeze %dma_start3A_122 : memref<1x80xi32, #tpu.memory_space<vmem>> -> memref<80xi32, #tpu.memory_space<vmem>>
      %dma_start3A_124 = arith.constant 0 : i32
      %dma_start3A_125 = arith.constant 0 : i32
      %dma_start3A_126 = tpu.memref_slice %arg6[%dma_start3A_124, %dma_start3A_125] : memref<10016x128xf32, #tpu.memory_space<vmem_shared>> -> memref<10016x128xf32, #tpu.memory_space<vmem_shared>>
      tpu.enqueue_indirect_dma source(%arg9 : memref<80x128xf32, #tpu.memory_space<vmem>>) target(%dma_start3A_126 : memref<10016x128xf32, #tpu.memory_space<vmem_shared>>) offsets(%dma_start3A_123 : memref<80xi32, #tpu.memory_space<vmem>>) semaphore(%arg15 : memref<!tpu.dma_semaphore, #tpu.memory_space<semaphore_mem>>) {add = true}
      %mul3A_127 = arith.constant 3 : i32
      %mul3A_128 = arith.muli %mul3A_127, %add3A_100 : i32
      %add3A_129 = arith.constant 1 : i32
      %add3A_130 = arith.addi %mul3A_128, %add3A_129 : i32
      %dma_wait3A_131 = arith.constant 0 : i32
      %dma_wait3A_132 = tpu.memref_slice %arg7[%add3A_130, %dma_wait3A_131] : memref<125x80xi32, #tpu.memory_space<vmem>> -> memref<1x80xi32, #tpu.memory_space<vmem>>
      %dma_wait3A_133 = tpu.memref_squeeze %dma_wait3A_132 : memref<1x80xi32, #tpu.memory_space<vmem>> -> memref<80xi32, #tpu.memory_space<vmem>>
      %dma_wait3A_134 = arith.constant 0 : i32
      %dma_wait3A_135 = arith.constant 0 : i32
      %dma_wait3A_136 = tpu.memref_slice %arg4[%dma_wait3A_134, %dma_wait3A_135] : memref<10000x128xf32, #tpu.memory_space<hbm>> -> memref<10000x128xf32, #tpu.memory_space<hbm>>
      tpu.wait_indirect_dma semaphore(%arg13 : memref<!tpu.dma_semaphore, #tpu.memory_space<semaphore_mem>>) src(%dma_wait3A_136 : memref<10000x128xf32, #tpu.memory_space<hbm>>) dst(%arg10 : memref<80x128xf32, #tpu.memory_space<vmem>>)
      %ge3A_137 = arith.constant 1 : i32
      %ge3A_138 = arith.cmpi sge, %add3A_130, %ge3A_137 : i32
      %convert_element_type3A_139 = arith.extui %ge3A_138 : i1 to i32
      %cond3A_140 = arith.constant 0 : i32
      %cond3A_141 = arith.cmpi ne, %convert_element_type3A_139, %cond3A_140 : i32
      scf.if %cond3A_141 {
        %sub3A = arith.constant 1 : i32
        %sub3A_185 = arith.subi %add3A_130, %sub3A : i32
        %dma_wait3A_186 = arith.constant 0 : i32
        %dma_wait3A_187 = tpu.memref_slice %arg8[%sub3A_185, %dma_wait3A_186] : memref<125x80xi32, #tpu.memory_space<vmem>> -> memref<1x80xi32, #tpu.memory_space<vmem>>
        %dma_wait3A_188 = tpu.memref_squeeze %dma_wait3A_187 : memref<1x80xi32, #tpu.memory_space<vmem>> -> memref<80xi32, #tpu.memory_space<vmem>>
        %dma_wait3A_189 = arith.constant 0 : i32
        %dma_wait3A_190 = arith.constant 0 : i32
        %dma_wait3A_191 = tpu.memref_slice %arg6[%dma_wait3A_189, %dma_wait3A_190] : memref<10016x128xf32, #tpu.memory_space<vmem_shared>> -> memref<10016x128xf32, #tpu.memory_space<vmem_shared>>
        tpu.wait_indirect_dma semaphore(%arg15 : memref<!tpu.dma_semaphore, #tpu.memory_space<semaphore_mem>>) src(%arg9 : memref<80x128xf32, #tpu.memory_space<vmem>>) dst(%dma_wait3A_191 : memref<10016x128xf32, #tpu.memory_space<vmem_shared>>)
      } else {
      }
      %add3A_142 = arith.constant 2 : i32
      %add3A_143 = arith.addi %add3A_130, %add3A_142 : i32
      %dma_start3A_144 = arith.constant 0 : i32
      %dma_start3A_145 = tpu.memref_slice %arg7[%add3A_143, %dma_start3A_144] : memref<125x80xi32, #tpu.memory_space<vmem>> -> memref<1x80xi32, #tpu.memory_space<vmem>>
      %dma_start3A_146 = tpu.memref_squeeze %dma_start3A_145 : memref<1x80xi32, #tpu.memory_space<vmem>> -> memref<80xi32, #tpu.memory_space<vmem>>
      %dma_start3A_147 = arith.constant 0 : i32
      %dma_start3A_148 = arith.constant 0 : i32
      %dma_start3A_149 = tpu.memref_slice %arg4[%dma_start3A_147, %dma_start3A_148] : memref<10000x128xf32, #tpu.memory_space<hbm>> -> memref<10000x128xf32, #tpu.memory_space<hbm>>
      tpu.enqueue_indirect_dma source(%dma_start3A_149 : memref<10000x128xf32, #tpu.memory_space<hbm>>) target(%arg9 : memref<80x128xf32, #tpu.memory_space<vmem>>) offsets(%dma_start3A_146 : memref<80xi32, #tpu.memory_space<vmem>>) semaphore(%arg12 : memref<!tpu.dma_semaphore, #tpu.memory_space<semaphore_mem>>)
      %dma_start3A_150 = arith.constant 0 : i32
      %dma_start3A_151 = tpu.memref_slice %arg8[%add3A_130, %dma_start3A_150] : memref<125x80xi32, #tpu.memory_space<vmem>> -> memref<1x80xi32, #tpu.memory_space<vmem>>
      %dma_start3A_152 = tpu.memref_squeeze %dma_start3A_151 : memref<1x80xi32, #tpu.memory_space<vmem>> -> memref<80xi32, #tpu.memory_space<vmem>>
      %dma_start3A_153 = arith.constant 0 : i32
      %dma_start3A_154 = arith.constant 0 : i32
      %dma_start3A_155 = tpu.memref_slice %arg6[%dma_start3A_153, %dma_start3A_154] : memref<10016x128xf32, #tpu.memory_space<vmem_shared>> -> memref<10016x128xf32, #tpu.memory_space<vmem_shared>>
      tpu.enqueue_indirect_dma source(%arg10 : memref<80x128xf32, #tpu.memory_space<vmem>>) target(%dma_start3A_155 : memref<10016x128xf32, #tpu.memory_space<vmem_shared>>) offsets(%dma_start3A_152 : memref<80xi32, #tpu.memory_space<vmem>>) semaphore(%arg16 : memref<!tpu.dma_semaphore, #tpu.memory_space<semaphore_mem>>) {add = true}
      %mul3A_156 = arith.constant 3 : i32
      %mul3A_157 = arith.muli %mul3A_156, %add3A_100 : i32
      %add3A_158 = arith.constant 2 : i32
      %add3A_159 = arith.addi %mul3A_157, %add3A_158 : i32
      %dma_wait3A_160 = arith.constant 0 : i32
      %dma_wait3A_161 = tpu.memref_slice %arg7[%add3A_159, %dma_wait3A_160] : memref<125x80xi32, #tpu.memory_space<vmem>> -> memref<1x80xi32, #tpu.memory_space<vmem>>
      %dma_wait3A_162 = tpu.memref_squeeze %dma_wait3A_161 : memref<1x80xi32, #tpu.memory_space<vmem>> -> memref<80xi32, #tpu.memory_space<vmem>>
      %dma_wait3A_163 = arith.constant 0 : i32
      %dma_wait3A_164 = arith.constant 0 : i32
      %dma_wait3A_165 = tpu.memref_slice %arg4[%dma_wait3A_163, %dma_wait3A_164] : memref<10000x128xf32, #tpu.memory_space<hbm>> -> memref<10000x128xf32, #tpu.memory_space<hbm>>
      tpu.wait_indirect_dma semaphore(%arg14 : memref<!tpu.dma_semaphore, #tpu.memory_space<semaphore_mem>>) src(%dma_wait3A_165 : memref<10000x128xf32, #tpu.memory_space<hbm>>) dst(%arg11 : memref<80x128xf32, #tpu.memory_space<vmem>>)
      %ge3A_166 = arith.constant 1 : i32
      %ge3A_167 = arith.cmpi sge, %add3A_159, %ge3A_166 : i32
      %convert_element_type3A_168 = arith.extui %ge3A_167 : i1 to i32
      %cond3A_169 = arith.constant 0 : i32
      %cond3A_170 = arith.cmpi ne, %convert_element_type3A_168, %cond3A_169 : i32
      scf.if %cond3A_170 {
        %sub3A = arith.constant 1 : i32
        %sub3A_185 = arith.subi %add3A_159, %sub3A : i32
        %dma_wait3A_186 = arith.constant 0 : i32
        %dma_wait3A_187 = tpu.memref_slice %arg8[%sub3A_185, %dma_wait3A_186] : memref<125x80xi32, #tpu.memory_space<vmem>> -> memref<1x80xi32, #tpu.memory_space<vmem>>
        %dma_wait3A_188 = tpu.memref_squeeze %dma_wait3A_187 : memref<1x80xi32, #tpu.memory_space<vmem>> -> memref<80xi32, #tpu.memory_space<vmem>>
        %dma_wait3A_189 = arith.constant 0 : i32
        %dma_wait3A_190 = arith.constant 0 : i32
        %dma_wait3A_191 = tpu.memref_slice %arg6[%dma_wait3A_189, %dma_wait3A_190] : memref<10016x128xf32, #tpu.memory_space<vmem_shared>> -> memref<10016x128xf32, #tpu.memory_space<vmem_shared>>
        tpu.wait_indirect_dma semaphore(%arg16 : memref<!tpu.dma_semaphore, #tpu.memory_space<semaphore_mem>>) src(%arg10 : memref<80x128xf32, #tpu.memory_space<vmem>>) dst(%dma_wait3A_191 : memref<10016x128xf32, #tpu.memory_space<vmem_shared>>)
      } else {
      }
      %add3A_171 = arith.constant 2 : i32
      %add3A_172 = arith.addi %add3A_159, %add3A_171 : i32
      %dma_start3A_173 = arith.constant 0 : i32
      %dma_start3A_174 = tpu.memref_slice %arg7[%add3A_172, %dma_start3A_173] : memref<125x80xi32, #tpu.memory_space<vmem>> -> memref<1x80xi32, #tpu.memory_space<vmem>>
      %dma_start3A_175 = tpu.memref_squeeze %dma_start3A_174 : memref<1x80xi32, #tpu.memory_space<vmem>> -> memref<80xi32, #tpu.memory_space<vmem>>
      %dma_start3A_176 = arith.constant 0 : i32
      %dma_start3A_177 = arith.constant 0 : i32
      %dma_start3A_178 = tpu.memref_slice %arg4[%dma_start3A_176, %dma_start3A_177] : memref<10000x128xf32, #tpu.memory_space<hbm>> -> memref<10000x128xf32, #tpu.memory_space<hbm>>
      tpu.enqueue_indirect_dma source(%dma_start3A_178 : memref<10000x128xf32, #tpu.memory_space<hbm>>) target(%arg10 : memref<80x128xf32, #tpu.memory_space<vmem>>) offsets(%dma_start3A_175 : memref<80xi32, #tpu.memory_space<vmem>>) semaphore(%arg13 : memref<!tpu.dma_semaphore, #tpu.memory_space<semaphore_mem>>)
      %dma_start3A_179 = arith.constant 0 : i32
      %dma_start3A_180 = tpu.memref_slice %arg8[%add3A_159, %dma_start3A_179] : memref<125x80xi32, #tpu.memory_space<vmem>> -> memref<1x80xi32, #tpu.memory_space<vmem>>
      %dma_start3A_181 = tpu.memref_squeeze %dma_start3A_180 : memref<1x80xi32, #tpu.memory_space<vmem>> -> memref<80xi32, #tpu.memory_space<vmem>>
      %dma_start3A_182 = arith.constant 0 : i32
      %dma_start3A_183 = arith.constant 0 : i32
      %dma_start3A_184 = tpu.memref_slice %arg6[%dma_start3A_182, %dma_start3A_183] : memref<10016x128xf32, #tpu.memory_space<vmem_shared>> -> memref<10016x128xf32, #tpu.memory_space<vmem_shared>>
      tpu.enqueue_indirect_dma source(%arg11 : memref<80x128xf32, #tpu.memory_space<vmem>>) target(%dma_start3A_184 : memref<10016x128xf32, #tpu.memory_space<vmem_shared>>) offsets(%dma_start3A_181 : memref<80xi32, #tpu.memory_space<vmem>>) semaphore(%arg17 : memref<!tpu.dma_semaphore, #tpu.memory_space<semaphore_mem>>) {add = true}
    }
    %scan3A_39 = arith.constant 41 : i32
    %dma_wait3A = arith.constant 123 : i32
    %dma_wait3A_40 = arith.constant 0 : i32
    %dma_wait3A_41 = tpu.memref_slice %arg7[%dma_wait3A, %dma_wait3A_40] : memref<125x80xi32, #tpu.memory_space<vmem>> -> memref<1x80xi32, #tpu.memory_space<vmem>>
    %dma_wait3A_42 = tpu.memref_squeeze %dma_wait3A_41 : memref<1x80xi32, #tpu.memory_space<vmem>> -> memref<80xi32, #tpu.memory_space<vmem>>
    %dma_wait3A_43 = arith.constant 0 : i32
    %dma_wait3A_44 = arith.constant 0 : i32
    %dma_wait3A_45 = tpu.memref_slice %arg4[%dma_wait3A_43, %dma_wait3A_44] : memref<10000x128xf32, #tpu.memory_space<hbm>> -> memref<10000x128xf32, #tpu.memory_space<hbm>>
    tpu.wait_indirect_dma semaphore(%arg12 : memref<!tpu.dma_semaphore, #tpu.memory_space<semaphore_mem>>) src(%dma_wait3A_45 : memref<10000x128xf32, #tpu.memory_space<hbm>>) dst(%arg9 : memref<80x128xf32, #tpu.memory_space<vmem>>)
    %dma_wait3A_46 = arith.constant 122 : i32
    %dma_wait3A_47 = arith.constant 0 : i32
    %dma_wait3A_48 = tpu.memref_slice %arg8[%dma_wait3A_46, %dma_wait3A_47] : memref<125x80xi32, #tpu.memory_space<vmem>> -> memref<1x80xi32, #tpu.memory_space<vmem>>
    %dma_wait3A_49 = tpu.memref_squeeze %dma_wait3A_48 : memref<1x80xi32, #tpu.memory_space<vmem>> -> memref<80xi32, #tpu.memory_space<vmem>>
    %dma_wait3A_50 = arith.constant 0 : i32
    %dma_wait3A_51 = arith.constant 0 : i32
    %dma_wait3A_52 = tpu.memref_slice %arg6[%dma_wait3A_50, %dma_wait3A_51] : memref<10016x128xf32, #tpu.memory_space<vmem_shared>> -> memref<10016x128xf32, #tpu.memory_space<vmem_shared>>
    tpu.wait_indirect_dma semaphore(%arg17 : memref<!tpu.dma_semaphore, #tpu.memory_space<semaphore_mem>>) src(%arg11 : memref<80x128xf32, #tpu.memory_space<vmem>>) dst(%dma_wait3A_52 : memref<10016x128xf32, #tpu.memory_space<vmem_shared>>)
    %dma_start3A_53 = arith.constant 123 : i32
    %dma_start3A_54 = arith.constant 0 : i32
    %dma_start3A_55 = tpu.memref_slice %arg8[%dma_start3A_53, %dma_start3A_54] : memref<125x80xi32, #tpu.memory_space<vmem>> -> memref<1x80xi32, #tpu.memory_space<vmem>>
    %dma_start3A_56 = tpu.memref_squeeze %dma_start3A_55 : memref<1x80xi32, #tpu.memory_space<vmem>> -> memref<80xi32, #tpu.memory_space<vmem>>
    %dma_start3A_57 = arith.constant 0 : i32
    %dma_start3A_58 = arith.constant 0 : i32
    %dma_start3A_59 = tpu.memref_slice %arg6[%dma_start3A_57, %dma_start3A_58] : memref<10016x128xf32, #tpu.memory_space<vmem_shared>> -> memref<10016x128xf32, #tpu.memory_space<vmem_shared>>
    tpu.enqueue_indirect_dma source(%arg9 : memref<80x128xf32, #tpu.memory_space<vmem>>) target(%dma_start3A_59 : memref<10016x128xf32, #tpu.memory_space<vmem_shared>>) offsets(%dma_start3A_56 : memref<80xi32, #tpu.memory_space<vmem>>) semaphore(%arg15 : memref<!tpu.dma_semaphore, #tpu.memory_space<semaphore_mem>>) {add = true}
    %dma_wait3A_60 = arith.constant 124 : i32
    %dma_wait3A_61 = arith.constant 0 : i32
    %dma_wait3A_62 = tpu.memref_slice %arg7[%dma_wait3A_60, %dma_wait3A_61] : memref<125x80xi32, #tpu.memory_space<vmem>> -> memref<1x80xi32, #tpu.memory_space<vmem>>
    %dma_wait3A_63 = tpu.memref_squeeze %dma_wait3A_62 : memref<1x80xi32, #tpu.memory_space<vmem>> -> memref<80xi32, #tpu.memory_space<vmem>>
    %dma_wait3A_64 = arith.constant 0 : i32
    %dma_wait3A_65 = arith.constant 0 : i32
    %dma_wait3A_66 = tpu.memref_slice %arg4[%dma_wait3A_64, %dma_wait3A_65] : memref<10000x128xf32, #tpu.memory_space<hbm>> -> memref<10000x128xf32, #tpu.memory_space<hbm>>
    tpu.wait_indirect_dma semaphore(%arg13 : memref<!tpu.dma_semaphore, #tpu.memory_space<semaphore_mem>>) src(%dma_wait3A_66 : memref<10000x128xf32, #tpu.memory_space<hbm>>) dst(%arg10 : memref<80x128xf32, #tpu.memory_space<vmem>>)
    %dma_wait3A_67 = arith.constant 123 : i32
    %dma_wait3A_68 = arith.constant 0 : i32
    %dma_wait3A_69 = tpu.memref_slice %arg8[%dma_wait3A_67, %dma_wait3A_68] : memref<125x80xi32, #tpu.memory_space<vmem>> -> memref<1x80xi32, #tpu.memory_space<vmem>>
    %dma_wait3A_70 = tpu.memref_squeeze %dma_wait3A_69 : memref<1x80xi32, #tpu.memory_space<vmem>> -> memref<80xi32, #tpu.memory_space<vmem>>
    %dma_wait3A_71 = arith.constant 0 : i32
    %dma_wait3A_72 = arith.constant 0 : i32
    %dma_wait3A_73 = tpu.memref_slice %arg6[%dma_wait3A_71, %dma_wait3A_72] : memref<10016x128xf32, #tpu.memory_space<vmem_shared>> -> memref<10016x128xf32, #tpu.memory_space<vmem_shared>>
    tpu.wait_indirect_dma semaphore(%arg15 : memref<!tpu.dma_semaphore, #tpu.memory_space<semaphore_mem>>) src(%arg9 : memref<80x128xf32, #tpu.memory_space<vmem>>) dst(%dma_wait3A_73 : memref<10016x128xf32, #tpu.memory_space<vmem_shared>>)
    %dma_start3A_74 = arith.constant 124 : i32
    %dma_start3A_75 = arith.constant 0 : i32
    %dma_start3A_76 = tpu.memref_slice %arg8[%dma_start3A_74, %dma_start3A_75] : memref<125x80xi32, #tpu.memory_space<vmem>> -> memref<1x80xi32, #tpu.memory_space<vmem>>
    %dma_start3A_77 = tpu.memref_squeeze %dma_start3A_76 : memref<1x80xi32, #tpu.memory_space<vmem>> -> memref<80xi32, #tpu.memory_space<vmem>>
    %dma_start3A_78 = arith.constant 0 : i32
    %dma_start3A_79 = arith.constant 0 : i32
    %dma_start3A_80 = tpu.memref_slice %arg6[%dma_start3A_78, %dma_start3A_79] : memref<10016x128xf32, #tpu.memory_space<vmem_shared>> -> memref<10016x128xf32, #tpu.memory_space<vmem_shared>>
    tpu.enqueue_indirect_dma source(%arg10 : memref<80x128xf32, #tpu.memory_space<vmem>>) target(%dma_start3A_80 : memref<10016x128xf32, #tpu.memory_space<vmem_shared>>) offsets(%dma_start3A_77 : memref<80xi32, #tpu.memory_space<vmem>>) semaphore(%arg16 : memref<!tpu.dma_semaphore, #tpu.memory_space<semaphore_mem>>) {add = true}
    %dma_wait3A_81 = arith.constant 124 : i32
    %dma_wait3A_82 = arith.constant 0 : i32
    %dma_wait3A_83 = tpu.memref_slice %arg8[%dma_wait3A_81, %dma_wait3A_82] : memref<125x80xi32, #tpu.memory_space<vmem>> -> memref<1x80xi32, #tpu.memory_space<vmem>>
    %dma_wait3A_84 = tpu.memref_squeeze %dma_wait3A_83 : memref<1x80xi32, #tpu.memory_space<vmem>> -> memref<80xi32, #tpu.memory_space<vmem>>
    %dma_wait3A_85 = arith.constant 0 : i32
    %dma_wait3A_86 = arith.constant 0 : i32
    %dma_wait3A_87 = tpu.memref_slice %arg6[%dma_wait3A_85, %dma_wait3A_86] : memref<10016x128xf32, #tpu.memory_space<vmem_shared>> -> memref<10016x128xf32, #tpu.memory_space<vmem_shared>>
    tpu.wait_indirect_dma semaphore(%arg16 : memref<!tpu.dma_semaphore, #tpu.memory_space<semaphore_mem>>) src(%arg10 : memref<80x128xf32, #tpu.memory_space<vmem>>) dst(%dma_wait3A_87 : memref<10016x128xf32, #tpu.memory_space<vmem_shared>>)
    %barrier3A_88 = arith.constant 0 : index
    tpu.barrier barrier_id(%barrier3A_88)
    %scan3A_89 = arith.constant 0 : i32
    %scan3A_90 = arith.constant 7 : i32
    %scan3A_91 = arith.addi %scan3A_89, %scan3A_90 : i32
    %scan3A_92 = arith.constant 1 : i32
    scf.for %scan3A_96 = %scan3A_89 to %scan3A_91 step %scan3A_92  : i32 {
      %mul3A_97 = arith.constant 1 : i32
      %mul3A_98 = arith.muli %scan3A_96, %mul3A_97 : i32
      %add3A_99 = arith.constant 0 : i32
      %add3A_100 = arith.addi %add3A_99, %mul3A_98 : i32
      %mul3A_101 = arith.constant 80 : i32
      %mul3A_102 = arith.muli %add3A_100, %mul3A_101 : i32
      %add3A_103 = arith.addi %mul3A_14, %mul3A_102 : i32
      "tpu.region"() ({
        %run_scoped3A = tpu.sem_alloc : memref<!tpu.dma_semaphore, #tpu.memory_space<semaphore_mem>>
        %dma_start3A_104 = arith.constant 0 : i32
        %dma_start3A_105 = tpu.memref_slice %arg5[%arg0, %add3A_103, %dma_start3A_104] : memref<2x10000x128xf32, #tpu.memory_space<hbm>> -> memref<1x80x128xf32, #tpu.memory_space<hbm>>
        %dma_start3A_106 = tpu.memref_squeeze %dma_start3A_105 : memref<1x80x128xf32, #tpu.memory_space<hbm>> -> memref<80x128xf32, #tpu.memory_space<hbm>>
        %dma_start3A_107 = arith.constant 0 : i32
        %dma_start3A_108 = tpu.memref_slice %arg6[%add3A_103, %dma_start3A_107] : memref<10016x128xf32, #tpu.memory_space<vmem_shared>> -> memref<80x128xf32, #tpu.memory_space<vmem_shared>>
        tpu.enqueue_dma source(%dma_start3A_108 : memref<80x128xf32, #tpu.memory_space<vmem_shared>>) target(%dma_start3A_106 : memref<80x128xf32, #tpu.memory_space<hbm>>) target_semaphore(%run_scoped3A : memref<!tpu.dma_semaphore, #tpu.memory_space<semaphore_mem>>)
        %dma_wait3A_109 = arith.constant 0 : i32
        %dma_wait3A_110 = tpu.memref_slice %arg5[%arg0, %add3A_103, %dma_wait3A_109] : memref<2x10000x128xf32, #tpu.memory_space<hbm>> -> memref<1x80x128xf32, #tpu.memory_space<hbm>>
        %dma_wait3A_111 = tpu.memref_squeeze %dma_wait3A_110 : memref<1x80x128xf32, #tpu.memory_space<hbm>> -> memref<80x128xf32, #tpu.memory_space<hbm>>
        %dma_wait3A_112 = arith.constant 0 : i32
        %dma_wait3A_113 = tpu.memref_slice %arg6[%add3A_103, %dma_wait3A_112] : memref<10016x128xf32, #tpu.memory_space<vmem_shared>> -> memref<80x128xf32, #tpu.memory_space<vmem_shared>>
        tpu.wait_dma2 semaphore(%run_scoped3A : memref<!tpu.dma_semaphore, #tpu.memory_space<semaphore_mem>>) src(%dma_wait3A_113 : memref<80x128xf32, #tpu.memory_space<vmem_shared>>) dst(%dma_wait3A_111 : memref<80x128xf32, #tpu.memory_space<hbm>>)
        tpu.yield
      }) : () -> ()
    }
    %scan3A_93 = arith.constant 7 : i32
    %add3A_94 = arith.constant 560 : i32
    %add3A_95 = arith.addi %mul3A_14, %add3A_94 : i32
    "tpu.region"() ({
      %run_scoped3A = tpu.sem_alloc : memref<!tpu.dma_semaphore, #tpu.memory_space<semaphore_mem>>
      %dma_start3A_96 = arith.constant 0 : i32
      %dma_start3A_97 = tpu.memref_slice %arg5[%arg0, %add3A_95, %dma_start3A_96] : memref<2x10000x128xf32, #tpu.memory_space<hbm>> -> memref<1x65x128xf32, #tpu.memory_space<hbm>>
      %dma_start3A_98 = tpu.memref_squeeze %dma_start3A_97 : memref<1x65x128xf32, #tpu.memory_space<hbm>> -> memref<65x128xf32, #tpu.memory_space<hbm>>
      %dma_start3A_99 = arith.constant 0 : i32
      %dma_start3A_100 = tpu.memref_slice %arg6[%add3A_95, %dma_start3A_99] : memref<10016x128xf32, #tpu.memory_space<vmem_shared>> -> memref<65x128xf32, #tpu.memory_space<vmem_shared>>
      tpu.enqueue_dma source(%dma_start3A_100 : memref<65x128xf32, #tpu.memory_space<vmem_shared>>) target(%dma_start3A_98 : memref<65x128xf32, #tpu.memory_space<hbm>>) target_semaphore(%run_scoped3A : memref<!tpu.dma_semaphore, #tpu.memory_space<semaphore_mem>>)
      %dma_wait3A_101 = arith.constant 0 : i32
      %dma_wait3A_102 = tpu.memref_slice %arg5[%arg0, %add3A_95, %dma_wait3A_101] : memref<2x10000x128xf32, #tpu.memory_space<hbm>> -> memref<1x65x128xf32, #tpu.memory_space<hbm>>
      %dma_wait3A_103 = tpu.memref_squeeze %dma_wait3A_102 : memref<1x65x128xf32, #tpu.memory_space<hbm>> -> memref<65x128xf32, #tpu.memory_space<hbm>>
      %dma_wait3A_104 = arith.constant 0 : i32
      %dma_wait3A_105 = tpu.memref_slice %arg6[%add3A_95, %dma_wait3A_104] : memref<10016x128xf32, #tpu.memory_space<vmem_shared>> -> memref<65x128xf32, #tpu.memory_space<vmem_shared>>
      tpu.wait_dma2 semaphore(%run_scoped3A : memref<!tpu.dma_semaphore, #tpu.memory_space<semaphore_mem>>) src(%dma_wait3A_105 : memref<65x128xf32, #tpu.memory_space<vmem_shared>>) dst(%dma_wait3A_103 : memref<65x128xf32, #tpu.memory_space<hbm>>)
      tpu.yield
    }) : () -> ()
    return
  }
}

#map = affine_map<(d0, d1) -> (0, 0, 0)>
module attributes {stable_mosaic.version = 14 : i64} {
  func.func @_deg_kernel(%arg0: i32, %arg1: i32, %arg2: memref<32x125x80xi32, #tpu.memory_space<hbm>>, %arg3: memref<32x125x80xi32, #tpu.memory_space<hbm>>, %arg4: memref<5x32x2000xf32, #tpu.memory_space<hbm>>, %arg5: memref<125x80xi32, #tpu.memory_space<vmem>>, %arg6: memref<125x80xi32, #tpu.memory_space<vmem>>, %arg7: memref<10000xf32, #tpu.memory_space<vmem>>) attributes {dimension_semantics = [#tpu.dimension_semantics<core_parallel>, #tpu.dimension_semantics<subcore_parallel>], iteration_bounds = array<i64: 2, 16>, scalar_prefetch = 0 : i64, scratch_operands = 3 : i64, tpu.core_type = #tpu.core_type<sc_vector_subcore>, window_params = [{transform_indices = #map}, {transform_indices = #map}, {transform_indices = #map}]} {
    %mul3A = arith.constant 2 : i32
    %mul3A_0 = arith.muli %arg1, %mul3A : i32
    %add3A = arith.addi %mul3A_0, %arg0 : i32
    "tpu.region"() ({
      %run_scoped3A = tpu.sem_alloc : memref<!tpu.dma_semaphore, #tpu.memory_space<semaphore_mem>>
      %dma_start3A = arith.constant 0 : i32
      %dma_start3A_18 = arith.constant 0 : i32
      %dma_start3A_19 = tpu.memref_slice %arg2[%add3A, %dma_start3A, %dma_start3A_18] : memref<32x125x80xi32, #tpu.memory_space<hbm>> -> memref<1x125x80xi32, #tpu.memory_space<hbm>>
      %dma_start3A_20 = tpu.memref_squeeze %dma_start3A_19 : memref<1x125x80xi32, #tpu.memory_space<hbm>> -> memref<125x80xi32, #tpu.memory_space<hbm>>
      %dma_start3A_21 = arith.constant 0 : i32
      %dma_start3A_22 = arith.constant 0 : i32
      %dma_start3A_23 = tpu.memref_slice %arg2[%add3A, %dma_start3A_21, %dma_start3A_22] : memref<32x125x80xi32, #tpu.memory_space<hbm>> -> memref<1x125x80xi32, #tpu.memory_space<hbm>>
      %dma_start3A_24 = tpu.memref_squeeze %dma_start3A_23 : memref<1x125x80xi32, #tpu.memory_space<hbm>> -> memref<125x80xi32, #tpu.memory_space<hbm>>
      tpu.enqueue_dma source(%dma_start3A_24 : memref<125x80xi32, #tpu.memory_space<hbm>>) target(%arg5 : memref<125x80xi32, #tpu.memory_space<vmem>>) target_semaphore(%run_scoped3A : memref<!tpu.dma_semaphore, #tpu.memory_space<semaphore_mem>>)
      %dma_wait3A = arith.constant 0 : i32
      %dma_wait3A_25 = arith.constant 0 : i32
      %dma_wait3A_26 = tpu.memref_slice %arg2[%add3A, %dma_wait3A, %dma_wait3A_25] : memref<32x125x80xi32, #tpu.memory_space<hbm>> -> memref<1x125x80xi32, #tpu.memory_space<hbm>>
      %dma_wait3A_27 = tpu.memref_squeeze %dma_wait3A_26 : memref<1x125x80xi32, #tpu.memory_space<hbm>> -> memref<125x80xi32, #tpu.memory_space<hbm>>
      %dma_wait3A_28 = arith.constant 0 : i32
      %dma_wait3A_29 = arith.constant 0 : i32
      %dma_wait3A_30 = tpu.memref_slice %arg2[%add3A, %dma_wait3A_28, %dma_wait3A_29] : memref<32x125x80xi32, #tpu.memory_space<hbm>> -> memref<1x125x80xi32, #tpu.memory_space<hbm>>
      %dma_wait3A_31 = tpu.memref_squeeze %dma_wait3A_30 : memref<1x125x80xi32, #tpu.memory_space<hbm>> -> memref<125x80xi32, #tpu.memory_space<hbm>>
      tpu.wait_dma2 semaphore(%run_scoped3A : memref<!tpu.dma_semaphore, #tpu.memory_space<semaphore_mem>>) src(%dma_wait3A_31 : memref<125x80xi32, #tpu.memory_space<hbm>>) dst(%arg5 : memref<125x80xi32, #tpu.memory_space<vmem>>)
      tpu.yield
    }) : () -> ()
    "tpu.region"() ({
      %run_scoped3A = tpu.sem_alloc : memref<!tpu.dma_semaphore, #tpu.memory_space<semaphore_mem>>
      %dma_start3A = arith.constant 0 : i32
      %dma_start3A_18 = arith.constant 0 : i32
      %dma_start3A_19 = tpu.memref_slice %arg3[%add3A, %dma_start3A, %dma_start3A_18] : memref<32x125x80xi32, #tpu.memory_space<hbm>> -> memref<1x125x80xi32, #tpu.memory_space<hbm>>
      %dma_start3A_20 = tpu.memref_squeeze %dma_start3A_19 : memref<1x125x80xi32, #tpu.memory_space<hbm>> -> memref<125x80xi32, #tpu.memory_space<hbm>>
      %dma_start3A_21 = arith.constant 0 : i32
      %dma_start3A_22 = arith.constant 0 : i32
      %dma_start3A_23 = tpu.memref_slice %arg3[%add3A, %dma_start3A_21, %dma_start3A_22] : memref<32x125x80xi32, #tpu.memory_space<hbm>> -> memref<1x125x80xi32, #tpu.memory_space<hbm>>
      %dma_start3A_24 = tpu.memref_squeeze %dma_start3A_23 : memref<1x125x80xi32, #tpu.memory_space<hbm>> -> memref<125x80xi32, #tpu.memory_space<hbm>>
      tpu.enqueue_dma source(%dma_start3A_24 : memref<125x80xi32, #tpu.memory_space<hbm>>) target(%arg6 : memref<125x80xi32, #tpu.memory_space<vmem>>) target_semaphore(%run_scoped3A : memref<!tpu.dma_semaphore, #tpu.memory_space<semaphore_mem>>)
      %dma_wait3A = arith.constant 0 : i32
      %dma_wait3A_25 = arith.constant 0 : i32
      %dma_wait3A_26 = tpu.memref_slice %arg3[%add3A, %dma_wait3A, %dma_wait3A_25] : memref<32x125x80xi32, #tpu.memory_space<hbm>> -> memref<1x125x80xi32, #tpu.memory_space<hbm>>
      %dma_wait3A_27 = tpu.memref_squeeze %dma_wait3A_26 : memref<1x125x80xi32, #tpu.memory_space<hbm>> -> memref<125x80xi32, #tpu.memory_space<hbm>>
      %dma_wait3A_28 = arith.constant 0 : i32
      %dma_wait3A_29 = arith.constant 0 : i32
      %dma_wait3A_30 = tpu.memref_slice %arg3[%add3A, %dma_wait3A_28, %dma_wait3A_29] : memref<32x125x80xi32, #tpu.memory_space<hbm>> -> memref<1x125x80xi32, #tpu.memory_space<hbm>>
      %dma_wait3A_31 = tpu.memref_squeeze %dma_wait3A_30 : memref<1x125x80xi32, #tpu.memory_space<hbm>> -> memref<125x80xi32, #tpu.memory_space<hbm>>
      tpu.wait_dma2 semaphore(%run_scoped3A : memref<!tpu.dma_semaphore, #tpu.memory_space<semaphore_mem>>) src(%dma_wait3A_31 : memref<125x80xi32, #tpu.memory_space<hbm>>) dst(%arg6 : memref<125x80xi32, #tpu.memory_space<vmem>>)
      tpu.yield
    }) : () -> ()
    %broadcast_in_dim3A = arith.constant 0.000000e+00 : f32
    %broadcast_in_dim3A_1 = vector.broadcast %broadcast_in_dim3A : f32 to vector<16xf32>
    %scan3A = arith.constant 0 : i32
    %scan3A_2 = arith.constant 625 : i32
    %scan3A_3 = arith.addi %scan3A, %scan3A_2 : i32
    %scan3A_4 = arith.constant 1 : i32
    scf.for %scan3A_18 = %scan3A to %scan3A_3 step %scan3A_4  : i32 {
      %mul3A_19 = arith.constant 1 : i32
      %mul3A_20 = arith.muli %scan3A_18, %mul3A_19 : i32
      %add3A_21 = arith.constant 0 : i32
      %add3A_22 = arith.addi %add3A_21, %mul3A_20 : i32
      %mul3A_23 = arith.constant 16 : i32
      %mul3A_24 = arith.muli %add3A_22, %mul3A_23 : i32
      %swap3A = arith.index_cast %mul3A_24 : i32 to index
      %swap3A_25 = tpu.vector_load %arg7[%swap3A] {strides = array<i32>} : memref<10000xf32, #tpu.memory_space<vmem>>, vector<16xf32>,
      tpu.vector_store %arg7[%swap3A], %broadcast_in_dim3A_1 {strides = array<i32>} : memref<10000xf32, #tpu.memory_space<vmem>>, vector<16xf32>,
    }
    %scan3A_5 = arith.constant 625 : i32
    %broadcast_in_dim3A_6 = arith.constant 1.000000e+00 : f32
    %broadcast_in_dim3A_7 = vector.broadcast %broadcast_in_dim3A_6 : f32 to vector<16xf32>
    %scan3A_8 = arith.constant 0 : i32
    %scan3A_9 = arith.constant 125 : i32
    %scan3A_10 = arith.addi %scan3A_8, %scan3A_9 : i32
    %scan3A_11 = arith.constant 1 : i32
    scf.for %scan3A_18 = %scan3A_8 to %scan3A_10 step %scan3A_11  : i32 {
      %mul3A_19 = arith.constant 1 : i32
      %mul3A_20 = arith.muli %scan3A_18, %mul3A_19 : i32
      %add3A_21 = arith.constant 0 : i32
      %add3A_22 = arith.addi %add3A_21, %mul3A_20 : i32
      %scan3A_23 = arith.constant 0 : i32
      %scan3A_24 = arith.constant 5 : i32
      %scan3A_25 = arith.addi %scan3A_23, %scan3A_24 : i32
      %scan3A_26 = arith.constant 1 : i32
      scf.for %scan3A_28 = %scan3A_23 to %scan3A_25 step %scan3A_26  : i32 {
        %mul3A_29 = arith.constant 1 : i32
        %mul3A_30 = arith.muli %scan3A_28, %mul3A_29 : i32
        %add3A_31 = arith.constant 0 : i32
        %add3A_32 = arith.addi %add3A_31, %mul3A_30 : i32
        %mul3A_33 = arith.constant 16 : i32
        %mul3A_34 = arith.muli %add3A_32, %mul3A_33 : i32
        %get3A = arith.index_cast %add3A_22 : i32 to index
        %get3A_35 = arith.index_cast %mul3A_34 : i32 to index
        %get3A_36 = tpu.vector_load %arg5[%get3A, %get3A_35] {strides = array<i32>} : memref<125x80xi32, #tpu.memory_space<vmem>>, vector<16xi32>,
        %get3A_37 = arith.index_cast %add3A_22 : i32 to index
        %get3A_38 = arith.index_cast %mul3A_34 : i32 to index
        %get3A_39 = tpu.vector_load %arg6[%get3A_37, %get3A_38] {strides = array<i32>} : memref<125x80xi32, #tpu.memory_space<vmem>>, vector<16xi32>,
        %ne3A = arith.cmpi ne, %get3A_36, %get3A_39 : vector<16xi32>
        tpu.vector_store_idx %arg7[%get3A_36], %broadcast_in_dim3A_7 masked %ne3A {add = true} : memref<10000xf32, #tpu.memory_space<vmem>>[vector<16xi32>], vector<16xf32>, vector<16xi1>
      }
      %scan3A_27 = arith.constant 5 : i32
    }
    %scan3A_12 = arith.constant 125 : i32
    %scan3A_13 = arith.constant 0 : i32
    %scan3A_14 = arith.constant 5 : i32
    %scan3A_15 = arith.addi %scan3A_13, %scan3A_14 : i32
    %scan3A_16 = arith.constant 1 : i32
    scf.for %scan3A_18 = %scan3A_13 to %scan3A_15 step %scan3A_16  : i32 {
      %mul3A_19 = arith.constant 1 : i32
      %mul3A_20 = arith.muli %scan3A_18, %mul3A_19 : i32
      %add3A_21 = arith.constant 0 : i32
      %add3A_22 = arith.addi %add3A_21, %mul3A_20 : i32
      %mul3A_23 = arith.constant 2000 : i32
      %mul3A_24 = arith.muli %add3A_22, %mul3A_23 : i32
      "tpu.region"() ({
        %run_scoped3A = tpu.sem_alloc : memref<!tpu.dma_semaphore, #tpu.memory_space<semaphore_mem>>
        %dma_start3A = tpu.memref_slice %arg7[%mul3A_24] : memref<10000xf32, #tpu.memory_space<vmem>> -> memref<2000xf32, #tpu.memory_space<vmem>>
        %dma_start3A_25 = arith.constant 0 : i32
        %dma_start3A_26 = tpu.memref_slice %arg4[%add3A_22, %add3A, %dma_start3A_25] : memref<5x32x2000xf32, #tpu.memory_space<hbm>> -> memref<1x1x2000xf32, #tpu.memory_space<hbm>>
        %dma_start3A_27 = tpu.memref_squeeze %dma_start3A_26 : memref<1x1x2000xf32, #tpu.memory_space<hbm>> -> memref<2000xf32, #tpu.memory_space<hbm>>
        %dma_start3A_28 = arith.constant 0 : i32
        %dma_start3A_29 = tpu.memref_slice %arg4[%add3A_22, %add3A, %dma_start3A_28] : memref<5x32x2000xf32, #tpu.memory_space<hbm>> -> memref<1x1x2000xf32, #tpu.memory_space<hbm>>
        %dma_start3A_30 = tpu.memref_squeeze %dma_start3A_29 : memref<1x1x2000xf32, #tpu.memory_space<hbm>> -> memref<2000xf32, #tpu.memory_space<hbm>>
        %dma_start3A_31 = tpu.memref_slice %arg7[%mul3A_24] : memref<10000xf32, #tpu.memory_space<vmem>> -> memref<2000xf32, #tpu.memory_space<vmem>>
        tpu.enqueue_dma source(%dma_start3A_31 : memref<2000xf32, #tpu.memory_space<vmem>>) target(%dma_start3A_30 : memref<2000xf32, #tpu.memory_space<hbm>>) target_semaphore(%run_scoped3A : memref<!tpu.dma_semaphore, #tpu.memory_space<semaphore_mem>>)
        %dma_wait3A = tpu.memref_slice %arg7[%mul3A_24] : memref<10000xf32, #tpu.memory_space<vmem>> -> memref<2000xf32, #tpu.memory_space<vmem>>
        %dma_wait3A_32 = arith.constant 0 : i32
        %dma_wait3A_33 = tpu.memref_slice %arg4[%add3A_22, %add3A, %dma_wait3A_32] : memref<5x32x2000xf32, #tpu.memory_space<hbm>> -> memref<1x1x2000xf32, #tpu.memory_space<hbm>>
        %dma_wait3A_34 = tpu.memref_squeeze %dma_wait3A_33 : memref<1x1x2000xf32, #tpu.memory_space<hbm>> -> memref<2000xf32, #tpu.memory_space<hbm>>
        %dma_wait3A_35 = arith.constant 0 : i32
        %dma_wait3A_36 = tpu.memref_slice %arg4[%add3A_22, %add3A, %dma_wait3A_35] : memref<5x32x2000xf32, #tpu.memory_space<hbm>> -> memref<1x1x2000xf32, #tpu.memory_space<hbm>>
        %dma_wait3A_37 = tpu.memref_squeeze %dma_wait3A_36 : memref<1x1x2000xf32, #tpu.memory_space<hbm>> -> memref<2000xf32, #tpu.memory_space<hbm>>
        %dma_wait3A_38 = tpu.memref_slice %arg7[%mul3A_24] : memref<10000xf32, #tpu.memory_space<vmem>> -> memref<2000xf32, #tpu.memory_space<vmem>>
        tpu.wait_dma2 semaphore(%run_scoped3A : memref<!tpu.dma_semaphore, #tpu.memory_space<semaphore_mem>>) src(%dma_wait3A_38 : memref<2000xf32, #tpu.memory_space<vmem>>) dst(%dma_wait3A_37 : memref<2000xf32, #tpu.memory_space<hbm>>)
        tpu.yield
      }) : () -> ()
    }
    %scan3A_17 = arith.constant 5 : i32
    return
  }
}

#map = affine_map<(d0, d1) -> (0, 0, 0)>
#map1 = affine_map<(d0, d1) -> (0, 0)>
module attributes {stable_mosaic.version = 14 : i64} {
  func.func @_conv_kernel(%arg0: i32, %arg1: i32, %arg2: memref<32x125x80xi32, #tpu.memory_space<hbm>>, %arg3: memref<32x125x80xi32, #tpu.memory_space<hbm>>, %arg4: memref<10000x128xf32, #tpu.memory_space<hbm>>, %arg5: memref<2x10000x128xf32, #tpu.memory_space<hbm>>, %arg6: memref<10016x128xf32, #tpu.memory_space<vmem_shared>>, %arg7: memref<125x80xi32, #tpu.memory_space<vmem>>, %arg8: memref<125x80xi32, #tpu.memory_space<vmem>>, %arg9: memref<80x128xf32, #tpu.memory_space<vmem>>, %arg10: memref<80x128xf32, #tpu.memory_space<vmem>>, %arg11: memref<80x128xf32, #tpu.memory_space<vmem>>, %arg12: memref<!tpu.dma_semaphore, #tpu.memory_space<semaphore_mem>>, %arg13: memref<!tpu.dma_semaphore, #tpu.memory_space<semaphore_mem>>, %arg14: memref<!tpu.dma_semaphore, #tpu.memory_space<semaphore_mem>>, %arg15: memref<!tpu.dma_semaphore, #tpu.memory_space<semaphore_mem>>, %arg16: memref<!tpu.dma_semaphore, #tpu.memory_space<semaphore_mem>>, %arg17: memref<!tpu.dma_semaphore, #tpu.memory_space<semaphore_mem>>) attributes {dimension_semantics = [#tpu.dimension_semantics<core_parallel>, #tpu.dimension_semantics<subcore_parallel>], iteration_bounds = array<i64: 2, 16>, scalar_prefetch = 0 : i64, scratch_operands = 12 : i64, tpu.core_type = #tpu.core_type<sc_vector_subcore>, window_params = [{transform_indices = #map}, {transform_indices = #map}, {transform_indices = #map1}, {transform_indices = #map}]} {
    %mul3A = arith.constant 2 : i32
    %mul3A_0 = arith.muli %arg1, %mul3A : i32
    %add3A = arith.addi %mul3A_0, %arg0 : i32
    "tpu.region"() ({
      %run_scoped3A = tpu.sem_alloc : memref<!tpu.dma_semaphore, #tpu.memory_space<semaphore_mem>>
      %dma_start3A_96 = arith.constant 0 : i32
      %dma_start3A_97 = arith.constant 0 : i32
      %dma_start3A_98 = tpu.memref_slice %arg2[%add3A, %dma_start3A_96, %dma_start3A_97] : memref<32x125x80xi32, #tpu.memory_space<hbm>> -> memref<1x125x80xi32, #tpu.memory_space<hbm>>
      %dma_start3A_99 = tpu.memref_squeeze %dma_start3A_98 : memref<1x125x80xi32, #tpu.memory_space<hbm>> -> memref<125x80xi32, #tpu.memory_space<hbm>>
      %dma_start3A_100 = arith.constant 0 : i32
      %dma_start3A_101 = arith.constant 0 : i32
      %dma_start3A_102 = tpu.memref_slice %arg2[%add3A, %dma_start3A_100, %dma_start3A_101] : memref<32x125x80xi32, #tpu.memory_space<hbm>> -> memref<1x125x80xi32, #tpu.memory_space<hbm>>
      %dma_start3A_103 = tpu.memref_squeeze %dma_start3A_102 : memref<1x125x80xi32, #tpu.memory_space<hbm>> -> memref<125x80xi32, #tpu.memory_space<hbm>>
      tpu.enqueue_dma source(%dma_start3A_103 : memref<125x80xi32, #tpu.memory_space<hbm>>) target(%arg7 : memref<125x80xi32, #tpu.memory_space<vmem>>) target_semaphore(%run_scoped3A : memref<!tpu.dma_semaphore, #tpu.memory_space<semaphore_mem>>)
      %dma_wait3A_104 = arith.constant 0 : i32
      %dma_wait3A_105 = arith.constant 0 : i32
      %dma_wait3A_106 = tpu.memref_slice %arg2[%add3A, %dma_wait3A_104, %dma_wait3A_105] : memref<32x125x80xi32, #tpu.memory_space<hbm>> -> memref<1x125x80xi32, #tpu.memory_space<hbm>>
      %dma_wait3A_107 = tpu.memref_squeeze %dma_wait3A_106 : memref<1x125x80xi32, #tpu.memory_space<hbm>> -> memref<125x80xi32, #tpu.memory_space<hbm>>
      %dma_wait3A_108 = arith.constant 0 : i32
      %dma_wait3A_109 = arith.constant 0 : i32
      %dma_wait3A_110 = tpu.memref_slice %arg2[%add3A, %dma_wait3A_108, %dma_wait3A_109] : memref<32x125x80xi32, #tpu.memory_space<hbm>> -> memref<1x125x80xi32, #tpu.memory_space<hbm>>
      %dma_wait3A_111 = tpu.memref_squeeze %dma_wait3A_110 : memref<1x125x80xi32, #tpu.memory_space<hbm>> -> memref<125x80xi32, #tpu.memory_space<hbm>>
      tpu.wait_dma2 semaphore(%run_scoped3A : memref<!tpu.dma_semaphore, #tpu.memory_space<semaphore_mem>>) src(%dma_wait3A_111 : memref<125x80xi32, #tpu.memory_space<hbm>>) dst(%arg7 : memref<125x80xi32, #tpu.memory_space<vmem>>)
      tpu.yield
    }) : () -> ()
    "tpu.region"() ({
      %run_scoped3A = tpu.sem_alloc : memref<!tpu.dma_semaphore, #tpu.memory_space<semaphore_mem>>
      %dma_start3A_96 = arith.constant 0 : i32
      %dma_start3A_97 = arith.constant 0 : i32
      %dma_start3A_98 = tpu.memref_slice %arg3[%add3A, %dma_start3A_96, %dma_start3A_97] : memref<32x125x80xi32, #tpu.memory_space<hbm>> -> memref<1x125x80xi32, #tpu.memory_space<hbm>>
      %dma_start3A_99 = tpu.memref_squeeze %dma_start3A_98 : memref<1x125x80xi32, #tpu.memory_space<hbm>> -> memref<125x80xi32, #tpu.memory_space<hbm>>
      %dma_start3A_100 = arith.constant 0 : i32
      %dma_start3A_101 = arith.constant 0 : i32
      %dma_start3A_102 = tpu.memref_slice %arg3[%add3A, %dma_start3A_100, %dma_start3A_101] : memref<32x125x80xi32, #tpu.memory_space<hbm>> -> memref<1x125x80xi32, #tpu.memory_space<hbm>>
      %dma_start3A_103 = tpu.memref_squeeze %dma_start3A_102 : memref<1x125x80xi32, #tpu.memory_space<hbm>> -> memref<125x80xi32, #tpu.memory_space<hbm>>
      tpu.enqueue_dma source(%dma_start3A_103 : memref<125x80xi32, #tpu.memory_space<hbm>>) target(%arg8 : memref<125x80xi32, #tpu.memory_space<vmem>>) target_semaphore(%run_scoped3A : memref<!tpu.dma_semaphore, #tpu.memory_space<semaphore_mem>>)
      %dma_wait3A_104 = arith.constant 0 : i32
      %dma_wait3A_105 = arith.constant 0 : i32
      %dma_wait3A_106 = tpu.memref_slice %arg3[%add3A, %dma_wait3A_104, %dma_wait3A_105] : memref<32x125x80xi32, #tpu.memory_space<hbm>> -> memref<1x125x80xi32, #tpu.memory_space<hbm>>
      %dma_wait3A_107 = tpu.memref_squeeze %dma_wait3A_106 : memref<1x125x80xi32, #tpu.memory_space<hbm>> -> memref<125x80xi32, #tpu.memory_space<hbm>>
      %dma_wait3A_108 = arith.constant 0 : i32
      %dma_wait3A_109 = arith.constant 0 : i32
      %dma_wait3A_110 = tpu.memref_slice %arg3[%add3A, %dma_wait3A_108, %dma_wait3A_109] : memref<32x125x80xi32, #tpu.memory_space<hbm>> -> memref<1x125x80xi32, #tpu.memory_space<hbm>>
      %dma_wait3A_111 = tpu.memref_squeeze %dma_wait3A_110 : memref<1x125x80xi32, #tpu.memory_space<hbm>> -> memref<125x80xi32, #tpu.memory_space<hbm>>
      tpu.wait_dma2 semaphore(%run_scoped3A : memref<!tpu.dma_semaphore, #tpu.memory_space<semaphore_mem>>) src(%dma_wait3A_111 : memref<125x80xi32, #tpu.memory_space<hbm>>) dst(%arg8 : memref<125x80xi32, #tpu.memory_space<vmem>>)
      tpu.yield
    }) : () -> ()
    %broadcast_in_dim3A = arith.constant 10000 : i32
    %broadcast_in_dim3A_1 = vector.broadcast %broadcast_in_dim3A : i32 to vector<16xi32>
    %scan3A = arith.constant 0 : i32
    %scan3A_2 = arith.constant 125 : i32
    %scan3A_3 = arith.addi %scan3A, %scan3A_2 : i32
    %scan3A_4 = arith.constant 1 : i32
    scf.for %scan3A_96 = %scan3A to %scan3A_3 step %scan3A_4  : i32 {
      %mul3A_97 = arith.constant 1 : i32
      %mul3A_98 = arith.muli %scan3A_96, %mul3A_97 : i32
      %add3A_99 = arith.constant 0 : i32
      %add3A_100 = arith.addi %add3A_99, %mul3A_98 : i32
      %scan3A_101 = arith.constant 0 : i32
      %scan3A_102 = arith.constant 5 : i32
      %scan3A_103 = arith.addi %scan3A_101, %scan3A_102 : i32
      %scan3A_104 = arith.constant 1 : i32
      scf.for %scan3A_106 = %scan3A_101 to %scan3A_103 step %scan3A_104  : i32 {
        %mul3A_107 = arith.constant 1 : i32
        %mul3A_108 = arith.muli %scan3A_106, %mul3A_107 : i32
        %add3A_109 = arith.constant 0 : i32
        %add3A_110 = arith.addi %add3A_109, %mul3A_108 : i32
        %mul3A_111 = arith.constant 16 : i32
        %mul3A_112 = arith.muli %add3A_110, %mul3A_111 : i32
        %get3A = arith.index_cast %add3A_100 : i32 to index
        %get3A_113 = arith.index_cast %mul3A_112 : i32 to index
        %get3A_114 = tpu.vector_load %arg7[%get3A, %get3A_113] {strides = array<i32>} : memref<125x80xi32, #tpu.memory_space<vmem>>, vector<16xi32>,
        %get3A_115 = arith.index_cast %add3A_100 : i32 to index
        %get3A_116 = arith.index_cast %mul3A_112 : i32 to index
        %get3A_117 = tpu.vector_load %arg8[%get3A_115, %get3A_116] {strides = array<i32>} : memref<125x80xi32, #tpu.memory_space<vmem>>, vector<16xi32>,
        %eq3A = arith.cmpi eq, %get3A_114, %get3A_117 : vector<16xi32>
        %select_n3A = arith.select %eq3A, %broadcast_in_dim3A_1, %get3A_117 : vector<16xi1>, vector<16xi32>
        %swap3A = arith.index_cast %add3A_100 : i32 to index
        %swap3A_118 = arith.index_cast %mul3A_112 : i32 to index
        %swap3A_119 = tpu.vector_load %arg8[%swap3A, %swap3A_118] {strides = array<i32>} : memref<125x80xi32, #tpu.memory_space<vmem>>, vector<16xi32>,
        tpu.vector_store %arg8[%swap3A, %swap3A_118], %select_n3A {strides = array<i32>} : memref<125x80xi32, #tpu.memory_space<vmem>>, vector<16xi32>,
      }
      %scan3A_105 = arith.constant 5 : i32
    }
    %scan3A_5 = arith.constant 125 : i32
    %broadcast_in_dim3A_6 = arith.constant 0.000000e+00 : f32
    %broadcast_in_dim3A_7 = vector.broadcast %broadcast_in_dim3A_6 : f32 to vector<16xf32>
    %scan3A_8 = arith.constant 0 : i32
    %scan3A_9 = arith.constant 80 : i32
    %scan3A_10 = arith.addi %scan3A_8, %scan3A_9 : i32
    %scan3A_11 = arith.constant 1 : i32
    scf.for %scan3A_96 = %scan3A_8 to %scan3A_10 step %scan3A_11  : i32 {
      %mul3A_97 = arith.constant 1 : i32
      %mul3A_98 = arith.muli %scan3A_96, %mul3A_97 : i32
      %add3A_99 = arith.constant 0 : i32
      %add3A_100 = arith.addi %add3A_99, %mul3A_98 : i32
      %scan3A_101 = arith.constant 0 : i32
      %scan3A_102 = arith.constant 8 : i32
      %scan3A_103 = arith.addi %scan3A_101, %scan3A_102 : i32
      %scan3A_104 = arith.constant 1 : i32
      scf.for %scan3A_106 = %scan3A_101 to %scan3A_103 step %scan3A_104  : i32 {
        %mul3A_107 = arith.constant 1 : i32
        %mul3A_108 = arith.muli %scan3A_106, %mul3A_107 : i32
        %add3A_109 = arith.constant 0 : i32
        %add3A_110 = arith.addi %add3A_109, %mul3A_108 : i32
        %mul3A_111 = arith.constant 16 : i32
        %mul3A_112 = arith.muli %add3A_110, %mul3A_111 : i32
        %swap3A = arith.index_cast %add3A_100 : i32 to index
        %swap3A_113 = arith.index_cast %mul3A_112 : i32 to index
        %swap3A_114 = tpu.vector_load %arg9[%swap3A, %swap3A_113] {strides = array<i32>} : memref<80x128xf32, #tpu.memory_space<vmem>>, vector<16xf32>,
        tpu.vector_store %arg9[%swap3A, %swap3A_113], %broadcast_in_dim3A_7 {strides = array<i32>} : memref<80x128xf32, #tpu.memory_space<vmem>>, vector<16xf32>,
      }
      %scan3A_105 = arith.constant 8 : i32
    }
    %scan3A_12 = arith.constant 80 : i32
    %mul3A_13 = arith.constant 625 : i32
    %mul3A_14 = arith.muli %arg1, %mul3A_13 : i32
    %scan3A_15 = arith.constant 0 : i32
    %scan3A_16 = arith.constant 7 : i32
    %scan3A_17 = arith.addi %scan3A_15, %scan3A_16 : i32
    %scan3A_18 = arith.constant 1 : i32
    scf.for %scan3A_96 = %scan3A_15 to %scan3A_17 step %scan3A_18  : i32 {
      %mul3A_97 = arith.constant 1 : i32
      %mul3A_98 = arith.muli %scan3A_96, %mul3A_97 : i32
      %add3A_99 = arith.constant 0 : i32
      %add3A_100 = arith.addi %add3A_99, %mul3A_98 : i32
      %mul3A_101 = arith.constant 80 : i32
      %mul3A_102 = arith.muli %add3A_100, %mul3A_101 : i32
      %add3A_103 = arith.addi %mul3A_14, %mul3A_102 : i32
      "tpu.region"() ({
        %run_scoped3A = tpu.sem_alloc : memref<!tpu.dma_semaphore, #tpu.memory_space<semaphore_mem>>
        %dma_start3A_104 = arith.constant 0 : i32
        %dma_start3A_105 = tpu.memref_slice %arg6[%add3A_103, %dma_start3A_104] : memref<10016x128xf32, #tpu.memory_space<vmem_shared>> -> memref<80x128xf32, #tpu.memory_space<vmem_shared>>
        %dma_start3A_106 = arith.constant 0 : i32
        %dma_start3A_107 = tpu.memref_slice %arg6[%add3A_103, %dma_start3A_106] : memref<10016x128xf32, #tpu.memory_space<vmem_shared>> -> memref<80x128xf32, #tpu.memory_space<vmem_shared>>
        tpu.enqueue_dma source(%arg9 : memref<80x128xf32, #tpu.memory_space<vmem>>) target(%dma_start3A_107 : memref<80x128xf32, #tpu.memory_space<vmem_shared>>) target_semaphore(%run_scoped3A : memref<!tpu.dma_semaphore, #tpu.memory_space<semaphore_mem>>)
        %dma_wait3A_108 = arith.constant 0 : i32
        %dma_wait3A_109 = tpu.memref_slice %arg6[%add3A_103, %dma_wait3A_108] : memref<10016x128xf32, #tpu.memory_space<vmem_shared>> -> memref<80x128xf32, #tpu.memory_space<vmem_shared>>
        %dma_wait3A_110 = arith.constant 0 : i32
        %dma_wait3A_111 = tpu.memref_slice %arg6[%add3A_103, %dma_wait3A_110] : memref<10016x128xf32, #tpu.memory_space<vmem_shared>> -> memref<80x128xf32, #tpu.memory_space<vmem_shared>>
        tpu.wait_dma2 semaphore(%run_scoped3A : memref<!tpu.dma_semaphore, #tpu.memory_space<semaphore_mem>>) src(%arg9 : memref<80x128xf32, #tpu.memory_space<vmem>>) dst(%dma_wait3A_111 : memref<80x128xf32, #tpu.memory_space<vmem_shared>>)
        tpu.yield
      }) : () -> ()
    }
    %scan3A_19 = arith.constant 7 : i32
    %add3A_20 = arith.constant 560 : i32
    %add3A_21 = arith.addi %mul3A_14, %add3A_20 : i32
    "tpu.region"() ({
      %run_scoped3A = tpu.sem_alloc : memref<!tpu.dma_semaphore, #tpu.memory_space<semaphore_mem>>
      %dma_start3A_96 = arith.constant 0 : i32
      %dma_start3A_97 = arith.constant 0 : i32
      %dma_start3A_98 = tpu.memref_slice %arg9[%dma_start3A_96, %dma_start3A_97] : memref<80x128xf32, #tpu.memory_space<vmem>> -> memref<65x128xf32, #tpu.memory_space<vmem>>
      %dma_start3A_99 = arith.constant 0 : i32
      %dma_start3A_100 = tpu.memref_slice %arg6[%add3A_21, %dma_start3A_99] : memref<10016x128xf32, #tpu.memory_space<vmem_shared>> -> memref<65x128xf32, #tpu.memory_space<vmem_shared>>
      %dma_start3A_101 = arith.constant 0 : i32
      %dma_start3A_102 = tpu.memref_slice %arg6[%add3A_21, %dma_start3A_101] : memref<10016x128xf32, #tpu.memory_space<vmem_shared>> -> memref<65x128xf32, #tpu.memory_space<vmem_shared>>
      %dma_start3A_103 = arith.constant 0 : i32
      %dma_start3A_104 = arith.constant 0 : i32
      %dma_start3A_105 = tpu.memref_slice %arg9[%dma_start3A_103, %dma_start3A_104] : memref<80x128xf32, #tpu.memory_space<vmem>> -> memref<65x128xf32, #tpu.memory_space<vmem>>
      tpu.enqueue_dma source(%dma_start3A_105 : memref<65x128xf32, #tpu.memory_space<vmem>>) target(%dma_start3A_102 : memref<65x128xf32, #tpu.memory_space<vmem_shared>>) target_semaphore(%run_scoped3A : memref<!tpu.dma_semaphore, #tpu.memory_space<semaphore_mem>>)
      %dma_wait3A_106 = arith.constant 0 : i32
      %dma_wait3A_107 = arith.constant 0 : i32
      %dma_wait3A_108 = tpu.memref_slice %arg9[%dma_wait3A_106, %dma_wait3A_107] : memref<80x128xf32, #tpu.memory_space<vmem>> -> memref<65x128xf32, #tpu.memory_space<vmem>>
      %dma_wait3A_109 = arith.constant 0 : i32
      %dma_wait3A_110 = tpu.memref_slice %arg6[%add3A_21, %dma_wait3A_109] : memref<10016x128xf32, #tpu.memory_space<vmem_shared>> -> memref<65x128xf32, #tpu.memory_space<vmem_shared>>
      %dma_wait3A_111 = arith.constant 0 : i32
      %dma_wait3A_112 = tpu.memref_slice %arg6[%add3A_21, %dma_wait3A_111] : memref<10016x128xf32, #tpu.memory_space<vmem_shared>> -> memref<65x128xf32, #tpu.memory_space<vmem_shared>>
      %dma_wait3A_113 = arith.constant 0 : i32
      %dma_wait3A_114 = arith.constant 0 : i32
      %dma_wait3A_115 = tpu.memref_slice %arg9[%dma_wait3A_113, %dma_wait3A_114] : memref<80x128xf32, #tpu.memory_space<vmem>> -> memref<65x128xf32, #tpu.memory_space<vmem>>
      tpu.wait_dma2 semaphore(%run_scoped3A : memref<!tpu.dma_semaphore, #tpu.memory_space<semaphore_mem>>) src(%dma_wait3A_115 : memref<65x128xf32, #tpu.memory_space<vmem>>) dst(%dma_wait3A_112 : memref<65x128xf32, #tpu.memory_space<vmem_shared>>)
      tpu.yield
    }) : () -> ()
    %dma_start3A = arith.constant 0 : i32
    %dma_start3A_22 = arith.constant 0 : i32
    %dma_start3A_23 = tpu.memref_slice %arg7[%dma_start3A, %dma_start3A_22] : memref<125x80xi32, #tpu.memory_space<vmem>> -> memref<1x80xi32, #tpu.memory_space<vmem>>
    %dma_start3A_24 = tpu.memref_squeeze %dma_start3A_23 : memref<1x80xi32, #tpu.memory_space<vmem>> -> memref<80xi32, #tpu.memory_space<vmem>>
    %dma_start3A_25 = arith.constant 0 : i32
    %dma_start3A_26 = arith.constant 0 : i32
    %dma_start3A_27 = tpu.memref_slice %arg4[%dma_start3A_25, %dma_start3A_26] : memref<10000x128xf32, #tpu.memory_space<hbm>> -> memref<10000x128xf32, #tpu.memory_space<hbm>>
    tpu.enqueue_indirect_dma source(%dma_start3A_27 : memref<10000x128xf32, #tpu.memory_space<hbm>>) target(%arg9 : memref<80x128xf32, #tpu.memory_space<vmem>>) offsets(%dma_start3A_24 : memref<80xi32, #tpu.memory_space<vmem>>) semaphore(%arg12 : memref<!tpu.dma_semaphore, #tpu.memory_space<semaphore_mem>>)
    %dma_start3A_28 = arith.constant 1 : i32
    %dma_start3A_29 = arith.constant 0 : i32
    %dma_start3A_30 = tpu.memref_slice %arg7[%dma_start3A_28, %dma_start3A_29] : memref<125x80xi32, #tpu.memory_space<vmem>> -> memref<1x80xi32, #tpu.memory_space<vmem>>
    %dma_start3A_31 = tpu.memref_squeeze %dma_start3A_30 : memref<1x80xi32, #tpu.memory_space<vmem>> -> memref<80xi32, #tpu.memory_space<vmem>>
    %dma_start3A_32 = arith.constant 0 : i32
    %dma_start3A_33 = arith.constant 0 : i32
    %dma_start3A_34 = tpu.memref_slice %arg4[%dma_start3A_32, %dma_start3A_33] : memref<10000x128xf32, #tpu.memory_space<hbm>> -> memref<10000x128xf32, #tpu.memory_space<hbm>>
    tpu.enqueue_indirect_dma source(%dma_start3A_34 : memref<10000x128xf32, #tpu.memory_space<hbm>>) target(%arg10 : memref<80x128xf32, #tpu.memory_space<vmem>>) offsets(%dma_start3A_31 : memref<80xi32, #tpu.memory_space<vmem>>) semaphore(%arg13 : memref<!tpu.dma_semaphore, #tpu.memory_space<semaphore_mem>>)
    %barrier3A = arith.constant 0 : index
    tpu.barrier barrier_id(%barrier3A)
    %scan3A_35 = arith.constant 0 : i32
    %scan3A_36 = arith.constant 41 : i32
    %scan3A_37 = arith.addi %scan3A_35, %scan3A_36 : i32
    %scan3A_38 = arith.constant 1 : i32
    scf.for %scan3A_96 = %scan3A_35 to %scan3A_37 step %scan3A_38  : i32 {
      %mul3A_97 = arith.constant 1 : i32
      %mul3A_98 = arith.muli %scan3A_96, %mul3A_97 : i32
      %add3A_99 = arith.constant 0 : i32
      %add3A_100 = arith.addi %add3A_99, %mul3A_98 : i32
      %mul3A_101 = arith.constant 3 : i32
      %mul3A_102 = arith.muli %mul3A_101, %add3A_100 : i32
      %add3A_103 = arith.constant 0 : i32
      %add3A_104 = arith.addi %mul3A_102, %add3A_103 : i32
      %dma_wait3A_105 = arith.constant 0 : i32
      %dma_wait3A_106 = tpu.memref_slice %arg7[%add3A_104, %dma_wait3A_105] : memref<125x80xi32, #tpu.memory_space<vmem>> -> memref<1x80xi32, #tpu.memory_space<vmem>>
      %dma_wait3A_107 = tpu.memref_squeeze %dma_wait3A_106 : memref<1x80xi32, #tpu.memory_space<vmem>> -> memref<80xi32, #tpu.memory_space<vmem>>
      %dma_wait3A_108 = arith.constant 0 : i32
      %dma_wait3A_109 = arith.constant 0 : i32
      %dma_wait3A_110 = tpu.memref_slice %arg4[%dma_wait3A_108, %dma_wait3A_109] : memref<10000x128xf32, #tpu.memory_space<hbm>> -> memref<10000x128xf32, #tpu.memory_space<hbm>>
      tpu.wait_indirect_dma semaphore(%arg12 : memref<!tpu.dma_semaphore, #tpu.memory_space<semaphore_mem>>) src(%dma_wait3A_110 : memref<10000x128xf32, #tpu.memory_space<hbm>>) dst(%arg9 : memref<80x128xf32, #tpu.memory_space<vmem>>)
      %ge3A = arith.constant 1 : i32
      %ge3A_111 = arith.cmpi sge, %add3A_104, %ge3A : i32
      %convert_element_type3A = arith.extui %ge3A_111 : i1 to i32
      %cond3A = arith.constant 0 : i32
      %cond3A_112 = arith.cmpi ne, %convert_element_type3A, %cond3A : i32
      scf.if %cond3A_112 {
        %sub3A = arith.constant 1 : i32
        %sub3A_185 = arith.subi %add3A_104, %sub3A : i32
        %dma_wait3A_186 = arith.constant 0 : i32
        %dma_wait3A_187 = tpu.memref_slice %arg8[%sub3A_185, %dma_wait3A_186] : memref<125x80xi32, #tpu.memory_space<vmem>> -> memref<1x80xi32, #tpu.memory_space<vmem>>
        %dma_wait3A_188 = tpu.memref_squeeze %dma_wait3A_187 : memref<1x80xi32, #tpu.memory_space<vmem>> -> memref<80xi32, #tpu.memory_space<vmem>>
        %dma_wait3A_189 = arith.constant 0 : i32
        %dma_wait3A_190 = arith.constant 0 : i32
        %dma_wait3A_191 = tpu.memref_slice %arg6[%dma_wait3A_189, %dma_wait3A_190] : memref<10016x128xf32, #tpu.memory_space<vmem_shared>> -> memref<10016x128xf32, #tpu.memory_space<vmem_shared>>
        tpu.wait_indirect_dma semaphore(%arg17 : memref<!tpu.dma_semaphore, #tpu.memory_space<semaphore_mem>>) src(%arg11 : memref<80x128xf32, #tpu.memory_space<vmem>>) dst(%dma_wait3A_191 : memref<10016x128xf32, #tpu.memory_space<vmem_shared>>)
      } else {
      }
      %add3A_113 = arith.constant 2 : i32
      %add3A_114 = arith.addi %add3A_104, %add3A_113 : i32
      %dma_start3A_115 = arith.constant 0 : i32
      %dma_start3A_116 = tpu.memref_slice %arg7[%add3A_114, %dma_start3A_115] : memref<125x80xi32, #tpu.memory_space<vmem>> -> memref<1x80xi32, #tpu.memory_space<vmem>>
      %dma_start3A_117 = tpu.memref_squeeze %dma_start3A_116 : memref<1x80xi32, #tpu.memory_space<vmem>> -> memref<80xi32, #tpu.memory_space<vmem>>
      %dma_start3A_118 = arith.constant 0 : i32
      %dma_start3A_119 = arith.constant 0 : i32
      %dma_start3A_120 = tpu.memref_slice %arg4[%dma_start3A_118, %dma_start3A_119] : memref<10000x128xf32, #tpu.memory_space<hbm>> -> memref<10000x128xf32, #tpu.memory_space<hbm>>
      tpu.enqueue_indirect_dma source(%dma_start3A_120 : memref<10000x128xf32, #tpu.memory_space<hbm>>) target(%arg11 : memref<80x128xf32, #tpu.memory_space<vmem>>) offsets(%dma_start3A_117 : memref<80xi32, #tpu.memory_space<vmem>>) semaphore(%arg14 : memref<!tpu.dma_semaphore, #tpu.memory_space<semaphore_mem>>)
      %dma_start3A_121 = arith.constant 0 : i32
      %dma_start3A_122 = tpu.memref_slice %arg8[%add3A_104, %dma_start3A_121] : memref<125x80xi32, #tpu.memory_space<vmem>> -> memref<1x80xi32, #tpu.memory_space<vmem>>
      %dma_start3A_123 = tpu.memref_squeeze %dma_start3A_122 : memref<1x80xi32, #tpu.memory_space<vmem>> -> memref<80xi32, #tpu.memory_space<vmem>>
      %dma_start3A_124 = arith.constant 0 : i32
      %dma_start3A_125 = arith.constant 0 : i32
      %dma_start3A_126 = tpu.memref_slice %arg6[%dma_start3A_124, %dma_start3A_125] : memref<10016x128xf32, #tpu.memory_space<vmem_shared>> -> memref<10016x128xf32, #tpu.memory_space<vmem_shared>>
      tpu.enqueue_indirect_dma source(%arg9 : memref<80x128xf32, #tpu.memory_space<vmem>>) target(%dma_start3A_126 : memref<10016x128xf32, #tpu.memory_space<vmem_shared>>) offsets(%dma_start3A_123 : memref<80xi32, #tpu.memory_space<vmem>>) semaphore(%arg15 : memref<!tpu.dma_semaphore, #tpu.memory_space<semaphore_mem>>) {add = true}
      %mul3A_127 = arith.constant 3 : i32
      %mul3A_128 = arith.muli %mul3A_127, %add3A_100 : i32
      %add3A_129 = arith.constant 1 : i32
      %add3A_130 = arith.addi %mul3A_128, %add3A_129 : i32
      %dma_wait3A_131 = arith.constant 0 : i32
      %dma_wait3A_132 = tpu.memref_slice %arg7[%add3A_130, %dma_wait3A_131] : memref<125x80xi32, #tpu.memory_space<vmem>> -> memref<1x80xi32, #tpu.memory_space<vmem>>
      %dma_wait3A_133 = tpu.memref_squeeze %dma_wait3A_132 : memref<1x80xi32, #tpu.memory_space<vmem>> -> memref<80xi32, #tpu.memory_space<vmem>>
      %dma_wait3A_134 = arith.constant 0 : i32
      %dma_wait3A_135 = arith.constant 0 : i32
      %dma_wait3A_136 = tpu.memref_slice %arg4[%dma_wait3A_134, %dma_wait3A_135] : memref<10000x128xf32, #tpu.memory_space<hbm>> -> memref<10000x128xf32, #tpu.memory_space<hbm>>
      tpu.wait_indirect_dma semaphore(%arg13 : memref<!tpu.dma_semaphore, #tpu.memory_space<semaphore_mem>>) src(%dma_wait3A_136 : memref<10000x128xf32, #tpu.memory_space<hbm>>) dst(%arg10 : memref<80x128xf32, #tpu.memory_space<vmem>>)
      %ge3A_137 = arith.constant 1 : i32
      %ge3A_138 = arith.cmpi sge, %add3A_130, %ge3A_137 : i32
      %convert_element_type3A_139 = arith.extui %ge3A_138 : i1 to i32
      %cond3A_140 = arith.constant 0 : i32
      %cond3A_141 = arith.cmpi ne, %convert_element_type3A_139, %cond3A_140 : i32
      scf.if %cond3A_141 {
        %sub3A = arith.constant 1 : i32
        %sub3A_185 = arith.subi %add3A_130, %sub3A : i32
        %dma_wait3A_186 = arith.constant 0 : i32
        %dma_wait3A_187 = tpu.memref_slice %arg8[%sub3A_185, %dma_wait3A_186] : memref<125x80xi32, #tpu.memory_space<vmem>> -> memref<1x80xi32, #tpu.memory_space<vmem>>
        %dma_wait3A_188 = tpu.memref_squeeze %dma_wait3A_187 : memref<1x80xi32, #tpu.memory_space<vmem>> -> memref<80xi32, #tpu.memory_space<vmem>>
        %dma_wait3A_189 = arith.constant 0 : i32
        %dma_wait3A_190 = arith.constant 0 : i32
        %dma_wait3A_191 = tpu.memref_slice %arg6[%dma_wait3A_189, %dma_wait3A_190] : memref<10016x128xf32, #tpu.memory_space<vmem_shared>> -> memref<10016x128xf32, #tpu.memory_space<vmem_shared>>
        tpu.wait_indirect_dma semaphore(%arg15 : memref<!tpu.dma_semaphore, #tpu.memory_space<semaphore_mem>>) src(%arg9 : memref<80x128xf32, #tpu.memory_space<vmem>>) dst(%dma_wait3A_191 : memref<10016x128xf32, #tpu.memory_space<vmem_shared>>)
      } else {
      }
      %add3A_142 = arith.constant 2 : i32
      %add3A_143 = arith.addi %add3A_130, %add3A_142 : i32
      %dma_start3A_144 = arith.constant 0 : i32
      %dma_start3A_145 = tpu.memref_slice %arg7[%add3A_143, %dma_start3A_144] : memref<125x80xi32, #tpu.memory_space<vmem>> -> memref<1x80xi32, #tpu.memory_space<vmem>>
      %dma_start3A_146 = tpu.memref_squeeze %dma_start3A_145 : memref<1x80xi32, #tpu.memory_space<vmem>> -> memref<80xi32, #tpu.memory_space<vmem>>
      %dma_start3A_147 = arith.constant 0 : i32
      %dma_start3A_148 = arith.constant 0 : i32
      %dma_start3A_149 = tpu.memref_slice %arg4[%dma_start3A_147, %dma_start3A_148] : memref<10000x128xf32, #tpu.memory_space<hbm>> -> memref<10000x128xf32, #tpu.memory_space<hbm>>
      tpu.enqueue_indirect_dma source(%dma_start3A_149 : memref<10000x128xf32, #tpu.memory_space<hbm>>) target(%arg9 : memref<80x128xf32, #tpu.memory_space<vmem>>) offsets(%dma_start3A_146 : memref<80xi32, #tpu.memory_space<vmem>>) semaphore(%arg12 : memref<!tpu.dma_semaphore, #tpu.memory_space<semaphore_mem>>)
      %dma_start3A_150 = arith.constant 0 : i32
      %dma_start3A_151 = tpu.memref_slice %arg8[%add3A_130, %dma_start3A_150] : memref<125x80xi32, #tpu.memory_space<vmem>> -> memref<1x80xi32, #tpu.memory_space<vmem>>
      %dma_start3A_152 = tpu.memref_squeeze %dma_start3A_151 : memref<1x80xi32, #tpu.memory_space<vmem>> -> memref<80xi32, #tpu.memory_space<vmem>>
      %dma_start3A_153 = arith.constant 0 : i32
      %dma_start3A_154 = arith.constant 0 : i32
      %dma_start3A_155 = tpu.memref_slice %arg6[%dma_start3A_153, %dma_start3A_154] : memref<10016x128xf32, #tpu.memory_space<vmem_shared>> -> memref<10016x128xf32, #tpu.memory_space<vmem_shared>>
      tpu.enqueue_indirect_dma source(%arg10 : memref<80x128xf32, #tpu.memory_space<vmem>>) target(%dma_start3A_155 : memref<10016x128xf32, #tpu.memory_space<vmem_shared>>) offsets(%dma_start3A_152 : memref<80xi32, #tpu.memory_space<vmem>>) semaphore(%arg16 : memref<!tpu.dma_semaphore, #tpu.memory_space<semaphore_mem>>) {add = true}
      %mul3A_156 = arith.constant 3 : i32
      %mul3A_157 = arith.muli %mul3A_156, %add3A_100 : i32
      %add3A_158 = arith.constant 2 : i32
      %add3A_159 = arith.addi %mul3A_157, %add3A_158 : i32
      %dma_wait3A_160 = arith.constant 0 : i32
      %dma_wait3A_161 = tpu.memref_slice %arg7[%add3A_159, %dma_wait3A_160] : memref<125x80xi32, #tpu.memory_space<vmem>> -> memref<1x80xi32, #tpu.memory_space<vmem>>
      %dma_wait3A_162 = tpu.memref_squeeze %dma_wait3A_161 : memref<1x80xi32, #tpu.memory_space<vmem>> -> memref<80xi32, #tpu.memory_space<vmem>>
      %dma_wait3A_163 = arith.constant 0 : i32
      %dma_wait3A_164 = arith.constant 0 : i32
      %dma_wait3A_165 = tpu.memref_slice %arg4[%dma_wait3A_163, %dma_wait3A_164] : memref<10000x128xf32, #tpu.memory_space<hbm>> -> memref<10000x128xf32, #tpu.memory_space<hbm>>
      tpu.wait_indirect_dma semaphore(%arg14 : memref<!tpu.dma_semaphore, #tpu.memory_space<semaphore_mem>>) src(%dma_wait3A_165 : memref<10000x128xf32, #tpu.memory_space<hbm>>) dst(%arg11 : memref<80x128xf32, #tpu.memory_space<vmem>>)
      %ge3A_166 = arith.constant 1 : i32
      %ge3A_167 = arith.cmpi sge, %add3A_159, %ge3A_166 : i32
      %convert_element_type3A_168 = arith.extui %ge3A_167 : i1 to i32
      %cond3A_169 = arith.constant 0 : i32
      %cond3A_170 = arith.cmpi ne, %convert_element_type3A_168, %cond3A_169 : i32
      scf.if %cond3A_170 {
        %sub3A = arith.constant 1 : i32
        %sub3A_185 = arith.subi %add3A_159, %sub3A : i32
        %dma_wait3A_186 = arith.constant 0 : i32
        %dma_wait3A_187 = tpu.memref_slice %arg8[%sub3A_185, %dma_wait3A_186] : memref<125x80xi32, #tpu.memory_space<vmem>> -> memref<1x80xi32, #tpu.memory_space<vmem>>
        %dma_wait3A_188 = tpu.memref_squeeze %dma_wait3A_187 : memref<1x80xi32, #tpu.memory_space<vmem>> -> memref<80xi32, #tpu.memory_space<vmem>>
        %dma_wait3A_189 = arith.constant 0 : i32
        %dma_wait3A_190 = arith.constant 0 : i32
        %dma_wait3A_191 = tpu.memref_slice %arg6[%dma_wait3A_189, %dma_wait3A_190] : memref<10016x128xf32, #tpu.memory_space<vmem_shared>> -> memref<10016x128xf32, #tpu.memory_space<vmem_shared>>
        tpu.wait_indirect_dma semaphore(%arg16 : memref<!tpu.dma_semaphore, #tpu.memory_space<semaphore_mem>>) src(%arg10 : memref<80x128xf32, #tpu.memory_space<vmem>>) dst(%dma_wait3A_191 : memref<10016x128xf32, #tpu.memory_space<vmem_shared>>)
      } else {
      }
      %add3A_171 = arith.constant 2 : i32
      %add3A_172 = arith.addi %add3A_159, %add3A_171 : i32
      %dma_start3A_173 = arith.constant 0 : i32
      %dma_start3A_174 = tpu.memref_slice %arg7[%add3A_172, %dma_start3A_173] : memref<125x80xi32, #tpu.memory_space<vmem>> -> memref<1x80xi32, #tpu.memory_space<vmem>>
      %dma_start3A_175 = tpu.memref_squeeze %dma_start3A_174 : memref<1x80xi32, #tpu.memory_space<vmem>> -> memref<80xi32, #tpu.memory_space<vmem>>
      %dma_start3A_176 = arith.constant 0 : i32
      %dma_start3A_177 = arith.constant 0 : i32
      %dma_start3A_178 = tpu.memref_slice %arg4[%dma_start3A_176, %dma_start3A_177] : memref<10000x128xf32, #tpu.memory_space<hbm>> -> memref<10000x128xf32, #tpu.memory_space<hbm>>
      tpu.enqueue_indirect_dma source(%dma_start3A_178 : memref<10000x128xf32, #tpu.memory_space<hbm>>) target(%arg10 : memref<80x128xf32, #tpu.memory_space<vmem>>) offsets(%dma_start3A_175 : memref<80xi32, #tpu.memory_space<vmem>>) semaphore(%arg13 : memref<!tpu.dma_semaphore, #tpu.memory_space<semaphore_mem>>)
      %dma_start3A_179 = arith.constant 0 : i32
      %dma_start3A_180 = tpu.memref_slice %arg8[%add3A_159, %dma_start3A_179] : memref<125x80xi32, #tpu.memory_space<vmem>> -> memref<1x80xi32, #tpu.memory_space<vmem>>
      %dma_start3A_181 = tpu.memref_squeeze %dma_start3A_180 : memref<1x80xi32, #tpu.memory_space<vmem>> -> memref<80xi32, #tpu.memory_space<vmem>>
      %dma_start3A_182 = arith.constant 0 : i32
      %dma_start3A_183 = arith.constant 0 : i32
      %dma_start3A_184 = tpu.memref_slice %arg6[%dma_start3A_182, %dma_start3A_183] : memref<10016x128xf32, #tpu.memory_space<vmem_shared>> -> memref<10016x128xf32, #tpu.memory_space<vmem_shared>>
      tpu.enqueue_indirect_dma source(%arg11 : memref<80x128xf32, #tpu.memory_space<vmem>>) target(%dma_start3A_184 : memref<10016x128xf32, #tpu.memory_space<vmem_shared>>) offsets(%dma_start3A_181 : memref<80xi32, #tpu.memory_space<vmem>>) semaphore(%arg17 : memref<!tpu.dma_semaphore, #tpu.memory_space<semaphore_mem>>) {add = true}
    }
    %scan3A_39 = arith.constant 41 : i32
    %dma_wait3A = arith.constant 123 : i32
    %dma_wait3A_40 = arith.constant 0 : i32
    %dma_wait3A_41 = tpu.memref_slice %arg7[%dma_wait3A, %dma_wait3A_40] : memref<125x80xi32, #tpu.memory_space<vmem>> -> memref<1x80xi32, #tpu.memory_space<vmem>>
    %dma_wait3A_42 = tpu.memref_squeeze %dma_wait3A_41 : memref<1x80xi32, #tpu.memory_space<vmem>> -> memref<80xi32, #tpu.memory_space<vmem>>
    %dma_wait3A_43 = arith.constant 0 : i32
    %dma_wait3A_44 = arith.constant 0 : i32
    %dma_wait3A_45 = tpu.memref_slice %arg4[%dma_wait3A_43, %dma_wait3A_44] : memref<10000x128xf32, #tpu.memory_space<hbm>> -> memref<10000x128xf32, #tpu.memory_space<hbm>>
    tpu.wait_indirect_dma semaphore(%arg12 : memref<!tpu.dma_semaphore, #tpu.memory_space<semaphore_mem>>) src(%dma_wait3A_45 : memref<10000x128xf32, #tpu.memory_space<hbm>>) dst(%arg9 : memref<80x128xf32, #tpu.memory_space<vmem>>)
    %dma_wait3A_46 = arith.constant 122 : i32
    %dma_wait3A_47 = arith.constant 0 : i32
    %dma_wait3A_48 = tpu.memref_slice %arg8[%dma_wait3A_46, %dma_wait3A_47] : memref<125x80xi32, #tpu.memory_space<vmem>> -> memref<1x80xi32, #tpu.memory_space<vmem>>
    %dma_wait3A_49 = tpu.memref_squeeze %dma_wait3A_48 : memref<1x80xi32, #tpu.memory_space<vmem>> -> memref<80xi32, #tpu.memory_space<vmem>>
    %dma_wait3A_50 = arith.constant 0 : i32
    %dma_wait3A_51 = arith.constant 0 : i32
    %dma_wait3A_52 = tpu.memref_slice %arg6[%dma_wait3A_50, %dma_wait3A_51] : memref<10016x128xf32, #tpu.memory_space<vmem_shared>> -> memref<10016x128xf32, #tpu.memory_space<vmem_shared>>
    tpu.wait_indirect_dma semaphore(%arg17 : memref<!tpu.dma_semaphore, #tpu.memory_space<semaphore_mem>>) src(%arg11 : memref<80x128xf32, #tpu.memory_space<vmem>>) dst(%dma_wait3A_52 : memref<10016x128xf32, #tpu.memory_space<vmem_shared>>)
    %dma_start3A_53 = arith.constant 123 : i32
    %dma_start3A_54 = arith.constant 0 : i32
    %dma_start3A_55 = tpu.memref_slice %arg8[%dma_start3A_53, %dma_start3A_54] : memref<125x80xi32, #tpu.memory_space<vmem>> -> memref<1x80xi32, #tpu.memory_space<vmem>>
    %dma_start3A_56 = tpu.memref_squeeze %dma_start3A_55 : memref<1x80xi32, #tpu.memory_space<vmem>> -> memref<80xi32, #tpu.memory_space<vmem>>
    %dma_start3A_57 = arith.constant 0 : i32
    %dma_start3A_58 = arith.constant 0 : i32
    %dma_start3A_59 = tpu.memref_slice %arg6[%dma_start3A_57, %dma_start3A_58] : memref<10016x128xf32, #tpu.memory_space<vmem_shared>> -> memref<10016x128xf32, #tpu.memory_space<vmem_shared>>
    tpu.enqueue_indirect_dma source(%arg9 : memref<80x128xf32, #tpu.memory_space<vmem>>) target(%dma_start3A_59 : memref<10016x128xf32, #tpu.memory_space<vmem_shared>>) offsets(%dma_start3A_56 : memref<80xi32, #tpu.memory_space<vmem>>) semaphore(%arg15 : memref<!tpu.dma_semaphore, #tpu.memory_space<semaphore_mem>>) {add = true}
    %dma_wait3A_60 = arith.constant 124 : i32
    %dma_wait3A_61 = arith.constant 0 : i32
    %dma_wait3A_62 = tpu.memref_slice %arg7[%dma_wait3A_60, %dma_wait3A_61] : memref<125x80xi32, #tpu.memory_space<vmem>> -> memref<1x80xi32, #tpu.memory_space<vmem>>
    %dma_wait3A_63 = tpu.memref_squeeze %dma_wait3A_62 : memref<1x80xi32, #tpu.memory_space<vmem>> -> memref<80xi32, #tpu.memory_space<vmem>>
    %dma_wait3A_64 = arith.constant 0 : i32
    %dma_wait3A_65 = arith.constant 0 : i32
    %dma_wait3A_66 = tpu.memref_slice %arg4[%dma_wait3A_64, %dma_wait3A_65] : memref<10000x128xf32, #tpu.memory_space<hbm>> -> memref<10000x128xf32, #tpu.memory_space<hbm>>
    tpu.wait_indirect_dma semaphore(%arg13 : memref<!tpu.dma_semaphore, #tpu.memory_space<semaphore_mem>>) src(%dma_wait3A_66 : memref<10000x128xf32, #tpu.memory_space<hbm>>) dst(%arg10 : memref<80x128xf32, #tpu.memory_space<vmem>>)
    %dma_wait3A_67 = arith.constant 123 : i32
    %dma_wait3A_68 = arith.constant 0 : i32
    %dma_wait3A_69 = tpu.memref_slice %arg8[%dma_wait3A_67, %dma_wait3A_68] : memref<125x80xi32, #tpu.memory_space<vmem>> -> memref<1x80xi32, #tpu.memory_space<vmem>>
    %dma_wait3A_70 = tpu.memref_squeeze %dma_wait3A_69 : memref<1x80xi32, #tpu.memory_space<vmem>> -> memref<80xi32, #tpu.memory_space<vmem>>
    %dma_wait3A_71 = arith.constant 0 : i32
    %dma_wait3A_72 = arith.constant 0 : i32
    %dma_wait3A_73 = tpu.memref_slice %arg6[%dma_wait3A_71, %dma_wait3A_72] : memref<10016x128xf32, #tpu.memory_space<vmem_shared>> -> memref<10016x128xf32, #tpu.memory_space<vmem_shared>>
    tpu.wait_indirect_dma semaphore(%arg15 : memref<!tpu.dma_semaphore, #tpu.memory_space<semaphore_mem>>) src(%arg9 : memref<80x128xf32, #tpu.memory_space<vmem>>) dst(%dma_wait3A_73 : memref<10016x128xf32, #tpu.memory_space<vmem_shared>>)
    %dma_start3A_74 = arith.constant 124 : i32
    %dma_start3A_75 = arith.constant 0 : i32
    %dma_start3A_76 = tpu.memref_slice %arg8[%dma_start3A_74, %dma_start3A_75] : memref<125x80xi32, #tpu.memory_space<vmem>> -> memref<1x80xi32, #tpu.memory_space<vmem>>
    %dma_start3A_77 = tpu.memref_squeeze %dma_start3A_76 : memref<1x80xi32, #tpu.memory_space<vmem>> -> memref<80xi32, #tpu.memory_space<vmem>>
    %dma_start3A_78 = arith.constant 0 : i32
    %dma_start3A_79 = arith.constant 0 : i32
    %dma_start3A_80 = tpu.memref_slice %arg6[%dma_start3A_78, %dma_start3A_79] : memref<10016x128xf32, #tpu.memory_space<vmem_shared>> -> memref<10016x128xf32, #tpu.memory_space<vmem_shared>>
    tpu.enqueue_indirect_dma source(%arg10 : memref<80x128xf32, #tpu.memory_space<vmem>>) target(%dma_start3A_80 : memref<10016x128xf32, #tpu.memory_space<vmem_shared>>) offsets(%dma_start3A_77 : memref<80xi32, #tpu.memory_space<vmem>>) semaphore(%arg16 : memref<!tpu.dma_semaphore, #tpu.memory_space<semaphore_mem>>) {add = true}
    %dma_wait3A_81 = arith.constant 124 : i32
    %dma_wait3A_82 = arith.constant 0 : i32
    %dma_wait3A_83 = tpu.memref_slice %arg8[%dma_wait3A_81, %dma_wait3A_82] : memref<125x80xi32, #tpu.memory_space<vmem>> -> memref<1x80xi32, #tpu.memory_space<vmem>>
    %dma_wait3A_84 = tpu.memref_squeeze %dma_wait3A_83 : memref<1x80xi32, #tpu.memory_space<vmem>> -> memref<80xi32, #tpu.memory_space<vmem>>
    %dma_wait3A_85 = arith.constant 0 : i32
    %dma_wait3A_86 = arith.constant 0 : i32
    %dma_wait3A_87 = tpu.memref_slice %arg6[%dma_wait3A_85, %dma_wait3A_86] : memref<10016x128xf32, #tpu.memory_space<vmem_shared>> -> memref<10016x128xf32, #tpu.memory_space<vmem_shared>>
    tpu.wait_indirect_dma semaphore(%arg16 : memref<!tpu.dma_semaphore, #tpu.memory_space<semaphore_mem>>) src(%arg10 : memref<80x128xf32, #tpu.memory_space<vmem>>) dst(%dma_wait3A_87 : memref<10016x128xf32, #tpu.memory_space<vmem_shared>>)
    %barrier3A_88 = arith.constant 0 : index
    tpu.barrier barrier_id(%barrier3A_88)
    %scan3A_89 = arith.constant 0 : i32
    %scan3A_90 = arith.constant 7 : i32
    %scan3A_91 = arith.addi %scan3A_89, %scan3A_90 : i32
    %scan3A_92 = arith.constant 1 : i32
    scf.for %scan3A_96 = %scan3A_89 to %scan3A_91 step %scan3A_92  : i32 {
      %mul3A_97 = arith.constant 1 : i32
      %mul3A_98 = arith.muli %scan3A_96, %mul3A_97 : i32
      %add3A_99 = arith.constant 0 : i32
      %add3A_100 = arith.addi %add3A_99, %mul3A_98 : i32
      %mul3A_101 = arith.constant 80 : i32
      %mul3A_102 = arith.muli %add3A_100, %mul3A_101 : i32
      %add3A_103 = arith.addi %mul3A_14, %mul3A_102 : i32
      "tpu.region"() ({
        %run_scoped3A = tpu.sem_alloc : memref<!tpu.dma_semaphore, #tpu.memory_space<semaphore_mem>>
        %dma_start3A_104 = arith.constant 0 : i32
        %dma_start3A_105 = tpu.memref_slice %arg5[%arg0, %add3A_103, %dma_start3A_104] : memref<2x10000x128xf32, #tpu.memory_space<hbm>> -> memref<1x80x128xf32, #tpu.memory_space<hbm>>
        %dma_start3A_106 = tpu.memref_squeeze %dma_start3A_105 : memref<1x80x128xf32, #tpu.memory_space<hbm>> -> memref<80x128xf32, #tpu.memory_space<hbm>>
        %dma_start3A_107 = arith.constant 0 : i32
        %dma_start3A_108 = tpu.memref_slice %arg6[%add3A_103, %dma_start3A_107] : memref<10016x128xf32, #tpu.memory_space<vmem_shared>> -> memref<80x128xf32, #tpu.memory_space<vmem_shared>>
        tpu.enqueue_dma source(%dma_start3A_108 : memref<80x128xf32, #tpu.memory_space<vmem_shared>>) target(%dma_start3A_106 : memref<80x128xf32, #tpu.memory_space<hbm>>) target_semaphore(%run_scoped3A : memref<!tpu.dma_semaphore, #tpu.memory_space<semaphore_mem>>)
        %dma_wait3A_109 = arith.constant 0 : i32
        %dma_wait3A_110 = tpu.memref_slice %arg5[%arg0, %add3A_103, %dma_wait3A_109] : memref<2x10000x128xf32, #tpu.memory_space<hbm>> -> memref<1x80x128xf32, #tpu.memory_space<hbm>>
        %dma_wait3A_111 = tpu.memref_squeeze %dma_wait3A_110 : memref<1x80x128xf32, #tpu.memory_space<hbm>> -> memref<80x128xf32, #tpu.memory_space<hbm>>
        %dma_wait3A_112 = arith.constant 0 : i32
        %dma_wait3A_113 = tpu.memref_slice %arg6[%add3A_103, %dma_wait3A_112] : memref<10016x128xf32, #tpu.memory_space<vmem_shared>> -> memref<80x128xf32, #tpu.memory_space<vmem_shared>>
        tpu.wait_dma2 semaphore(%run_scoped3A : memref<!tpu.dma_semaphore, #tpu.memory_space<semaphore_mem>>) src(%dma_wait3A_113 : memref<80x128xf32, #tpu.memory_space<vmem_shared>>) dst(%dma_wait3A_111 : memref<80x128xf32, #tpu.memory_space<hbm>>)
        tpu.yield
      }) : () -> ()
    }
    %scan3A_93 = arith.constant 7 : i32
    %add3A_94 = arith.constant 560 : i32
    %add3A_95 = arith.addi %mul3A_14, %add3A_94 : i32
    "tpu.region"() ({
      %run_scoped3A = tpu.sem_alloc : memref<!tpu.dma_semaphore, #tpu.memory_space<semaphore_mem>>
      %dma_start3A_96 = arith.constant 0 : i32
      %dma_start3A_97 = tpu.memref_slice %arg5[%arg0, %add3A_95, %dma_start3A_96] : memref<2x10000x128xf32, #tpu.memory_space<hbm>> -> memref<1x65x128xf32, #tpu.memory_space<hbm>>
      %dma_start3A_98 = tpu.memref_squeeze %dma_start3A_97 : memref<1x65x128xf32, #tpu.memory_space<hbm>> -> memref<65x128xf32, #tpu.memory_space<hbm>>
      %dma_start3A_99 = arith.constant 0 : i32
      %dma_start3A_100 = tpu.memref_slice %arg6[%add3A_95, %dma_start3A_99] : memref<10016x128xf32, #tpu.memory_space<vmem_shared>> -> memref<65x128xf32, #tpu.memory_space<vmem_shared>>
      tpu.enqueue_dma source(%dma_start3A_100 : memref<65x128xf32, #tpu.memory_space<vmem_shared>>) target(%dma_start3A_98 : memref<65x128xf32, #tpu.memory_space<hbm>>) target_semaphore(%run_scoped3A : memref<!tpu.dma_semaphore, #tpu.memory_space<semaphore_mem>>)
      %dma_wait3A_101 = arith.constant 0 : i32
      %dma_wait3A_102 = tpu.memref_slice %arg5[%arg0, %add3A_95, %dma_wait3A_101] : memref<2x10000x128xf32, #tpu.memory_space<hbm>> -> memref<1x65x128xf32, #tpu.memory_space<hbm>>
      %dma_wait3A_103 = tpu.memref_squeeze %dma_wait3A_102 : memref<1x65x128xf32, #tpu.memory_space<hbm>> -> memref<65x128xf32, #tpu.memory_space<hbm>>
      %dma_wait3A_104 = arith.constant 0 : i32
      %dma_wait3A_105 = tpu.memref_slice %arg6[%add3A_95, %dma_wait3A_104] : memref<10016x128xf32, #tpu.memory_space<vmem_shared>> -> memref<65x128xf32, #tpu.memory_space<vmem_shared>>
      tpu.wait_dma2 semaphore(%run_scoped3A : memref<!tpu.dma_semaphore, #tpu.memory_space<semaphore_mem>>) src(%dma_wait3A_105 : memref<65x128xf32, #tpu.memory_space<vmem_shared>>) dst(%dma_wait3A_103 : memref<65x128xf32, #tpu.memory_space<hbm>>)
      tpu.yield
    }) : () -> ()
    return
  }
}

module attributes {stable_mosaic.version = 14 : i64} {
  func.func @_y1cnt_body(%arg0: i32, %arg1: memref<2000x128xf32, #tpu.memory_space<vmem>>, %arg2: memref<128x128xf32, #tpu.memory_space<vmem>>, %arg3: memref<2000x1xi32, #tpu.memory_space<vmem>>, %arg4: memref<2000x128xf32, #tpu.memory_space<vmem>>, %arg5: memref<128x1xf32, #tpu.memory_space<vmem>>) attributes {dimension_semantics = [#tpu.dimension_semantics<arbitrary>], iteration_bounds = array<i64: 5>, scalar_prefetch = 0 : i64, scratch_operands = 0 : i64, tpu.core_type = #tpu.core_type<tc>, window_params = [{transform_indices = @transform_0, window_bounds = array<i64: 2000, 128>}, {pipeline_mode = #tpu.pipeline_mode<synchronous>, transform_indices = @transform_1, window_bounds = array<i64: 128, 128>}, {transform_indices = @transform_2, window_bounds = array<i64: 2000, 1>}, {transform_indices = @transform_3, window_bounds = array<i64: 2000, 128>}, {pipeline_mode = #tpu.pipeline_mode<synchronous>, transform_indices = @transform_4, window_bounds = array<i64: 128, 1>}]} {
    %get3A = arith.constant 0 : index
    %get3A_0 = arith.constant 0 : index
    %get3A_1 = vector.load %arg1[%get3A, %get3A_0] : memref<2000x128xf32, #tpu.memory_space<vmem>>, vector<2000x128xf32>
    %get3A_2 = arith.constant 0 : index
    %get3A_3 = arith.constant 0 : index
    %get3A_4 = vector.load %arg2[%get3A_2, %get3A_3] : memref<128x128xf32, #tpu.memory_space<vmem>>, vector<128x128xf32>
    %dot_general3A = arith.constant dense<0.000000e+00> : vector<2000x128xf32>
    %dot_general3A_5 = tpu.matmul %get3A_1, %get3A_4, %dot_general3A {dimension_numbers = #tpu.dot_dimension_numbers<[1], [0], [0], [1], [0, 0, 1, 1], [], []>, transpose_lhs_hint = false} : vector<2000x128xf32>, vector<128x128xf32>, vector<2000x128xf32> -> vector<2000x128xf32>
    %swap3A = arith.constant 0 : index
    %swap3A_6 = arith.constant 0 : index
    %swap3A_7 = vector.load %arg4[%swap3A, %swap3A_6] : memref<2000x128xf32, #tpu.memory_space<vmem>>, vector<2000x128xf32>
    tpu.vector_store %arg4[%swap3A, %swap3A_6], %dot_general3A_5 {strides = array<i32>} : memref<2000x128xf32, #tpu.memory_space<vmem>>, vector<2000x128xf32>,
    %iota3A = tpu.iota {dimensions = array<i32: 1>} : vector<2000x128xi32>
    %get3A_8 = arith.constant 0 : index
    %get3A_9 = arith.constant 0 : index
    %get3A_10 = vector.load %arg3[%get3A_8, %get3A_9] : memref<2000x1xi32, #tpu.memory_space<vmem>>, vector<2000x1xi32>
    %eq3A = vector.broadcast %get3A_10 : vector<2000x1xi32> to vector<2000x128xi32>
    %eq3A_11 = arith.cmpi eq, %eq3A, %iota3A : vector<2000x128xi32>
    %convert_element_type3A = arith.extui %eq3A_11 : vector<2000x128xi1> to vector<2000x128xi32>
    %convert_element_type3A_12 = arith.sitofp %convert_element_type3A : vector<2000x128xi32> to vector<2000x128xf32>
    %broadcast_in_dim3A = arith.constant 1.000000e+00 : f32
    %broadcast_in_dim3A_13 = vector.broadcast %broadcast_in_dim3A : f32 to vector<2000x1xf32>
    %dot_general3A_14 = arith.constant dense<0.000000e+00> : vector<128x1xf32>
    %dot_general3A_15 = tpu.matmul %convert_element_type3A_12, %broadcast_in_dim3A_13, %dot_general3A_14 {dimension_numbers = #tpu.dot_dimension_numbers<[0], [0], [1], [1], [0, 1, 1, 1], [], []>, transpose_lhs_hint = false} : vector<2000x128xf32>, vector<2000x1xf32>, vector<128x1xf32> -> vector<128x1xf32>
    %eq3A_16 = arith.constant 0 : i32
    %eq3A_17 = arith.cmpi eq, %arg0, %eq3A_16 : i32
    %convert_element_type3A_18 = arith.extui %eq3A_17 : i1 to i32
    %cond3A = arith.constant 0 : i32
    %cond3A_19 = arith.cmpi ne, %convert_element_type3A_18, %cond3A : i32
    scf.if %cond3A_19 {
      %swap3A_24 = arith.constant 0 : index
      %swap3A_25 = arith.constant 0 : index
      %swap3A_26 = vector.load %arg5[%swap3A_24, %swap3A_25] : memref<128x1xf32, #tpu.memory_space<vmem>>, vector<128x1xf32>
      tpu.vector_store %arg5[%swap3A_24, %swap3A_25], %dot_general3A_15 {strides = array<i32>} : memref<128x1xf32, #tpu.memory_space<vmem>>, vector<128x1xf32>,
    } else {
    }
    %gt3A = arith.constant 0 : i32
    %gt3A_20 = arith.cmpi sgt, %arg0, %gt3A : i32
    %convert_element_type3A_21 = arith.extui %gt3A_20 : i1 to i32
    %cond3A_22 = arith.constant 0 : i32
    %cond3A_23 = arith.cmpi ne, %convert_element_type3A_21, %cond3A_22 : i32
    scf.if %cond3A_23 {
      %get3A_24 = arith.constant 0 : index
      %get3A_25 = arith.constant 0 : index
      %get3A_26 = vector.load %arg5[%get3A_24, %get3A_25] : memref<128x1xf32, #tpu.memory_space<vmem>>, vector<128x1xf32>
      %add3A = arith.addf %get3A_26, %dot_general3A_15 : vector<128x1xf32>
      %swap3A_27 = arith.constant 0 : index
      %swap3A_28 = arith.constant 0 : index
      %swap3A_29 = vector.load %arg5[%swap3A_27, %swap3A_28] : memref<128x1xf32, #tpu.memory_space<vmem>>, vector<128x1xf32>
      tpu.vector_store %arg5[%swap3A_27, %swap3A_28], %add3A {strides = array<i32>} : memref<128x1xf32, #tpu.memory_space<vmem>>, vector<128x1xf32>,
    } else {
    }
    return
  }
  func.func @transform_0(%arg0: i32) -> (i32, i32) {
    %c0_i32 = arith.constant 0 : i32
    %c0_i32_0 = arith.constant 0 : i32
    return %arg0, %c0_i32 : i32, i32
  }
  func.func @transform_1(%arg0: i32) -> (i32, i32) {
    %c0_i32 = arith.constant 0 : i32
    %c0_i32_0 = arith.constant 0 : i32
    %c0_i32_1 = arith.constant 0 : i32
    return %c0_i32, %c0_i32_0 : i32, i32
  }
  func.func @transform_2(%arg0: i32) -> (i32, i32) {
    %c0_i32 = arith.constant 0 : i32
    %c0_i32_0 = arith.constant 0 : i32
    return %arg0, %c0_i32 : i32, i32
  }
  func.func @transform_3(%arg0: i32) -> (i32, i32) {
    %c0_i32 = arith.constant 0 : i32
    %c0_i32_0 = arith.constant 0 : i32
    return %arg0, %c0_i32 : i32, i32
  }
  func.func @transform_4(%arg0: i32) -> (i32, i32) {
    %c0_i32 = arith.constant 0 : i32
    %c0_i32_0 = arith.constant 0 : i32
    %c0_i32_1 = arith.constant 0 : i32
    return %c0_i32, %c0_i32_0 : i32, i32
  }
}

module attributes {stable_mosaic.version = 14 : i64} {
  func.func @_scale_root_body(%arg0: i32, %arg1: memref<2000x128xf32, #tpu.memory_space<vmem>>, %arg2: memref<1x32x2000xf32, #tpu.memory_space<vmem>>, %arg3: memref<2000x128xf32, #tpu.memory_space<vmem>>, %arg4: memref<128x1xf32, #tpu.memory_space<vmem>>, %arg5: memref<128x128xf32, #tpu.memory_space<vmem>>, %arg6: memref<2000x128xf32, #tpu.memory_space<vmem>>, %arg7: memref<2000x1xf32, #tpu.memory_space<vmem>>, %arg8: memref<128x128xf32, #tpu.memory_space<vmem>>, %arg9: memref<128x128xf32, #tpu.memory_space<vmem>>) attributes {dimension_semantics = [#tpu.dimension_semantics<arbitrary>], iteration_bounds = array<i64: 5>, scalar_prefetch = 0 : i64, scratch_operands = 1 : i64, tpu.core_type = #tpu.core_type<tc>, window_params = [{transform_indices = @transform_0, window_bounds = array<i64: 2000, 128>}, {transform_indices = @transform_1, window_bounds = array<i64: 1, 32, 2000>}, {transform_indices = @transform_2, window_bounds = array<i64: 2000, 128>}, {pipeline_mode = #tpu.pipeline_mode<synchronous>, transform_indices = @transform_3, window_bounds = array<i64: 128, 1>}, {pipeline_mode = #tpu.pipeline_mode<synchronous>, transform_indices = @transform_4, window_bounds = array<i64: 128, 128>}, {transform_indices = @transform_5, window_bounds = array<i64: 2000, 128>}, {transform_indices = @transform_6, window_bounds = array<i64: 2000, 1>}, {pipeline_mode = #tpu.pipeline_mode<synchronous>, transform_indices = @transform_7, window_bounds = array<i64: 128, 128>}]} {
    %get3A = arith.constant 0 : index
    %get3A_0 = arith.constant 0 : index
    %get3A_1 = arith.constant 0 : index
    %get3A_2 = vector.load %arg2[%get3A, %get3A_0, %get3A_1] : memref<1x32x2000xf32, #tpu.memory_space<vmem>>, vector<1x32x2000xf32>
    %reduce_sum3A = arith.constant dense<0.000000e+00> : vector<2000xf32>
    %reduce_sum3A_3 = vector.multi_reduction <add>, %get3A_2, %reduce_sum3A [0, 1] : vector<1x32x2000xf32> to vector<2000xf32>
    %add3A = arith.constant 1.000000e+00 : f32
    %add3A_4 = vector.broadcast %add3A : f32 to vector<2000xf32>
    %add3A_5 = arith.addf %reduce_sum3A_3, %add3A_4 : vector<2000xf32>
    %rsqrt3A = math.rsqrt %add3A_5 : vector<2000xf32>
    %reshape3A = vector.shape_cast %rsqrt3A : vector<2000xf32> to vector<2000x1xf32>
    %swap3A = arith.constant 0 : index
    %swap3A_6 = arith.constant 0 : index
    %swap3A_7 = vector.load %arg7[%swap3A, %swap3A_6] : memref<2000x1xf32, #tpu.memory_space<vmem>>, vector<2000x1xf32>
    tpu.vector_store %arg7[%swap3A, %swap3A_6], %reshape3A {strides = array<i32>} : memref<2000x1xf32, #tpu.memory_space<vmem>>, vector<2000x1xf32>,
    %get3A_8 = arith.constant 0 : index
    %get3A_9 = arith.constant 0 : index
    %get3A_10 = vector.load %arg1[%get3A_8, %get3A_9] : memref<2000x128xf32, #tpu.memory_space<vmem>>, vector<2000x128xf32>
    %mul3A = vector.broadcast %reshape3A : vector<2000x1xf32> to vector<2000x128xf32>
    %mul3A_11 = arith.mulf %get3A_10, %mul3A : vector<2000x128xf32>
    %swap3A_12 = arith.constant 0 : index
    %swap3A_13 = arith.constant 0 : index
    %swap3A_14 = vector.load %arg6[%swap3A_12, %swap3A_13] : memref<2000x128xf32, #tpu.memory_space<vmem>>, vector<2000x128xf32>
    tpu.vector_store %arg6[%swap3A_12, %swap3A_13], %mul3A_11 {strides = array<i32>} : memref<2000x128xf32, #tpu.memory_space<vmem>>, vector<2000x128xf32>,
    %get3A_15 = arith.constant 0 : index
    %get3A_16 = arith.constant 0 : index
    %get3A_17 = vector.load %arg4[%get3A_15, %get3A_16] : memref<128x1xf32, #tpu.memory_space<vmem>>, vector<128x1xf32>
    %iota3A = tpu.iota {dimensions = array<i32: 1>} : vector<128x128xi32>
    %iota3A_18 = tpu.iota {dimensions = array<i32: 0>} : vector<128x128xi32>
    %lt3A = arith.cmpi slt, %iota3A, %iota3A_18 : vector<128x128xi32>
    %convert_element_type3A = arith.extui %lt3A : vector<128x128xi1> to vector<128x128xi32>
    %convert_element_type3A_19 = arith.sitofp %convert_element_type3A : vector<128x128xi32> to vector<128x128xf32>
    %dot_general3A = arith.constant dense<0.000000e+00> : vector<128x1xf32>
    %dot_general3A_20 = tpu.matmul %convert_element_type3A_19, %get3A_17, %dot_general3A {dimension_numbers = #tpu.dot_dimension_numbers<[1], [0], [0], [1], [0, 0, 1, 1], [], []>, transpose_lhs_hint = false} : vector<128x128xf32>, vector<128x1xf32>, vector<128x1xf32> -> vector<128x1xf32>
    %convert_element_type3A_21 = arith.fptosi %dot_general3A_20 : vector<128x1xf32> to vector<128x1xi32>
    %mul3A_22 = arith.constant 2000 : i32
    %mul3A_23 = arith.muli %arg0, %mul3A_22 : i32
    %iota3A_24 = tpu.iota {dimensions = array<i32: 1>} : vector<128x2000xi32>
    %add3A_25 = vector.broadcast %mul3A_23 : i32 to vector<128x2000xi32>
    %add3A_26 = arith.addi %add3A_25, %iota3A_24 : vector<128x2000xi32>
    %eq3A = vector.broadcast %convert_element_type3A_21 : vector<128x1xi32> to vector<128x2000xi32>
    %eq3A_27 = arith.cmpi eq, %add3A_26, %eq3A : vector<128x2000xi32>
    %convert_element_type3A_28 = arith.extui %eq3A_27 : vector<128x2000xi1> to vector<128x2000xi32>
    %convert_element_type3A_29 = arith.sitofp %convert_element_type3A_28 : vector<128x2000xi32> to vector<128x2000xf32>
    %get3A_30 = arith.constant 0 : index
    %get3A_31 = arith.constant 0 : index
    %get3A_32 = vector.load %arg3[%get3A_30, %get3A_31] : memref<2000x128xf32, #tpu.memory_space<vmem>>, vector<2000x128xf32>
    %dot_general3A_33 = arith.constant dense<0.000000e+00> : vector<128x128xf32>
    %dot_general3A_34 = tpu.matmul %convert_element_type3A_29, %get3A_32, %dot_general3A_33 {dimension_numbers = #tpu.dot_dimension_numbers<[1], [0], [0], [1], [0, 0, 1, 1], [], []>, transpose_lhs_hint = false} : vector<128x2000xf32>, vector<2000x128xf32>, vector<128x128xf32> -> vector<128x128xf32>
    %eq3A_35 = arith.constant 0 : i32
    %eq3A_36 = arith.cmpi eq, %arg0, %eq3A_35 : i32
    %convert_element_type3A_37 = arith.extui %eq3A_36 : i1 to i32
    %cond3A = arith.constant 0 : i32
    %cond3A_38 = arith.cmpi ne, %convert_element_type3A_37, %cond3A : i32
    scf.if %cond3A_38 {
      %swap3A_48 = arith.constant 0 : index
      %swap3A_49 = arith.constant 0 : index
      %swap3A_50 = vector.load %arg9[%swap3A_48, %swap3A_49] : memref<128x128xf32, #tpu.memory_space<vmem>>, vector<128x128xf32>
      tpu.vector_store %arg9[%swap3A_48, %swap3A_49], %dot_general3A_34 {strides = array<i32>} : memref<128x128xf32, #tpu.memory_space<vmem>>, vector<128x128xf32>,
    } else {
    }
    %gt3A = arith.constant 0 : i32
    %gt3A_39 = arith.cmpi sgt, %arg0, %gt3A : i32
    %convert_element_type3A_40 = arith.extui %gt3A_39 : i1 to i32
    %cond3A_41 = arith.constant 0 : i32
    %cond3A_42 = arith.cmpi ne, %convert_element_type3A_40, %cond3A_41 : i32
    scf.if %cond3A_42 {
      %get3A_48 = arith.constant 0 : index
      %get3A_49 = arith.constant 0 : index
      %get3A_50 = vector.load %arg9[%get3A_48, %get3A_49] : memref<128x128xf32, #tpu.memory_space<vmem>>, vector<128x128xf32>
      %add3A_51 = arith.addf %get3A_50, %dot_general3A_34 : vector<128x128xf32>
      %swap3A_52 = arith.constant 0 : index
      %swap3A_53 = arith.constant 0 : index
      %swap3A_54 = vector.load %arg9[%swap3A_52, %swap3A_53] : memref<128x128xf32, #tpu.memory_space<vmem>>, vector<128x128xf32>
      tpu.vector_store %arg9[%swap3A_52, %swap3A_53], %add3A_51 {strides = array<i32>} : memref<128x128xf32, #tpu.memory_space<vmem>>, vector<128x128xf32>,
    } else {
    }
    %eq3A_43 = arith.constant 4 : i32
    %eq3A_44 = arith.cmpi eq, %arg0, %eq3A_43 : i32
    %convert_element_type3A_45 = arith.extui %eq3A_44 : i1 to i32
    %cond3A_46 = arith.constant 0 : i32
    %cond3A_47 = arith.cmpi ne, %convert_element_type3A_45, %cond3A_46 : i32
    scf.if %cond3A_47 {
      %get3A_48 = arith.constant 0 : index
      %get3A_49 = arith.constant 0 : index
      %get3A_50 = vector.load %arg9[%get3A_48, %get3A_49] : memref<128x128xf32, #tpu.memory_space<vmem>>, vector<128x128xf32>
      %max3A = arith.constant 0.000000e+00 : f32
      %max3A_51 = vector.broadcast %max3A : f32 to vector<128x128xf32>
      %max3A_52 = arith.maximumf %get3A_50, %max3A_51 : vector<128x128xf32>
      %get3A_53 = arith.constant 0 : index
      %get3A_54 = arith.constant 0 : index
      %get3A_55 = vector.load %arg5[%get3A_53, %get3A_54] : memref<128x128xf32, #tpu.memory_space<vmem>>, vector<128x128xf32>
      %dot_general3A_56 = arith.constant dense<0.000000e+00> : vector<128x128xf32>
      %dot_general3A_57 = tpu.matmul %max3A_52, %get3A_55, %dot_general3A_56 {dimension_numbers = #tpu.dot_dimension_numbers<[1], [0], [0], [1], [0, 0, 1, 1], [], []>, transpose_lhs_hint = false} : vector<128x128xf32>, vector<128x128xf32>, vector<128x128xf32> -> vector<128x128xf32>
      %swap3A_58 = arith.constant 0 : index
      %swap3A_59 = arith.constant 0 : index
      %swap3A_60 = vector.load %arg8[%swap3A_58, %swap3A_59] : memref<128x128xf32, #tpu.memory_space<vmem>>, vector<128x128xf32>
      tpu.vector_store %arg8[%swap3A_58, %swap3A_59], %dot_general3A_57 {strides = array<i32>} : memref<128x128xf32, #tpu.memory_space<vmem>>, vector<128x128xf32>,
    } else {
    }
    return
  }
  func.func @transform_0(%arg0: i32) -> (i32, i32) {
    %c0_i32 = arith.constant 0 : i32
    %c0_i32_0 = arith.constant 0 : i32
    return %arg0, %c0_i32 : i32, i32
  }
  func.func @transform_1(%arg0: i32) -> (i32, i32, i32) {
    %c0_i32 = arith.constant 0 : i32
    %c0_i32_0 = arith.constant 0 : i32
    %c0_i32_1 = arith.constant 0 : i32
    return %arg0, %c0_i32, %c0_i32_0 : i32, i32, i32
  }
  func.func @transform_2(%arg0: i32) -> (i32, i32) {
    %c0_i32 = arith.constant 0 : i32
    %c0_i32_0 = arith.constant 0 : i32
    return %arg0, %c0_i32 : i32, i32
  }
  func.func @transform_3(%arg0: i32) -> (i32, i32) {
    %c0_i32 = arith.constant 0 : i32
    %c0_i32_0 = arith.constant 0 : i32
    %c0_i32_1 = arith.constant 0 : i32
    return %c0_i32, %c0_i32_0 : i32, i32
  }
  func.func @transform_4(%arg0: i32) -> (i32, i32) {
    %c0_i32 = arith.constant 0 : i32
    %c0_i32_0 = arith.constant 0 : i32
    %c0_i32_1 = arith.constant 0 : i32
    return %c0_i32, %c0_i32_0 : i32, i32
  }
  func.func @transform_5(%arg0: i32) -> (i32, i32) {
    %c0_i32 = arith.constant 0 : i32
    %c0_i32_0 = arith.constant 0 : i32
    return %arg0, %c0_i32 : i32, i32
  }
  func.func @transform_6(%arg0: i32) -> (i32, i32) {
    %c0_i32 = arith.constant 0 : i32
    %c0_i32_0 = arith.constant 0 : i32
    return %arg0, %c0_i32 : i32, i32
  }
  func.func @transform_7(%arg0: i32) -> (i32, i32) {
    %c0_i32 = arith.constant 0 : i32
    %c0_i32_0 = arith.constant 0 : i32
    %c0_i32_1 = arith.constant 0 : i32
    return %c0_i32, %c0_i32_0 : i32, i32
  }
}

module attributes {stable_mosaic.version = 14 : i64} {
  func.func @_mid_body(%arg0: i32, %arg1: memref<2x2000x128xf32, #tpu.memory_space<vmem>>, %arg2: memref<2000x128xf32, #tpu.memory_space<vmem>>, %arg3: memref<2000x1xf32, #tpu.memory_space<vmem>>, %arg4: memref<1x128xf32, #tpu.memory_space<vmem>>, %arg5: memref<128x128xf32, #tpu.memory_space<vmem>>, %arg6: memref<2000x1xi32, #tpu.memory_space<vmem>>, %arg7: memref<128x128xf32, #tpu.memory_space<vmem>>, %arg8: memref<2000x128xf32, #tpu.memory_space<vmem>>, %arg9: memref<2000x128xf32, #tpu.memory_space<vmem>>) attributes {dimension_semantics = [#tpu.dimension_semantics<arbitrary>], iteration_bounds = array<i64: 5>, scalar_prefetch = 0 : i64, scratch_operands = 0 : i64, tpu.core_type = #tpu.core_type<tc>, window_params = [{transform_indices = @transform_0, window_bounds = array<i64: 2, 2000, 128>}, {transform_indices = @transform_1, window_bounds = array<i64: 2000, 128>}, {transform_indices = @transform_2, window_bounds = array<i64: 2000, 1>}, {pipeline_mode = #tpu.pipeline_mode<synchronous>, transform_indices = @transform_3, window_bounds = array<i64: 1, 128>}, {pipeline_mode = #tpu.pipeline_mode<synchronous>, transform_indices = @transform_4, window_bounds = array<i64: 128, 128>}, {transform_indices = @transform_5, window_bounds = array<i64: 2000, 1>}, {pipeline_mode = #tpu.pipeline_mode<synchronous>, transform_indices = @transform_6, window_bounds = array<i64: 128, 128>}, {transform_indices = @transform_7, window_bounds = array<i64: 2000, 128>}, {transform_indices = @transform_8, window_bounds = array<i64: 2000, 128>}]} {
    %get3A = arith.constant 0 : index
    %get3A_0 = arith.constant 0 : index
    %get3A_1 = vector.load %arg3[%get3A, %get3A_0] : memref<2000x1xf32, #tpu.memory_space<vmem>>, vector<2000x1xf32>
    %get3A_2 = arith.constant 0 : index
    %get3A_3 = arith.constant 0 : index
    %get3A_4 = arith.constant 0 : index
    %get3A_5 = vector.load %arg1[%get3A_2, %get3A_3, %get3A_4] : memref<2x2000x128xf32, #tpu.memory_space<vmem>>, vector<1x2000x128xf32>
    %get3A_6 = vector.shape_cast %get3A_5 : vector<1x2000x128xf32> to vector<2000x128xf32>
    %get3A_7 = arith.constant 1 : index
    %get3A_8 = arith.constant 0 : index
    %get3A_9 = arith.constant 0 : index
    %get3A_10 = vector.load %arg1[%get3A_7, %get3A_8, %get3A_9] : memref<2x2000x128xf32, #tpu.memory_space<vmem>>, vector<1x2000x128xf32>
    %get3A_11 = vector.shape_cast %get3A_10 : vector<1x2000x128xf32> to vector<2000x128xf32>
    %add3A = arith.addf %get3A_6, %get3A_11 : vector<2000x128xf32>
    %get3A_12 = arith.constant 0 : index
    %get3A_13 = arith.constant 0 : index
    %get3A_14 = vector.load %arg2[%get3A_12, %get3A_13] : memref<2000x128xf32, #tpu.memory_space<vmem>>, vector<2000x128xf32>
    %add3A_15 = arith.addf %add3A, %get3A_14 : vector<2000x128xf32>
    %mul3A = vector.broadcast %get3A_1 : vector<2000x1xf32> to vector<2000x128xf32>
    %mul3A_16 = arith.mulf %mul3A, %add3A_15 : vector<2000x128xf32>
    %get3A_17 = arith.constant 0 : index
    %get3A_18 = arith.constant 0 : index
    %get3A_19 = vector.load %arg4[%get3A_17, %get3A_18] : memref<1x128xf32, #tpu.memory_space<vmem>>, vector<1x128xf32>
    %add3A_20 = vector.broadcast %get3A_19 : vector<1x128xf32> to vector<2000x128xf32>
    %add3A_21 = arith.addf %mul3A_16, %add3A_20 : vector<2000x128xf32>
    %swap3A = arith.constant 0 : index
    %swap3A_22 = arith.constant 0 : index
    %swap3A_23 = vector.load %arg8[%swap3A, %swap3A_22] : memref<2000x128xf32, #tpu.memory_space<vmem>>, vector<2000x128xf32>
    tpu.vector_store %arg8[%swap3A, %swap3A_22], %add3A_21 {strides = array<i32>} : memref<2000x128xf32, #tpu.memory_space<vmem>>, vector<2000x128xf32>,
    %iota3A = tpu.iota {dimensions = array<i32: 1>} : vector<2000x128xi32>
    %get3A_24 = arith.constant 0 : index
    %get3A_25 = arith.constant 0 : index
    %get3A_26 = vector.load %arg6[%get3A_24, %get3A_25] : memref<2000x1xi32, #tpu.memory_space<vmem>>, vector<2000x1xi32>
    %eq3A = vector.broadcast %get3A_26 : vector<2000x1xi32> to vector<2000x128xi32>
    %eq3A_27 = arith.cmpi eq, %eq3A, %iota3A : vector<2000x128xi32>
    %convert_element_type3A = arith.extui %eq3A_27 : vector<2000x128xi1> to vector<2000x128xi32>
    %convert_element_type3A_28 = arith.sitofp %convert_element_type3A : vector<2000x128xi32> to vector<2000x128xf32>
    %get3A_29 = arith.constant 0 : index
    %get3A_30 = arith.constant 0 : index
    %get3A_31 = vector.load %arg5[%get3A_29, %get3A_30] : memref<128x128xf32, #tpu.memory_space<vmem>>, vector<128x128xf32>
    %dot_general3A = arith.constant dense<0.000000e+00> : vector<2000x128xf32>
    %dot_general3A_32 = tpu.matmul %convert_element_type3A_28, %get3A_31, %dot_general3A {dimension_numbers = #tpu.dot_dimension_numbers<[1], [0], [0], [1], [0, 0, 1, 1], [], []>, transpose_lhs_hint = false} : vector<2000x128xf32>, vector<128x128xf32>, vector<2000x128xf32> -> vector<2000x128xf32>
    %max3A = arith.constant 0.000000e+00 : f32
    %max3A_33 = vector.broadcast %max3A : f32 to vector<2000x128xf32>
    %max3A_34 = arith.maximumf %add3A_21, %max3A_33 : vector<2000x128xf32>
    %get3A_35 = arith.constant 0 : index
    %get3A_36 = arith.constant 0 : index
    %get3A_37 = vector.load %arg7[%get3A_35, %get3A_36] : memref<128x128xf32, #tpu.memory_space<vmem>>, vector<128x128xf32>
    %dot_general3A_38 = arith.constant dense<0.000000e+00> : vector<2000x128xf32>
    %dot_general3A_39 = tpu.matmul %max3A_34, %get3A_37, %dot_general3A_38 {dimension_numbers = #tpu.dot_dimension_numbers<[1], [0], [0], [1], [0, 0, 1, 1], [], []>, transpose_lhs_hint = false} : vector<2000x128xf32>, vector<128x128xf32>, vector<2000x128xf32> -> vector<2000x128xf32>
    %add3A_40 = arith.addf %dot_general3A_39, %dot_general3A_32 : vector<2000x128xf32>
    %mul3A_41 = vector.broadcast %get3A_1 : vector<2000x1xf32> to vector<2000x128xf32>
    %mul3A_42 = arith.mulf %add3A_40, %mul3A_41 : vector<2000x128xf32>
    %swap3A_43 = arith.constant 0 : index
    %swap3A_44 = arith.constant 0 : index
    %swap3A_45 = vector.load %arg9[%swap3A_43, %swap3A_44] : memref<2000x128xf32, #tpu.memory_space<vmem>>, vector<2000x128xf32>
    tpu.vector_store %arg9[%swap3A_43, %swap3A_44], %mul3A_42 {strides = array<i32>} : memref<2000x128xf32, #tpu.memory_space<vmem>>, vector<2000x128xf32>,
    return
  }
  func.func @transform_0(%arg0: i32) -> (i32, i32, i32) {
    %c0_i32 = arith.constant 0 : i32
    %c0_i32_0 = arith.constant 0 : i32
    %c0_i32_1 = arith.constant 0 : i32
    return %c0_i32, %arg0, %c0_i32_0 : i32, i32, i32
  }
  func.func @transform_1(%arg0: i32) -> (i32, i32) {
    %c0_i32 = arith.constant 0 : i32
    %c0_i32_0 = arith.constant 0 : i32
    return %arg0, %c0_i32 : i32, i32
  }
  func.func @transform_2(%arg0: i32) -> (i32, i32) {
    %c0_i32 = arith.constant 0 : i32
    %c0_i32_0 = arith.constant 0 : i32
    return %arg0, %c0_i32 : i32, i32
  }
  func.func @transform_3(%arg0: i32) -> (i32, i32) {
    %c0_i32 = arith.constant 0 : i32
    %c0_i32_0 = arith.constant 0 : i32
    %c0_i32_1 = arith.constant 0 : i32
    return %c0_i32, %c0_i32_0 : i32, i32
  }
  func.func @transform_4(%arg0: i32) -> (i32, i32) {
    %c0_i32 = arith.constant 0 : i32
    %c0_i32_0 = arith.constant 0 : i32
    %c0_i32_1 = arith.constant 0 : i32
    return %c0_i32, %c0_i32_0 : i32, i32
  }
  func.func @transform_5(%arg0: i32) -> (i32, i32) {
    %c0_i32 = arith.constant 0 : i32
    %c0_i32_0 = arith.constant 0 : i32
    return %arg0, %c0_i32 : i32, i32
  }
  func.func @transform_6(%arg0: i32) -> (i32, i32) {
    %c0_i32 = arith.constant 0 : i32
    %c0_i32_0 = arith.constant 0 : i32
    %c0_i32_1 = arith.constant 0 : i32
    return %c0_i32, %c0_i32_0 : i32, i32
  }
  func.func @transform_7(%arg0: i32) -> (i32, i32) {
    %c0_i32 = arith.constant 0 : i32
    %c0_i32_0 = arith.constant 0 : i32
    return %arg0, %c0_i32 : i32, i32
  }
  func.func @transform_8(%arg0: i32) -> (i32, i32) {
    %c0_i32 = arith.constant 0 : i32
    %c0_i32_0 = arith.constant 0 : i32
    return %arg0, %c0_i32 : i32, i32
  }
}

module attributes {stable_mosaic.version = 14 : i64} {
  func.func @_final_body(%arg0: i32, %arg1: memref<2x2000x128xf32, #tpu.memory_space<vmem>>, %arg2: memref<2000x128xf32, #tpu.memory_space<vmem>>, %arg3: memref<2000x1xf32, #tpu.memory_space<vmem>>, %arg4: memref<1x128xf32, #tpu.memory_space<vmem>>, %arg5: memref<2000x128xf32, #tpu.memory_space<vmem>>, %arg6: memref<2000x1xi32, #tpu.memory_space<vmem>>, %arg7: memref<128x1xf32, #tpu.memory_space<vmem>>, %arg8: memref<128x256xf32, #tpu.memory_space<vmem>>, %arg9: memref<128x128xf32, #tpu.memory_space<vmem>>, %arg10: memref<128x128xf32, #tpu.memory_space<vmem>>) attributes {dimension_semantics = [#tpu.dimension_semantics<arbitrary>], iteration_bounds = array<i64: 5>, scalar_prefetch = 0 : i64, scratch_operands = 2 : i64, tpu.core_type = #tpu.core_type<tc>, window_params = [{transform_indices = @transform_0, window_bounds = array<i64: 2, 2000, 128>}, {transform_indices = @transform_1, window_bounds = array<i64: 2000, 128>}, {transform_indices = @transform_2, window_bounds = array<i64: 2000, 1>}, {pipeline_mode = #tpu.pipeline_mode<synchronous>, transform_indices = @transform_3, window_bounds = array<i64: 1, 128>}, {transform_indices = @transform_4, window_bounds = array<i64: 2000, 128>}, {transform_indices = @transform_5, window_bounds = array<i64: 2000, 1>}, {pipeline_mode = #tpu.pipeline_mode<synchronous>, transform_indices = @transform_6, window_bounds = array<i64: 128, 1>}, {pipeline_mode = #tpu.pipeline_mode<synchronous>, transform_indices = @transform_7, window_bounds = array<i64: 128, 256>}]} {
    %get3A = arith.constant 0 : index
    %get3A_0 = arith.constant 0 : index
    %get3A_1 = vector.load %arg3[%get3A, %get3A_0] : memref<2000x1xf32, #tpu.memory_space<vmem>>, vector<2000x1xf32>
    %get3A_2 = arith.constant 0 : index
    %get3A_3 = arith.constant 0 : index
    %get3A_4 = arith.constant 0 : index
    %get3A_5 = vector.load %arg1[%get3A_2, %get3A_3, %get3A_4] : memref<2x2000x128xf32, #tpu.memory_space<vmem>>, vector<1x2000x128xf32>
    %get3A_6 = vector.shape_cast %get3A_5 : vector<1x2000x128xf32> to vector<2000x128xf32>
    %get3A_7 = arith.constant 1 : index
    %get3A_8 = arith.constant 0 : index
    %get3A_9 = arith.constant 0 : index
    %get3A_10 = vector.load %arg1[%get3A_7, %get3A_8, %get3A_9] : memref<2x2000x128xf32, #tpu.memory_space<vmem>>, vector<1x2000x128xf32>
    %get3A_11 = vector.shape_cast %get3A_10 : vector<1x2000x128xf32> to vector<2000x128xf32>
    %add3A = arith.addf %get3A_6, %get3A_11 : vector<2000x128xf32>
    %get3A_12 = arith.constant 0 : index
    %get3A_13 = arith.constant 0 : index
    %get3A_14 = vector.load %arg2[%get3A_12, %get3A_13] : memref<2000x128xf32, #tpu.memory_space<vmem>>, vector<2000x128xf32>
    %add3A_15 = arith.addf %add3A, %get3A_14 : vector<2000x128xf32>
    %mul3A = vector.broadcast %get3A_1 : vector<2000x1xf32> to vector<2000x128xf32>
    %mul3A_16 = arith.mulf %mul3A, %add3A_15 : vector<2000x128xf32>
    %get3A_17 = arith.constant 0 : index
    %get3A_18 = arith.constant 0 : index
    %get3A_19 = vector.load %arg4[%get3A_17, %get3A_18] : memref<1x128xf32, #tpu.memory_space<vmem>>, vector<1x128xf32>
    %add3A_20 = vector.broadcast %get3A_19 : vector<1x128xf32> to vector<2000x128xf32>
    %add3A_21 = arith.addf %mul3A_16, %add3A_20 : vector<2000x128xf32>
    %max3A = arith.constant 0.000000e+00 : f32
    %max3A_22 = vector.broadcast %max3A : f32 to vector<2000x128xf32>
    %max3A_23 = arith.maximumf %add3A_21, %max3A_22 : vector<2000x128xf32>
    %iota3A = tpu.iota {dimensions = array<i32: 1>} : vector<2000x128xi32>
    %get3A_24 = arith.constant 0 : index
    %get3A_25 = arith.constant 0 : index
    %get3A_26 = vector.load %arg6[%get3A_24, %get3A_25] : memref<2000x1xi32, #tpu.memory_space<vmem>>, vector<2000x1xi32>
    %eq3A = vector.broadcast %get3A_26 : vector<2000x1xi32> to vector<2000x128xi32>
    %eq3A_27 = arith.cmpi eq, %eq3A, %iota3A : vector<2000x128xi32>
    %convert_element_type3A = arith.extui %eq3A_27 : vector<2000x128xi1> to vector<2000x128xi32>
    %convert_element_type3A_28 = arith.sitofp %convert_element_type3A : vector<2000x128xi32> to vector<2000x128xf32>
    %dot_general3A = arith.constant dense<0.000000e+00> : vector<128x128xf32>
    %dot_general3A_29 = tpu.matmul %convert_element_type3A_28, %max3A_23, %dot_general3A {dimension_numbers = #tpu.dot_dimension_numbers<[0], [0], [1], [1], [0, 1, 1, 1], [], []>, transpose_lhs_hint = false} : vector<2000x128xf32>, vector<2000x128xf32>, vector<128x128xf32> -> vector<128x128xf32>
    %get3A_30 = arith.constant 0 : index
    %get3A_31 = arith.constant 0 : index
    %get3A_32 = vector.load %arg7[%get3A_30, %get3A_31] : memref<128x1xf32, #tpu.memory_space<vmem>>, vector<128x1xf32>
    %iota3A_33 = tpu.iota {dimensions = array<i32: 1>} : vector<128x128xi32>
    %iota3A_34 = tpu.iota {dimensions = array<i32: 0>} : vector<128x128xi32>
    %lt3A = arith.cmpi slt, %iota3A_33, %iota3A_34 : vector<128x128xi32>
    %convert_element_type3A_35 = arith.extui %lt3A : vector<128x128xi1> to vector<128x128xi32>
    %convert_element_type3A_36 = arith.sitofp %convert_element_type3A_35 : vector<128x128xi32> to vector<128x128xf32>
    %dot_general3A_37 = arith.constant dense<0.000000e+00> : vector<128x1xf32>
    %dot_general3A_38 = tpu.matmul %convert_element_type3A_36, %get3A_32, %dot_general3A_37 {dimension_numbers = #tpu.dot_dimension_numbers<[1], [0], [0], [1], [0, 0, 1, 1], [], []>, transpose_lhs_hint = false} : vector<128x128xf32>, vector<128x1xf32>, vector<128x1xf32> -> vector<128x1xf32>
    %convert_element_type3A_39 = arith.fptosi %dot_general3A_38 : vector<128x1xf32> to vector<128x1xi32>
    %mul3A_40 = arith.constant 2000 : i32
    %mul3A_41 = arith.muli %arg0, %mul3A_40 : i32
    %iota3A_42 = tpu.iota {dimensions = array<i32: 1>} : vector<128x2000xi32>
    %add3A_43 = vector.broadcast %mul3A_41 : i32 to vector<128x2000xi32>
    %add3A_44 = arith.addi %add3A_43, %iota3A_42 : vector<128x2000xi32>
    %eq3A_45 = vector.broadcast %convert_element_type3A_39 : vector<128x1xi32> to vector<128x2000xi32>
    %eq3A_46 = arith.cmpi eq, %add3A_44, %eq3A_45 : vector<128x2000xi32>
    %convert_element_type3A_47 = arith.extui %eq3A_46 : vector<128x2000xi1> to vector<128x2000xi32>
    %convert_element_type3A_48 = arith.sitofp %convert_element_type3A_47 : vector<128x2000xi32> to vector<128x2000xf32>
    %get3A_49 = arith.constant 0 : index
    %get3A_50 = arith.constant 0 : index
    %get3A_51 = vector.load %arg5[%get3A_49, %get3A_50] : memref<2000x128xf32, #tpu.memory_space<vmem>>, vector<2000x128xf32>
    %dot_general3A_52 = arith.constant dense<0.000000e+00> : vector<128x128xf32>
    %dot_general3A_53 = tpu.matmul %convert_element_type3A_48, %get3A_51, %dot_general3A_52 {dimension_numbers = #tpu.dot_dimension_numbers<[1], [0], [0], [1], [0, 0, 1, 1], [], []>, transpose_lhs_hint = false} : vector<128x2000xf32>, vector<2000x128xf32>, vector<128x128xf32> -> vector<128x128xf32>
    %eq3A_54 = arith.constant 0 : i32
    %eq3A_55 = arith.cmpi eq, %arg0, %eq3A_54 : i32
    %convert_element_type3A_56 = arith.extui %eq3A_55 : i1 to i32
    %cond3A = arith.constant 0 : i32
    %cond3A_57 = arith.cmpi ne, %convert_element_type3A_56, %cond3A : i32
    scf.if %cond3A_57 {
      %swap3A = arith.constant 0 : index
      %swap3A_67 = arith.constant 0 : index
      %swap3A_68 = vector.load %arg9[%swap3A, %swap3A_67] : memref<128x128xf32, #tpu.memory_space<vmem>>, vector<128x128xf32>
      tpu.vector_store %arg9[%swap3A, %swap3A_67], %dot_general3A_29 {strides = array<i32>} : memref<128x128xf32, #tpu.memory_space<vmem>>, vector<128x128xf32>,
      %swap3A_69 = arith.constant 0 : index
      %swap3A_70 = arith.constant 0 : index
      %swap3A_71 = vector.load %arg10[%swap3A_69, %swap3A_70] : memref<128x128xf32, #tpu.memory_space<vmem>>, vector<128x128xf32>
      tpu.vector_store %arg10[%swap3A_69, %swap3A_70], %dot_general3A_53 {strides = array<i32>} : memref<128x128xf32, #tpu.memory_space<vmem>>, vector<128x128xf32>,
    } else {
    }
    %gt3A = arith.constant 0 : i32
    %gt3A_58 = arith.cmpi sgt, %arg0, %gt3A : i32
    %convert_element_type3A_59 = arith.extui %gt3A_58 : i1 to i32
    %cond3A_60 = arith.constant 0 : i32
    %cond3A_61 = arith.cmpi ne, %convert_element_type3A_59, %cond3A_60 : i32
    scf.if %cond3A_61 {
      %get3A_67 = arith.constant 0 : index
      %get3A_68 = arith.constant 0 : index
      %get3A_69 = vector.load %arg9[%get3A_67, %get3A_68] : memref<128x128xf32, #tpu.memory_space<vmem>>, vector<128x128xf32>
      %add3A_70 = arith.addf %get3A_69, %dot_general3A_29 : vector<128x128xf32>
      %swap3A = arith.constant 0 : index
      %swap3A_71 = arith.constant 0 : index
      %swap3A_72 = vector.load %arg9[%swap3A, %swap3A_71] : memref<128x128xf32, #tpu.memory_space<vmem>>, vector<128x128xf32>
      tpu.vector_store %arg9[%swap3A, %swap3A_71], %add3A_70 {strides = array<i32>} : memref<128x128xf32, #tpu.memory_space<vmem>>, vector<128x128xf32>,
      %get3A_73 = arith.constant 0 : index
      %get3A_74 = arith.constant 0 : index
      %get3A_75 = vector.load %arg10[%get3A_73, %get3A_74] : memref<128x128xf32, #tpu.memory_space<vmem>>, vector<128x128xf32>
      %add3A_76 = arith.addf %get3A_75, %dot_general3A_53 : vector<128x128xf32>
      %swap3A_77 = arith.constant 0 : index
      %swap3A_78 = arith.constant 0 : index
      %swap3A_79 = vector.load %arg10[%swap3A_77, %swap3A_78] : memref<128x128xf32, #tpu.memory_space<vmem>>, vector<128x128xf32>
      tpu.vector_store %arg10[%swap3A_77, %swap3A_78], %add3A_76 {strides = array<i32>} : memref<128x128xf32, #tpu.memory_space<vmem>>, vector<128x128xf32>,
    } else {
    }
    %eq3A_62 = arith.constant 4 : i32
    %eq3A_63 = arith.cmpi eq, %arg0, %eq3A_62 : i32
    %convert_element_type3A_64 = arith.extui %eq3A_63 : i1 to i32
    %cond3A_65 = arith.constant 0 : i32
    %cond3A_66 = arith.cmpi ne, %convert_element_type3A_64, %cond3A_65 : i32
    scf.if %cond3A_66 {
      %get3A_67 = arith.constant 0 : index
      %get3A_68 = arith.constant 0 : index
      %get3A_69 = vector.load %arg7[%get3A_67, %get3A_68] : memref<128x1xf32, #tpu.memory_space<vmem>>, vector<128x1xf32>
      %get3A_70 = arith.constant 0 : index
      %get3A_71 = arith.constant 0 : index
      %get3A_72 = vector.load %arg9[%get3A_70, %get3A_71] : memref<128x128xf32, #tpu.memory_space<vmem>>, vector<128x128xf32>
      %max3A_73 = arith.constant 1.000000e+00 : f32
      %max3A_74 = vector.broadcast %max3A_73 : f32 to vector<128x1xf32>
      %max3A_75 = arith.maximumf %get3A_69, %max3A_74 : vector<128x1xf32>
      %div3A = vector.broadcast %max3A_75 : vector<128x1xf32> to vector<128x128xf32>
      %div3A_76 = arith.divf %get3A_72, %div3A : vector<128x128xf32>
      %gt3A_77 = arith.constant 0.000000e+00 : f32
      %gt3A_78 = vector.broadcast %gt3A_77 : f32 to vector<128x1xf32>
      %gt3A_79 = arith.cmpf ogt, %get3A_69, %gt3A_78 : vector<128x1xf32>
      %get3A_80 = arith.constant 0 : index
      %get3A_81 = arith.constant 0 : index
      %get3A_82 = vector.load %arg10[%get3A_80, %get3A_81] : memref<128x128xf32, #tpu.memory_space<vmem>>, vector<128x128xf32>
      %jit3A = arith.constant 0.000000e+00 : f32
      %broadcast_in_dim3A = vector.shape_cast %gt3A_79 : vector<128x1xi1> to vector<128x1xi1>
      %broadcast_in_dim3A_83 = vector.broadcast %broadcast_in_dim3A : vector<128x1xi1> to vector<128x128xi1>
      %broadcast_in_dim3A_84 = vector.broadcast %jit3A : f32 to vector<128x128xf32>
      %select_n3A = arith.select %broadcast_in_dim3A_83, %get3A_82, %broadcast_in_dim3A_84 : vector<128x128xi1>, vector<128x128xf32>
      %concatenate3A = tpu.concatenate %div3A_76, %select_n3A in 1 : vector<128x128xf32>, vector<128x128xf32> -> vector<128x256xf32>
      %swap3A = arith.constant 0 : index
      %swap3A_85 = arith.constant 0 : index
      %swap3A_86 = vector.load %arg8[%swap3A, %swap3A_85] : memref<128x256xf32, #tpu.memory_space<vmem>>, vector<128x256xf32>
      tpu.vector_store %arg8[%swap3A, %swap3A_85], %concatenate3A {strides = array<i32>} : memref<128x256xf32, #tpu.memory_space<vmem>>, vector<128x256xf32>,
    } else {
    }
    return
  }
  func.func @transform_0(%arg0: i32) -> (i32, i32, i32) {
    %c0_i32 = arith.constant 0 : i32
    %c0_i32_0 = arith.constant 0 : i32
    %c0_i32_1 = arith.constant 0 : i32
    return %c0_i32, %arg0, %c0_i32_0 : i32, i32, i32
  }
  func.func @transform_1(%arg0: i32) -> (i32, i32) {
    %c0_i32 = arith.constant 0 : i32
    %c0_i32_0 = arith.constant 0 : i32
    return %arg0, %c0_i32 : i32, i32
  }
  func.func @transform_2(%arg0: i32) -> (i32, i32) {
    %c0_i32 = arith.constant 0 : i32
    %c0_i32_0 = arith.constant 0 : i32
    return %arg0, %c0_i32 : i32, i32
  }
  func.func @transform_3(%arg0: i32) -> (i32, i32) {
    %c0_i32 = arith.constant 0 : i32
    %c0_i32_0 = arith.constant 0 : i32
    %c0_i32_1 = arith.constant 0 : i32
    return %c0_i32, %c0_i32_0 : i32, i32
  }
  func.func @transform_4(%arg0: i32) -> (i32, i32) {
    %c0_i32 = arith.constant 0 : i32
    %c0_i32_0 = arith.constant 0 : i32
    return %arg0, %c0_i32 : i32, i32
  }
  func.func @transform_5(%arg0: i32) -> (i32, i32) {
    %c0_i32 = arith.constant 0 : i32
    %c0_i32_0 = arith.constant 0 : i32
    return %arg0, %c0_i32 : i32, i32
  }
  func.func @transform_6(%arg0: i32) -> (i32, i32) {
    %c0_i32 = arith.constant 0 : i32
    %c0_i32_0 = arith.constant 0 : i32
    %c0_i32_1 = arith.constant 0 : i32
    return %c0_i32, %c0_i32_0 : i32, i32
  }
  func.func @transform_7(%arg0: i32) -> (i32, i32) {
    %c0_i32 = arith.constant 0 : i32
    %c0_i32_0 = arith.constant 0 : i32
    %c0_i32_1 = arith.constant 0 : i32
    return %c0_i32, %c0_i32_0 : i32, i32
  }
}

</mosaic_0001>

<sc_bundles>
// kernel: kernel.12.cloned.1.call-start
scs
__scs_entry_jumppad:
0x0: {  	(pc) =	sbr.rel $0x88, $3  }
0x1: {  	(tag) =	ssettag $0x0;
	lr =	simm.s32 $0x1  }
0x2: {  	[smem:$0x3F9A] =	sst lr;
	_ =	strace $0xD0000000  }
0x3: {  	_ = 	snop  }
0x4: {  	_ = 	snop  }
0x5: {  	_ = 	snop  }
0x6: {  	_ = 	snop  }
0x7: {  	_ = 	snop  }
__scs_overlays_trampoline_lowered:
0x8: {  	[smem:$0x3FA9] =	sst s0  }
0x9: {  	[smem:$0x3FAA] =	sst s1  }
0xa: {  	[smem:$0x3FAB] =	sst s2  }
0xb: {  	[smem:$0x3FAC] =	sst s3  }
0xc: {  	[smem:$0x3FAD] =	sst s4  }
0xd: {  	[smem:$0x3FAE] =	sst s5  }
0xe: {  	[smem:$0x3FAF] =	sst s6  }
0xf: {  	[smem:$0x3FB0] =	sst s7  }
0x10: {  	[smem:$0x3FB1] =	sst s8  }
0x11: {  	[smem:$0x3FB2] =	sst s9;
	s0 =	simm.s32 @!p0 $0x0  }
0x12: {  	s1 =	sld [smem:$0x3F98];
	s0 =	simm.s32 @p0 $0x1  }
0x13: {  	[smem:$0x3FB3] =	sst s0;
	s0 =	simm.s32 @!p1 $0x0  }
0x14: {  	s2 =	sld [smem:$0x3F97];
	s0 =	simm.s32 @p1 $0x1  }
0x15: {  	[smem:$0x3FB4] =	sst s0;
	s0 =	simm.s32 @!p2 $0x0  }
0x16: {  	s3 =	sld [smem:$0x3FDB];
	s0 =	simm.s32 @p2 $0x1  }
0x17: {  	s4 =	simm.s32 $0x1BF5;
	[smem:$0x3FB6] =	sst s0  }
0x18: {  	s0 =	sld [smem:$0x3F99];
	_ =	swait.ge [sflag:s4], $0x0  }
0x19: {  	s7 =	sld [smem:$0x3F9A]  }
0x1a: {  	s8 =	sadd.s32 $0xFFFFE003, lr  }
0x1b: {  	s9 =	sadd.s32 $0xFFFFFEF7, lr;
	s5 =	simm.s32 $0xFFFFFFFF;
	p2 =	slt.u32 s8, $0xFFFFF086  }
0x1c: {  	p1 =	slt.u32 s9, $0xF7A;
	s5 =	simm.s32 @!p2 $0x0  }
0x1d: {  	s5 =	simm.s32 @p1 $0x1;
	p0 =	seq.s32 s7, s2  }
0x1e: {  	s7 =	smul.u32 @!p0 $0xF7A, s2;
	p2 =	seq.s32 @!p0 s5, $0x0  }
0x1f: {  	s9 =	smul.u32 $0xF7A, s1;
	s8 =	simm.s32 @!p0 $0x1BF5;
	p2 =	por !p2, p0  }
0x20: {  	[sflag:s8] =	ssyncset.s32 @!p0 $0xFFFFF086;
	s6 =	sadd.s32 @!p0 s3, s7;
	s7 =	simm.s32 @!p0 $0x108  }
0x21: {  	s3 =	sadd.s32 s3, s9;
	s6 =	sadd.s32 @!p0 $0x88, s6;
	s7 =	simm.s32 @p2 $0x1082  }
0x22: {  	[simem:s7], [sflag:s8] =	dma.local @!p0 [hbm:s6], $0xF7A  }
0x23: {  	s9 =	sor.u32 $0xD0000000, s2;
	s6 =	simm.s32 $0x108;
	_ =	swait.ge @!p0 [sflag:s8], $0x0  }
0x24: {  	s3 =	sadd.s32 $0x88, s3;
	s6 =	simm.s32 @!p1 $0x1082;
	[sflag:s4] =	ssyncset.s32 $0xFFFFF086  }
0x25: {  	[simem:s6], [sflag:s4] =	dma.local [hbm:s3], $0xF7A  }
0x26: {  	[smem:$0x3F9A] =	sst s1;
	(tag) =	ssettag s2;
	_ =	strace s9  }
0x27: {  	s1 =	sld [smem:$0x3FAA]  }
0x28: {  	s2 =	sld [smem:$0x3FAB]  }
0x29: {  	s4 =	sld [smem:$0x3FAD]  }
0x2a: {  	p0 =	seq.s32 s5, $0x0;
	s5 =	sld [smem:$0x3FAE]  }
0x2b: {  	s6 =	sld [smem:$0x3FAF]  }
0x2c: {  	s7 =	sld [smem:$0x3FB0]  }
0x2d: {  	s3 =	simm.s32 $0x108;
	s8 =	sld [smem:$0x3FB1]  }
0x2e: {  	s3 =	simm.s32 @!p0 $0x1082;
	s9 =	sld [smem:$0x3FB2]  }
0x2f: {  	lr =	sadd.s32 s0, s3;
	s0 =	sld [smem:$0x3FA9]  }
0x30: {  	s3 =	sld [smem:$0x3FAC]  }
0x31: {  	[smem:$0x3FB5] =	sst s10  }
0x32: {  	s10 =	sld [smem:$0x3FB3];
	_ =	sdelay $0x3  }
0x33: {  	p0 =	seq.s32 s10, $0x1;
	s10 =	sld [smem:$0x3FB5];
	_ =	sdelay $0x3  }
0x34: {  	[smem:$0x3FB5] =	sst s10  }
0x35: {  	s10 =	sld [smem:$0x3FB4];
	_ =	sdelay $0x3  }
0x36: {  	p1 =	seq.s32 s10, $0x1;
	s10 =	sld [smem:$0x3FB5];
	_ =	sdelay $0x3  }
0x37: {  	[smem:$0x3FB5] =	sst s10  }
0x38: {  	s10 =	sld [smem:$0x3FB6]  }
0x39: {  	_ = 	snop;
	(pc) =	sbr.ind lr, $3  }
0x3a: {  	_ = 	snop  }
0x3b: {  	_ = 	snop  }
0x3c: {  	p2 =	seq.s32 s10, $0x1;
	s10 =	sld [smem:$0x3FB5]  }
0x3d: {  	_ =	shalt  }
0x3e: {  	_ =	shalt  }
0x3f: {  	_ =	shalt  }
0x40: {  	_ =	shalt  }
0x41: {  	_ =	shalt  }
0x42: {  	_ =	shalt  }
0x43: {  	_ =	shalt  }
0x44: {  	_ =	shalt  }
0x45: {  	_ =	shalt  }
0x46: {  	_ =	shalt  }
0x47: {  	_ =	shalt  }
0x48: {  	_ =	shalt  }
0x49: {  	_ =	shalt  }
0x4a: {  	_ =	shalt  }
0x4b: {  	_ =	shalt  }
0x4c: {  	_ =	shalt  }
0x4d: {  	_ =	shalt  }
0x4e: {  	_ =	shalt  }
0x4f: {  	_ =	shalt  }
0x50: {  	_ =	shalt  }
0x51: {  	_ =	shalt  }
0x52: {  	_ =	shalt  }
0x53: {  	_ =	shalt  }
0x54: {  	_ =	shalt  }
0x55: {  	_ =	shalt  }
0x56: {  	_ =	shalt  }
0x57: {  	_ =	shalt  }
0x58: {  	_ =	shalt  }
0x59: {  	_ =	shalt  }
0x5a: {  	_ =	shalt  }
0x5b: {  	_ =	shalt  }
0x5c: {  	_ =	shalt  }
0x5d: {  	_ =	shalt  }
0x5e: {  	_ =	shalt  }
0x5f: {  	_ =	shalt  }
0x60: {  	_ =	shalt  }
0x61: {  	_ =	shalt  }
0x62: {  	_ =	shalt  }
0x63: {  	_ =	shalt  }
0x64: {  	_ =	shalt  }
0x65: {  	_ =	shalt  }
0x66: {  	_ =	shalt  }
0x67: {  	_ =	shalt  }
0x68: {  	_ =	shalt  }
0x69: {  	_ =	shalt  }
0x6a: {  	_ =	shalt  }
0x6b: {  	_ =	shalt  }
0x6c: {  	_ =	shalt  }
0x6d: {  	_ =	shalt  }
0x6e: {  	_ =	shalt  }
0x6f: {  	_ =	shalt  }
0x70: {  	_ =	shalt  }
0x71: {  	_ =	shalt  }
0x72: {  	_ =	shalt  }
0x73: {  	_ =	shalt  }
0x74: {  	_ =	shalt  }
0x75: {  	_ =	shalt  }
0x76: {  	_ =	shalt  }
0x77: {  	_ =	shalt  }
0x78: {  	_ =	shalt  }
0x79: {  	_ =	shalt  }
0x7a: {  	_ =	shalt  }
0x7b: {  	_ =	shalt  }
0x7c: {  	_ =	shalt  }
0x7d: {  	_ =	shalt  }
0x7e: {  	_ =	shalt  }
0x7f: {  	_ =	shalt  }
0x80: {  	_ =	shalt  }
0x81: {  	_ =	shalt  }
0x82: {  	_ =	shalt  }
0x83: {  	_ =	shalt  }
0x84: {  	_ =	shalt  }
0x85: {  	_ =	shalt  }
0x86: {  	_ =	shalt  }
0x87: {  	_ =	shalt  }
.Lfunc_end0:
.L_simem_size_0:
called_computation.1_lowered:
.L_overlay_start_0:
0x88: {  	s2 =	sld [smem:$0x3FD9]  }
0x89: {  	s3 =	sld [smem:$0x3FFE];
	_ =	sdelay $0x1  }
0x8a: {  	s1 =	srdreg.scid  }
0x8b: {  	s0 =	sand.u32 $0x1, s1  }
0x8c: {  	s16 =	sshll.u32 s0, $0xA;
	s2 =	sadd.s32 s3, s2  }
0x8d: {  	s2 =	sadd.s32 s2, s16  }
0x8e: {  	[smem:$0x3FC1] =	sst s2  }
0x8f: {  	_ = 	snop  }
0x90: {  	(tm) =	ssettm $0x1  }
0x91: {  	s17 =	sld [smem:$0x3FFB];
	_ =	sdelay $0x3  }
0x92: {  	_ =	strace s17  }
0x93: {  	s2 =	sld [smem:$0x3FFC];
	_ =	sdelay $0x3  }
0x94: {  	_ =	strace s2  }
0x95: {  	s2 =	sld [smem:$0x3FFD];
	_ =	sdelay $0x3  }
0x96: {  	_ =	strace s2  }
0x97: {  	_ =	strace $0x8FFFFFFF  }
0x98: {  	s18 =	sld [smem:$0x3FDB];
	_ =	sdelay $0x1  }
0x99: {  	s19 =	simm.s32 $_scs_section_size  }
0x9a: {  	s4 =	simm.s32 $_size__tile_overlayer_lowered;
	s5 =	simm.s32 $_tile_overlayer_lowered  }
0x9b: {  	s22 =	simm.s32 $0x1BFF;
	s21 =	sshll.u32 s5, $0x1;
	s2 =	sadd.s32 s19, s18  }
0x9c: {  	s6 =	simm.s32 $0x0;
	s20 =	sshll.u32 s4, $0x1;
	s4 =	sadd.s32 s21, s2  }
0x9d: {  	[timem:s6], [sflag:s22] =	dma.local [hbm:s4], s20  }
0x9e: {  	_ =	swait.ge [sflag:s22], s20  }
0x9f: {  	s3 =	ssub.s32 $0x0, s20;
	[sflag:s22] =	ssyncset.done $0x0  }
0xa0: {  	[sflag:s22] =	ssyncadd.s32 s3;
	_ =	sdelay $0x1  }
0xa1: {  	s23 =	simm.s32 $0x1B8B  }
0xa2: {  	_ =	swait.ge [sflag:s23], $0x1  }
0xa3: {  	[sflag:s23] =	ssyncset.done $0x0  }
0xa4: {  	s25 =	simm.s32 $0x1B8E;
	s24 =	sld [smem:$0x3FFE];
	[sflag:s23] =	ssyncadd.s32 $0xFFFFFFFF  }
0xa5: {  	s26 =	simm.s32 $execute0_lowered;
	[smem:$0x3FD2] =	sst s25  }
0xa6: {  	s4 =	sshll.u32 s26, $0x1;
	_ =	strace $0x80000049;
	[dreg:$0x1] =	wrdreg $0xFFFFFFFF  }
0xa7: {  	s28 =	simm.s32 $_size_execute0_lowered;
	s2 =	sadd.s32 s2, s4;
	[dreg:$0x0] =	wrdreg $0x0  }
0xa8: {  	s4 =	sshll.u32 s28, $0x1;
	[dreg:$0x2] =	wrdreg s2  }
0xa9: {  	[dreg:$0x3] =	wrdreg s4  }
0xaa: {  	[dreg:$0x4] =	wrdreg $0xC0  }
0xab: {  	_ =	task [dreg:s6], $0x5FFFF  }
0xac: {  	[dreg:$0x1] =	wrdreg $0xFFFFFFFF  }
0xad: {  	[dreg:$0x0] =	wrdreg $0x60  }
0xae: {  	[dreg:$0x2] =	wrdreg s24  }
0xaf: {  	[dreg:$0x3] =	wrdreg $0x0  }
0xb0: {  	[dreg:$0x4] =	wrdreg $0x9  }
0xb1: {  	_ =	task.clear_ibuf [dreg:s6], $0x5FFFF;
	_ =	strace $0x90000049  }
0xb2: {  	s29 =	simm.s32 $0x9;
	_ =	strace $0x8000004B  }
0xb3: {  	_ =	swait.ge [sflag:s29], $0x1  }
0xb4: {  	[sflag:s29] =	ssyncadd.s32 $0xFFFFFFFF  }
0xb5: {  	_ =	strace $0x9000004B  }
0xb6: {  	_ =	sfence  }
0xb7: {  	s30 =	sld [smem:$0x0];
	_ =	sdelay $0x2  }
0xb8: {  	s31 =	sshll.u32 s1, $0xD;
	s1 =	sshrl.u32 s1, $0x2  }
0xb9: {  	s3 =	sand.u32 $0x4000, s31;
	s1 =	sadd.s32 s1, s30  }
0xba: {  	s0 =	sor.u32 s3, s0;
	s1 =	sshll.u32 s1, $0x11  }
0xbb: {  	s0 =	sor.u32 s1, s0  }
0xbc: {  	s0 =	sadd.s32 $0x8F2B, s0  }
0xbd: {  	[sflag:s0] =	ssyncadd.remote.s32 $0x1  }
0xbe: {  	_ =	sfence.sel $0xFFFF  }
0xbf: {  	[dreg:$0x0] =	wrdreg $0xFFFFFFFF;
	(pc) =	sbr.abs _section_cstart, $3  }
0xc0: {  	[dreg:$0x1] =	wrdreg $0xFFFFFFFF  }
0xc1: {  	_ =	task.clear_ibuf [dreg:s6], $0x2FFFF;
	_ =	strace $0x9FFFFFFF  }
0xc2: {  	(tm) =	ssettm $0x7FFFFFFF  }
0xc3: {  	_ =	shalt  }
tec
execute0_lowered:
.L_overlay_start_1:
0x0: {  	(tag) =	ssettag $0x1  }
0x1: {  	s0 =	srdreg.scid  }
0x2: {  	s9 =	stileid.u32;
	s1 =	rddreg [dreg:$0x0]  }
0x3: {  	s2 =	rddreg [dreg:$0x1];
	s4 =	simm.s32 $0x0;
	s28 =	simm.s32 $0x16010  }
0x4: {  	s29 =	simm.s32 $0x18720;
	s30 =	simm.s32 $0x50;
	s31 =	simm.s32 $0x1D720  }
0x5: {  	s0 =	sand.u32 $0x1, s0;
	s3 =	sshll.u32 s9, $0x1;
	s6 =	smul.u32 $0x13880, s9  }
0x6: {  	[smem:$0x7FF] =	sst s4;
	s4 =	sadd.s32 $0x48800, s1;
	s9 =	smul.u32 $0x4E200, s9  }
0x7: {  	s3 =	sor.u32 s0, s3;
	s5 =	ssub.s32 $0x2, s0;
	s0 =	smul.u32 $0x138800, s0  }
0x8: {  	_ =	strace $0x8000004A;
	s3 =	smul.u32 $0x4E2, s3;
	s7 =	sshrl.u32 s5, $0x1  }
0x9: {  	s15 =	sadd.s32 $0x11800, s6;
	s19 =	sshrl.u32 s9, $0x2;
	s20 =	sadd.s32 $0x2800, s6  }
0xa: {  	s21 =	sadd.s32 $0x5000, s6;
	s22 =	sadd.s32 $0x7800, s6;
	s23 =	sadd.s32 $0xA000, s6  }
0xb: {  	s10 =	sadd.s32 $0xC800, s6;
	s11 =	sadd.s32 $0xF000, s6;
	s5 =	ssub.s32 s5, s7  }
0xc: {  	s16 =	sadd.s32 s0, s15;
	s8 =	sadd.s32 s0, s6;
	s7 =	sadd.s32 s15, s2  }
0xd: {  	s12 =	sadd.s32 s20, s2;
	s13 =	sadd.s32 s21, s2;
	s15 =	sadd.s32 s23, s2  }
0xe: {  	s9 =	sadd.s32 s0, s23;
	s6 =	sadd.s32 s6, s2;
	s3 =	sadd.s32 s3, s1  }
0xf: {  	s1 =	sadd.s32 $0x6FA00, s1;
	s8 =	sshrl.u32 s8, $0x3;
	s18 =	smax.u32 s5, $0x1  }
0x10: {  	s5 =	sadd.s32 s0, s20;
	s25 =	sshrl.u32 s9, $0x3;
	s9 =	simm.s32 $0x6  }
0x11: {  	s14 =	sadd.s32 $0xDA00, s3;
	s3 =	sadd.s32 $0x3C00, s3;
	[dreg:$0x7] =	wrdreg s18  }
0x12: {  	s17 =	sadd.s32 s1, s8;
	s8 =	sadd.s32 s0, s22;
	[dreg:$0x3] =	wrdreg s14  }
0x13: {  	s5 =	sshrl.u32 s5, $0x3;
	[dreg:$0x4] =	wrdreg s3;
	s3 =	sshrl.u32 s16, $0x3  }
0x14: {  	[dreg:$0x6] =	wrdreg s17;
	s14 =	sadd.s32 s22, s2;
	s16 =	sadd.s32 s10, s2  }
0x15: {  	s10 =	sadd.s32 s0, s10;
	s17 =	sadd.s32 s11, s2;
	s5 =	sadd.s32 s1, s5  }
0x16: {  	s24 =	sshrl.u32 s8, $0x3;
	s8 =	simm.s32 $0x5;
	s3 =	sadd.s32 s1, s3  }
0x17: {  	[dreg:$0x9] =	wrdreg s5;
	s20 =	sadd.s32 s1, s24;
	s26 =	sshrl.u32 s10, $0x3  }
0x18: {  	s24 =	simm.s32 $0x13900;
	s5 =	simm.s32 $0x4;
	s10 =	simm.s32 $0x0  }
0x19: {  	[dreg:$0x5] =	wrdreg s3;
	s3 =	sadd.s32 s19, s2;
	s22 =	sadd.s32 s1, s26  }
0x1a: {  	s26 =	simm.s32 $0x7;
	[dreg:$0x8] =	wrdreg s3;
	s3 =	sadd.s32 s0, s21  }
0x1b: {  	s0 =	sadd.s32 s0, s11;
	s21 =	sadd.s32 s1, s25;
	s25 =	sshrl.u32 s6, $0x3  }
0x1c: {  	s6 =	simm.s32 $0x3;
	s3 =	sshrl.u32 s3, $0x3;
	s0 =	sshrl.u32 s0, $0x3  }
0x1d: {  	s3 =	sadd.s32 s1, s3;
	s23 =	sadd.s32 s1, s0;
	s1 =	simm.s32 $0x1AF20  }
0x1e: {  	v0 =	vimm.f32 $0.0e+00;
	s0 =	simm.s32 $0x1;
	[dreg:$0xa] =	wrdreg s3;
	s3 =	simm.s32 $0x2  }
.LBB2_1:
0x1f: {  	s11 =	simm.s32 $0x0;
	s18 =	rddreg [dreg:$0x3]  }
0x20: {  	[tilespmem:s24], [sflag:$0x7] =	stream.linear.gather [hbm4b:s18+s11], $0x2710, $0x38;
	[tilespmem:$0x1FF20] =	vst v63  }
0x21: {  	_ =	swait.ge [sflag:s26], $0x2710  }
0x22: {  	[sflag:s26] =	ssyncset.done $0x0  }
0x23: {  	s19 =	rddreg [dreg:$0x4];
	[sflag:s26] =	ssyncadd.s32 $0xFFFFD8F0  }
0x24: {  	[tilespmem:s28], [sflag:$0x7] =	stream.linear.gather [hbm4b:s19+s11], $0x2710, $0x38;
	[tilespmem:$0x1FF20] =	vst v63  }
0x25: {  	_ =	swait.ge [sflag:s26], $0x2710  }
0x26: {  	[sflag:s26] =	ssyncset.done $0x0  }
0x27: {  	s11 =	simm.s32 $0x0;
	[sflag:s26] =	ssyncadd.s32 $0xFFFFD8F0  }
0x28: {  	v5 =	vld [tilespmem:s11+$0x13900]  }
0x29: {  	v4 =	vld [tilespmem:s11+$0x13910]  }
0x2a: {  	v3 =	vld [tilespmem:s11+$0x13920]  }
0x2b: {  	v2 =	vld [tilespmem:s11+$0x13930]  }
0x2c: {  	v1 =	vld [tilespmem:s11+$0x13940]  }
0x2d: {  	v9 =	vld [tilespmem:s11+$0x16010]  }
0x2e: {  	v8 =	vld [tilespmem:s11+$0x16020]  }
0x2f: {  	v7 =	vld [tilespmem:s11+$0x16030]  }
0x30: {  	s18 =	simm.s32 $0x140;
	v6 =	vld [tilespmem:s11+$0x16040]  }
.LBB2_2:
0x31: {  	s19 =	sshra.s32 s18, $0x2;
	p0 =	sne.s32 s18, $0x9B00;
	v10 =	vld [tilespmem:s11+$0x16050]  }
0x32: {  	vm0 =	veq.s32 v5, v9;
	v5 =	vld [tilespmem:s19+$0x13900]  }
0x33: {  	v9 =	vsel vm0, $0x2710, v9;
	vm0 =	veq.s32 v4, v8;
	v4 =	vld [tilespmem:s19+$0x13910]  }
0x34: {  	[tilespmem:s11+$0x16010] =	vst v9;
	v8 =	vsel vm0, $0x2710, v8;
	vm0 =	veq.s32 v3, v7;
	v3 =	vld [tilespmem:s19+$0x13920]  }
0x35: {  	[tilespmem:s11+$0x16020] =	vst v8;
	v7 =	vsel vm0, $0x2710, v7;
	vm0 =	veq.s32 v2, v6;
	v2 =	vld [tilespmem:s19+$0x13930]  }
.Ltmp0:
0x36: {  	[tilespmem:s11+$0x16030] =	vst v7;
	v6 =	vsel vm0, $0x2710, v6;
	vm0 =	veq.s32 v1, v10;
	v1 =	vld [tilespmem:s19+$0x13940];
	(pc) =	sbr.rel @p0 .LBB2_2-.Ltmp0, $4  }
0x37: {  	v9 =	vld [tilespmem:s19+$0x16010];
	[tilespmem:s11+$0x16040] =	vst v6;
	v6 =	vsel vm0, $0x2710, v10  }
0x38: {  	v8 =	vld [tilespmem:s19+$0x16020];
	[tilespmem:s11+$0x16050] =	vst v6;
	s11 =	smov.u32 s19  }
0x39: {  	v7 =	vld [tilespmem:s11+$0x16030]  }
0x3a: {  	s18 =	sadd.s32 $0x140, s18;
	v6 =	vld [tilespmem:s11+$0x16040]  }
0x3b: {  	v10 =	vld [tilespmem:s11+$0x16050]  }
0x3c: {  	vm0 =	veq.s32 v5, v9  }
0x3d: {  	v5 =	vsel vm0, $0x2710, v9;
	vm12 =	veq.s32 v4, v8  }
0x3e: {  	[tilespmem:s11+$0x16010] =	vst v5;
	v4 =	vsel vm12, $0x2710, v8;
	vm13 =	veq.s32 v3, v7  }
0x3f: {  	[tilespmem:s11+$0x16020] =	vst v4;
	v3 =	vsel vm13, $0x2710, v7;
	vm14 =	veq.s32 v2, v6  }
0x40: {  	[tilespmem:s11+$0x16030] =	vst v3;
	v2 =	vsel vm14, $0x2710, v6;
	vm15 =	veq.s32 v1, v10  }
0x41: {  	[tilespmem:s11+$0x16040] =	vst v2;
	v1 =	vsel vm15, $0x2710, v10  }
0x42: {  	s18 =	simm.s32 $0x3C0;
	[tilespmem:s11+$0x16050] =	vst v1;
	s11 =	simm.s32 $0x70  }
.LBB2_4:
0x43: {  	p0 =	sne.s32 s18, $0x9FC0;
	[tilespmem:s11+$0x18720] =	vst v0  }
0x44: {  	[tilespmem:s11+$0x186B0] =	vst v0  }
0x45: {  	[tilespmem:s11+$0x186C0] =	vst v0  }
.Ltmp1:
0x46: {  	[tilespmem:s11+$0x186D0] =	vst v0;
	(pc) =	sbr.rel @p0 .LBB2_4-.Ltmp1, $4  }
0x47: {  	[tilespmem:s11+$0x186E0] =	vst v0  }
0x48: {  	[tilespmem:s11+$0x186F0] =	vst v0  }
0x49: {  	[tilespmem:s11+$0x18700] =	vst v0  }
0x4a: {  	[tilespmem:s11+$0x18710] =	vst v0;
	s11 =	sshra.s32 s18, $0x2;
	s18 =	sadd.s32 $0x200, s18  }
0x4b: {  	[tilespmem:s11+$0x18720] =	vst v0  }
0x4c: {  	[tilespmem:s11+$0x186B0] =	vst v0  }
0x4d: {  	[tilespmem:s11+$0x186C0] =	vst v0  }
0x4e: {  	[tilespmem:s11+$0x186D0] =	vst v0  }
0x4f: {  	[tilespmem:s11+$0x186E0] =	vst v0  }
0x50: {  	[tilespmem:s11+$0x186F0] =	vst v0  }
0x51: {  	[tilespmem:s11+$0x18700] =	vst v0  }
0x52: {  	[tilespmem:s11+$0x18710] =	vst v0;
	s18 =	rddreg [dreg:$0x8]  }
0x53: {  	[spmem:s18] =	stream.linear.scatter [tilespmem:s29], [sflag:$0x7], $0x2800, $0x38;
	[tilespmem:$0x1FF20] =	vst v63  }
0x54: {  	_ =	swait.ge [sflag:s26], $0x2800  }
0x55: {  	[sflag:s26] =	ssyncset.done $0x0  }
0x56: {  	[sflag:s26] =	ssyncadd.s32 $0xFFFFD800  }
0x57: {  	[spmem:s12] =	stream.linear.scatter [tilespmem:s29], [sflag:$0x7], $0x2800, $0x38;
	[tilespmem:$0x1FF20] =	vst v63  }
0x58: {  	_ =	swait.ge [sflag:s26], $0x2800  }
0x59: {  	[sflag:s26] =	ssyncset.done $0x0  }
0x5a: {  	[sflag:s26] =	ssyncadd.s32 $0xFFFFD800  }
0x5b: {  	[spmem:s13] =	stream.linear.scatter [tilespmem:s29], [sflag:$0x7], $0x2800, $0x38;
	[tilespmem:$0x1FF20] =	vst v63  }
0x5c: {  	_ =	swait.ge [sflag:s26], $0x2800  }
0x5d: {  	[sflag:s26] =	ssyncset.done $0x0  }
0x5e: {  	[sflag:s26] =	ssyncadd.s32 $0xFFFFD800  }
0x5f: {  	[spmem:s14] =	stream.linear.scatter [tilespmem:s29], [sflag:$0x7], $0x2800, $0x38;
	[tilespmem:$0x1FF20] =	vst v63  }
0x60: {  	_ =	swait.ge [sflag:s26], $0x2800  }
0x61: {  	[sflag:s26] =	ssyncset.done $0x0  }
0x62: {  	[sflag:s26] =	ssyncadd.s32 $0xFFFFD800  }
0x63: {  	[spmem:s15] =	stream.linear.scatter [tilespmem:s29], [sflag:$0x7], $0x2800, $0x38;
	[tilespmem:$0x1FF20] =	vst v63  }
0x64: {  	_ =	swait.ge [sflag:s26], $0x2800  }
0x65: {  	[sflag:s26] =	ssyncset.done $0x0  }
0x66: {  	[sflag:s26] =	ssyncadd.s32 $0xFFFFD800  }
0x67: {  	[spmem:s16] =	stream.linear.scatter [tilespmem:s29], [sflag:$0x7], $0x2800, $0x38;
	[tilespmem:$0x1FF20] =	vst v63  }
0x68: {  	_ =	swait.ge [sflag:s26], $0x2800  }
0x69: {  	[sflag:s26] =	ssyncset.done $0x0  }
0x6a: {  	[sflag:s26] =	ssyncadd.s32 $0xFFFFD800  }
0x6b: {  	[spmem:s17] =	stream.linear.scatter [tilespmem:s29], [sflag:$0x7], $0x2800, $0x38;
	[tilespmem:$0x1FF20] =	vst v63  }
0x6c: {  	_ =	swait.ge [sflag:s26], $0x2800  }
0x6d: {  	[sflag:s26] =	ssyncset.done $0x0  }
0x6e: {  	[sflag:s26] =	ssyncadd.s32 $0xFFFFD800  }
0x6f: {  	[spmem:s7] =	stream.linear.scatter [tilespmem:s29], [sflag:$0x7], $0x2080, $0x38;
	[tilespmem:$0x1FF20] =	vst v63  }
0x70: {  	_ =	swait.ge [sflag:s26], $0x2080  }
0x71: {  	[sflag:s26] =	ssyncset.done $0x0  }
0x72: {  	[sflag:s26] =	ssyncadd.s32 $0xFFFFDF80  }
0x73: {  	[tilespmem:s29], [sflag:$0x1] =	stream.indirect.gather [hbm4b:s4+s30], $0x80, s24, s30, $0xb8;
	[tilespmem:$0x1FF20] =	vst v63  }
0x74: {  	s19 =	simm.s32 $0x13950  }
0x75: {  	[tilespmem:s1], [sflag:$0x2] =	stream.indirect.gather [hbm4b:s4+s30], $0x80, s19, s30, $0xb8;
	[tilespmem:$0x1FF20] =	vst v63  }
0x76: {  	[bflag:$0x0] =	sbarrier.arrive $0xFFFF  }
0x77: {  	_ =	swait.ge [sflag:s0], $0x2800  }
0x78: {  	[sflag:s0] =	ssyncset.done $0x0  }
0x79: {  	s18 =	simm.s32 $0x139A0;
	[sflag:s0] =	ssyncadd.s32 $0xFFFFD800  }
0x7a: {  	[tilespmem:s31], [sflag:$0x3] =	stream.indirect.gather [hbm4b:s4+s30], $0x80, s18, s30, $0xb8;
	[tilespmem:$0x1FF20] =	vst v63  }
0x7b: {  	_ = 	snop  }
0x7c: {  	[spmem:s2] =	stream.indirect.scatter.add.f32 [tilespmem:s29], [sflag:$0x4], $0x80, s28, s30, $0xb8;
	[tilespmem:$0x1FF20] =	vst v63  }
0x7d: {  	_ =	swait.ge [sflag:s3], $0x2800  }
0x7e: {  	[sflag:s3] =	ssyncset.done $0x0  }
0x7f: {  	[sflag:s3] =	ssyncadd.s32 $0xFFFFD800  }
0x80: {  	_ =	swait.ge [sflag:s5], $0x2800  }
0x81: {  	[sflag:s5] =	ssyncset.done $0x0  }
0x82: {  	s19 =	simm.s32 $0x139F0;
	[sflag:s5] =	ssyncadd.s32 $0xFFFFD800  }
0x83: {  	[tilespmem:s29], [sflag:$0x1] =	stream.indirect.gather [hbm4b:s4+s30], $0x80, s19, s30, $0xb8;
	[tilespmem:$0x1FF20] =	vst v63  }
0x84: {  	s18 =	simm.s32 $0x16060  }
0x85: {  	[spmem:s2] =	stream.indirect.scatter.add.f32 [tilespmem:s1], [sflag:$0x5], $0x80, s18, s30, $0xb8;
	[tilespmem:$0x1FF20] =	vst v63  }
0x86: {  	_ =	swait.ge [sflag:s6], $0x2800  }
0x87: {  	[sflag:s6] =	ssyncset.done $0x0  }
0x88: {  	[sflag:s6] =	ssyncadd.s32 $0xFFFFD800  }
0x89: {  	_ =	swait.ge [sflag:s8], $0x2800  }
0x8a: {  	[sflag:s8] =	ssyncset.done $0x0  }
0x8b: {  	s19 =	simm.s32 $0x13A40;
	[sflag:s8] =	ssyncadd.s32 $0xFFFFD800  }
0x8c: {  	[tilespmem:s1], [sflag:$0x2] =	stream.indirect.gather [hbm4b:s4+s30], $0x80, s19, s30, $0xb8;
	[tilespmem:$0x1FF20] =	vst v63  }
0x8d: {  	s18 =	simm.s32 $0x160B0  }
0x8e: {  	[spmem:s2] =	stream.indirect.scatter.add.f32 [tilespmem:s31], [sflag:$0x6], $0x80, s18, s30, $0xb8;
	[tilespmem:$0x1FF20] =	vst v63  }
0x8f: {  	_ =	swait.ge [sflag:s0], $0x2800  }
0x90: {  	[sflag:s0] =	ssyncset.done $0x0  }
0x91: {  	[sflag:s0] =	ssyncadd.s32 $0xFFFFD800  }
0x92: {  	_ =	swait.ge [sflag:s9], $0x2800  }
0x93: {  	[sflag:s9] =	ssyncset.done $0x0  }
0x94: {  	s19 =	simm.s32 $0x13A90;
	[sflag:s9] =	ssyncadd.s32 $0xFFFFD800  }
0x95: {  	[tilespmem:s31], [sflag:$0x3] =	stream.indirect.gather [hbm4b:s4+s30], $0x80, s19, s30, $0xb8;
	[tilespmem:$0x1FF20] =	vst v63  }
0x96: {  	s18 =	simm.s32 $0x16100  }
0x97: {  	[spmem:s2] =	stream.indirect.scatter.add.f32 [tilespmem:s29], [sflag:$0x4], $0x80, s18, s30, $0xb8;
	[tilespmem:$0x1FF20] =	vst v63  }
0x98: {  	_ =	swait.ge [sflag:s3], $0x2800  }
0x99: {  	[sflag:s3] =	ssyncset.done $0x0  }
0x9a: {  	[sflag:s3] =	ssyncadd.s32 $0xFFFFD800  }
0x9b: {  	_ =	swait.ge [sflag:s5], $0x2800  }
0x9c: {  	[sflag:s5] =	ssyncset.done $0x0  }
0x9d: {  	s19 =	simm.s32 $0x13AE0;
	[sflag:s5] =	ssyncadd.s32 $0xFFFFD800  }
0x9e: {  	[tilespmem:s29], [sflag:$0x1] =	stream.indirect.gather [hbm4b:s4+s30], $0x80, s19, s30, $0xb8;
	[tilespmem:$0x1FF20] =	vst v63  }
0x9f: {  	s18 =	simm.s32 $0x16150  }
0xa0: {  	[spmem:s2] =	stream.indirect.scatter.add.f32 [tilespmem:s1], [sflag:$0x5], $0x80, s18, s30, $0xb8;
	[tilespmem:$0x1FF20] =	vst v63  }
0xa1: {  	_ =	swait.ge [sflag:s6], $0x2800  }
0xa2: {  	[sflag:s6] =	ssyncset.done $0x0  }
0xa3: {  	[sflag:s6] =	ssyncadd.s32 $0xFFFFD800  }
0xa4: {  	_ =	swait.ge [sflag:s8], $0x2800  }
0xa5: {  	s11 =	simm.s32 $0x3C0;
	[sflag:s8] =	ssyncset.done $0x0  }
0xa6: {  	s19 =	simm.s32 $0x13B30;
	s18 =	simm.s32 $0x161A0;
	[sflag:s8] =	ssyncadd.s32 $0xFFFFD800  }
0xa7: {  	[tilespmem:s1], [sflag:$0x2] =	stream.indirect.gather [hbm4b:s4+s30], $0x80, s19, s30, $0xb8;
	[tilespmem:$0x1FF20] =	vst v63  }
.LBB2_6:
0xa8: {  	[spmem:s2] =	stream.indirect.scatter.add.f32 [tilespmem:s31], [sflag:$0x6], $0x80, s18, s30, $0xb8;
	[tilespmem:$0x1FF20] =	vst v63  }
0xa9: {  	s18 =	smov.u32 s11  }
0xaa: {  	p0 =	sne.s32 s11, $0x9240;
	s11 =	sadd.s32 $0x3C0, s11;
	_ =	swait.ge [sflag:s0], $0x2800  }
0xab: {  	[sflag:s0] =	ssyncset.done $0x0  }
0xac: {  	[sflag:s0] =	ssyncadd.s32 $0xFFFFD800  }
0xad: {  	_ =	swait.ge [sflag:s9], $0x2800  }
0xae: {  	s18 =	sshra.s32 s18, $0x2;
	[sflag:s9] =	ssyncset.done $0x0  }
0xaf: {  	s19 =	sadd.s32 $0x13A90, s18;
	[sflag:s9] =	ssyncadd.s32 $0xFFFFD800  }
0xb0: {  	[tilespmem:s31], [sflag:$0x3] =	stream.indirect.gather [hbm4b:s4+s30], $0x80, s19, s30, $0xb8;
	[tilespmem:$0x1FF20] =	vst v63  }
0xb1: {  	s19 =	sadd.s32 $0x16100, s18  }
0xb2: {  	[spmem:s2] =	stream.indirect.scatter.add.f32 [tilespmem:s29], [sflag:$0x4], $0x80, s19, s30, $0xb8;
	[tilespmem:$0x1FF20] =	vst v63  }
0xb3: {  	_ =	swait.ge [sflag:s3], $0x2800  }
0xb4: {  	[sflag:s3] =	ssyncset.done $0x0  }
0xb5: {  	[sflag:s3] =	ssyncadd.s32 $0xFFFFD800  }
0xb6: {  	_ =	swait.ge [sflag:s5], $0x2800  }
0xb7: {  	[sflag:s5] =	ssyncset.done $0x0  }
0xb8: {  	s19 =	sadd.s32 $0x13AE0, s18;
	[sflag:s5] =	ssyncadd.s32 $0xFFFFD800  }
0xb9: {  	[tilespmem:s29], [sflag:$0x1] =	stream.indirect.gather [hbm4b:s4+s30], $0x80, s19, s30, $0xb8;
	[tilespmem:$0x1FF20] =	vst v63  }
0xba: {  	s19 =	sadd.s32 $0x16150, s18  }
0xbb: {  	[spmem:s2] =	stream.indirect.scatter.add.f32 [tilespmem:s1], [sflag:$0x5], $0x80, s19, s30, $0xb8;
	[tilespmem:$0x1FF20] =	vst v63  }
0xbc: {  	_ =	swait.ge [sflag:s6], $0x2800  }
0xbd: {  	[sflag:s6] =	ssyncset.done $0x0  }
0xbe: {  	[sflag:s6] =	ssyncadd.s32 $0xFFFFD800  }
.Ltmp2:
0xbf: {  	_ =	swait.ge [sflag:s8], $0x2800;
	(pc) =	sbr.rel @p0 .LBB2_6-.Ltmp2, $4  }
0xc0: {  	[sflag:s8] =	ssyncset.done $0x0  }
0xc1: {  	s19 =	sadd.s32 $0x13B30, s18;
	[sflag:s8] =	ssyncadd.s32 $0xFFFFD800  }
0xc2: {  	[tilespmem:s1], [sflag:$0x2] =	stream.indirect.gather [hbm4b:s4+s30], $0x80, s19, s30, $0xb8;
	[tilespmem:$0x1FF20] =	vst v63  }
0xc3: {  	s18 =	sadd.s32 $0x161A0, s18  }
0xc4: {  	[spmem:s2] =	stream.indirect.scatter.add.f32 [tilespmem:s31], [sflag:$0x6], $0x80, s18, s30, $0xb8;
	[tilespmem:$0x1FF20] =	vst v63  }
0xc5: {  	_ =	swait.ge [sflag:s0], $0x2800  }
0xc6: {  	[sflag:s0] =	ssyncset.done $0x0  }
0xc7: {  	[sflag:s0] =	ssyncadd.s32 $0xFFFFD800  }
0xc8: {  	_ =	swait.ge [sflag:s9], $0x2800  }
0xc9: {  	[sflag:s9] =	ssyncset.done $0x0  }
0xca: {  	s11 =	simm.s32 $0x18680;
	[sflag:s9] =	ssyncadd.s32 $0xFFFFD800  }
0xcb: {  	[spmem:s2] =	stream.indirect.scatter.add.f32 [tilespmem:s29], [sflag:$0x4], $0x80, s11, s30, $0xb8;
	[tilespmem:$0x1FF20] =	vst v63  }
0xcc: {  	_ =	swait.ge [sflag:s3], $0x2800  }
0xcd: {  	[sflag:s3] =	ssyncset.done $0x0  }
0xce: {  	[sflag:s3] =	ssyncadd.s32 $0xFFFFD800  }
0xcf: {  	_ =	swait.ge [sflag:s5], $0x2800  }
0xd0: {  	[sflag:s5] =	ssyncset.done $0x0  }
0xd1: {  	s19 =	simm.s32 $0x186D0;
	[sflag:s5] =	ssyncadd.s32 $0xFFFFD800  }
0xd2: {  	[spmem:s2] =	stream.indirect.scatter.add.f32 [tilespmem:s1], [sflag:$0x5], $0x80, s19, s30, $0xb8;
	[tilespmem:$0x1FF20] =	vst v63  }
0xd3: {  	_ =	swait.ge [sflag:s8], $0x2800  }
0xd4: {  	[sflag:s8] =	ssyncset.done $0x0  }
0xd5: {  	s18 =	stileid.u32;
	[sflag:s8] =	ssyncadd.s32 $0xFFFFD800  }
0xd6: {  	s11 =	sshll.u32 s18, $0x6;
	[bflag:$0x0] =	sbarrier.arrive $0xFFFF  }
0xd7: {  	s11 =	sor.u32 $0x1C07, s11;
	s19 =	rddreg [dreg:$0x6]  }
0xd8: {  	[hbm:s19], [sflag:s11] =	dma.local [spmem:s25], $0x500  }
0xd9: {  	_ =	swait.ge [sflag:s26], $0x500  }
0xda: {  	[sflag:s26] =	ssyncset.done $0x0  }
0xdb: {  	s18 =	sshrl.u32 s12, $0x3;
	s19 =	rddreg [dreg:$0x9];
	[sflag:s26] =	ssyncadd.s32 $0xFFFFFB00  }
0xdc: {  	[hbm:s19], [sflag:s11] =	dma.local [spmem:s18], $0x500  }
0xdd: {  	_ =	swait.ge [sflag:s26], $0x500  }
0xde: {  	[sflag:s26] =	ssyncset.done $0x0  }
0xdf: {  	s18 =	sshrl.u32 s13, $0x3;
	s19 =	rddreg [dreg:$0xa];
	[sflag:s26] =	ssyncadd.s32 $0xFFFFFB00  }
0xe0: {  	[hbm:s19], [sflag:s11] =	dma.local [spmem:s18], $0x500  }
0xe1: {  	_ =	swait.ge [sflag:s26], $0x500  }
0xe2: {  	[sflag:s26] =	ssyncset.done $0x0  }
0xe3: {  	s19 =	sshrl.u32 s14, $0x3;
	[sflag:s26] =	ssyncadd.s32 $0xFFFFFB00  }
0xe4: {  	[hbm:s20], [sflag:s11] =	dma.local [spmem:s19], $0x500  }
0xe5: {  	_ =	swait.ge [sflag:s26], $0x500  }
0xe6: {  	[sflag:s26] =	ssyncset.done $0x0  }
0xe7: {  	s19 =	sshrl.u32 s15, $0x3;
	[sflag:s26] =	ssyncadd.s32 $0xFFFFFB00  }
0xe8: {  	[hbm:s21], [sflag:s11] =	dma.local [spmem:s19], $0x500  }
0xe9: {  	_ =	swait.ge [sflag:s26], $0x500  }
0xea: {  	[sflag:s26] =	ssyncset.done $0x0  }
0xeb: {  	s19 =	sshrl.u32 s16, $0x3;
	[sflag:s26] =	ssyncadd.s32 $0xFFFFFB00  }
0xec: {  	[hbm:s22], [sflag:s11] =	dma.local [spmem:s19], $0x500  }
0xed: {  	_ =	swait.ge [sflag:s26], $0x500  }
0xee: {  	[sflag:s26] =	ssyncset.done $0x0  }
0xef: {  	s19 =	sshrl.u32 s17, $0x3;
	[sflag:s26] =	ssyncadd.s32 $0xFFFFFB00  }
0xf0: {  	[hbm:s23], [sflag:s11] =	dma.local [spmem:s19], $0x500  }
0xf1: {  	_ =	swait.ge [sflag:s26], $0x500  }
0xf2: {  	[sflag:s26] =	ssyncset.done $0x0  }
0xf3: {  	s18 =	sshrl.u32 s7, $0x3;
	s19 =	rddreg [dreg:$0x5];
	[sflag:s26] =	ssyncadd.s32 $0xFFFFFB00  }
0xf4: {  	[hbm:s19], [sflag:s11] =	dma.local [spmem:s18], $0x410  }
0xf5: {  	_ =	swait.ge [sflag:s26], $0x410  }
0xf6: {  	s10 =	sadd.s32 $0x1, s10;
	s19 =	rddreg [dreg:$0x7]  }
0xf7: {  	p0 =	sne.s32 s10, s19  }
.Ltmp3:
0xf8: {  	_ = 	snop;
	(pc) =	sbr.rel @p0 .LBB2_1-.Ltmp3, $3  }
0xf9: {  	_ =	sdelay $0x1  }
0xfa: {  	[sflag:s26] =	ssyncset.done $0x0  }
0xfb: {  	[sflag:s26] =	ssyncadd.s32 $0xFFFFFBF0  }
0xfc: {  	_ =	sfence.sel $0x180000  }
0xfd: {  	[bflag:$0x0] =	sbarrier.arrive $0xFFFF  }
0xfe: {  	_ =	strace $0x9000004A  }
0xff: {  	s0 =	stileid.u32;
	[bflag:$0x2] =	sbarrier.arrive $0xFFFF  }
0x100: {  	p0 =	sne.s32 s0, $0x0;
	s0 =	rddreg [dreg:$0x2]  }
0x101: {  	s0 =	sadd.s32 @!p0 $0x100000, s0  }
0x102: {  	[sflag:s0] =	ssyncadd.tile.s32 @!p0 $0x1;
	_ =	shalt  }
.Lfunc_end2:
_tile_overlayer_lowered:
.L_overlay_start_2:
0x103: {  	(tag) =	ssettag $0x2  }
0x104: {  	s0 =	rddreg [dreg:$0x0];
	s2 =	stileid.u32  }
0x105: {  	s1 =	rddreg [dreg:$0x1];
	p0 =	sne.s32 s2, $0x0  }
0x106: {  	s3 =	rddreg [dreg:$0x2];
	[bflag:$0x3] =	sbarrier.arrive $0xFFFF;
	s2 =	simm.s32 @!p0 $0x1C07  }
0x107: {  	[timem:s3], [sflag:s2] =	dma.local @!p0 [hbm:s0], s1  }
0x108: {  	s0 =	simm.s32 @!p0 $0x7  }
0x109: {  	_ =	swait.ge @!p0 [sflag:s0], s1  }
0x10a: {  	s1 =	ssub.s32 @!p0 $0x0, s1;
	[sflag:s0] =	ssyncset.done @!p0 $0x0  }
0x10b: {  	[sflag:s0] =	ssyncadd.s32 @!p0 s1  }
0x10c: {  	[bflag:$0x3] =	sbarrier.arrive $0xFFFF  }
0x10d: {  	_ =	shalt  }

// kernel: kernel.15.cloned.1.call-start
scs
__scs_entry_jumppad:
0x0: {  	(pc) =	sbr.rel $0x88, $3  }
0x1: {  	(tag) =	ssettag $0x0;
	lr =	simm.s32 $0x1  }
0x2: {  	[smem:$0x3F9A] =	sst lr;
	_ =	strace $0xD0000000  }
0x3: {  	_ = 	snop  }
0x4: {  	_ = 	snop  }
0x5: {  	_ = 	snop  }
0x6: {  	_ = 	snop  }
0x7: {  	_ = 	snop  }
__scs_overlays_trampoline_lowered:
0x8: {  	[smem:$0x3FA9] =	sst s0  }
0x9: {  	[smem:$0x3FAA] =	sst s1  }
0xa: {  	[smem:$0x3FAB] =	sst s2  }
0xb: {  	[smem:$0x3FAC] =	sst s3  }
0xc: {  	[smem:$0x3FAD] =	sst s4  }
0xd: {  	[smem:$0x3FAE] =	sst s5  }
0xe: {  	[smem:$0x3FAF] =	sst s6  }
0xf: {  	[smem:$0x3FB0] =	sst s7  }
0x10: {  	[smem:$0x3FB1] =	sst s8  }
0x11: {  	[smem:$0x3FB2] =	sst s9;
	s0 =	simm.s32 @!p0 $0x0  }
0x12: {  	s1 =	sld [smem:$0x3F98];
	s0 =	simm.s32 @p0 $0x1  }
0x13: {  	[smem:$0x3FB3] =	sst s0;
	s0 =	simm.s32 @!p1 $0x0  }
0x14: {  	s2 =	sld [smem:$0x3F97];
	s0 =	simm.s32 @p1 $0x1  }
0x15: {  	[smem:$0x3FB4] =	sst s0;
	s0 =	simm.s32 @!p2 $0x0  }
0x16: {  	s3 =	sld [smem:$0x3FDB];
	s0 =	simm.s32 @p2 $0x1  }
0x17: {  	s4 =	simm.s32 $0x1BF5;
	[smem:$0x3FB6] =	sst s0  }
0x18: {  	s0 =	sld [smem:$0x3F99];
	_ =	swait.ge [sflag:s4], $0x0  }
0x19: {  	s7 =	sld [smem:$0x3F9A]  }
0x1a: {  	s8 =	sadd.s32 $0xFFFFE003, lr  }
0x1b: {  	s9 =	sadd.s32 $0xFFFFFEF7, lr;
	s5 =	simm.s32 $0xFFFFFFFF;
	p2 =	slt.u32 s8, $0xFFFFF086  }
0x1c: {  	p1 =	slt.u32 s9, $0xF7A;
	s5 =	simm.s32 @!p2 $0x0  }
0x1d: {  	s5 =	simm.s32 @p1 $0x1;
	p0 =	seq.s32 s7, s2  }
0x1e: {  	s7 =	smul.u32 @!p0 $0xF7A, s2;
	p2 =	seq.s32 @!p0 s5, $0x0  }
0x1f: {  	s9 =	smul.u32 $0xF7A, s1;
	s8 =	simm.s32 @!p0 $0x1BF5;
	p2 =	por !p2, p0  }
0x20: {  	[sflag:s8] =	ssyncset.s32 @!p0 $0xFFFFF086;
	s6 =	sadd.s32 @!p0 s3, s7;
	s7 =	simm.s32 @!p0 $0x108  }
0x21: {  	s3 =	sadd.s32 s3, s9;
	s6 =	sadd.s32 @!p0 $0x88, s6;
	s7 =	simm.s32 @p2 $0x1082  }
0x22: {  	[simem:s7], [sflag:s8] =	dma.local @!p0 [hbm:s6], $0xF7A  }
0x23: {  	s9 =	sor.u32 $0xD0000000, s2;
	s6 =	simm.s32 $0x108;
	_ =	swait.ge @!p0 [sflag:s8], $0x0  }
0x24: {  	s3 =	sadd.s32 $0x88, s3;
	s6 =	simm.s32 @!p1 $0x1082;
	[sflag:s4] =	ssyncset.s32 $0xFFFFF086  }
0x25: {  	[simem:s6], [sflag:s4] =	dma.local [hbm:s3], $0xF7A  }
0x26: {  	[smem:$0x3F9A] =	sst s1;
	(tag) =	ssettag s2;
	_ =	strace s9  }
0x27: {  	s1 =	sld [smem:$0x3FAA]  }
0x28: {  	s2 =	sld [smem:$0x3FAB]  }
0x29: {  	s4 =	sld [smem:$0x3FAD]  }
0x2a: {  	p0 =	seq.s32 s5, $0x0;
	s5 =	sld [smem:$0x3FAE]  }
0x2b: {  	s6 =	sld [smem:$0x3FAF]  }
0x2c: {  	s7 =	sld [smem:$0x3FB0]  }
0x2d: {  	s3 =	simm.s32 $0x108;
	s8 =	sld [smem:$0x3FB1]  }
0x2e: {  	s3 =	simm.s32 @!p0 $0x1082;
	s9 =	sld [smem:$0x3FB2]  }
0x2f: {  	lr =	sadd.s32 s0, s3;
	s0 =	sld [smem:$0x3FA9]  }
0x30: {  	s3 =	sld [smem:$0x3FAC]  }
0x31: {  	[smem:$0x3FB5] =	sst s10  }
0x32: {  	s10 =	sld [smem:$0x3FB3];
	_ =	sdelay $0x3  }
0x33: {  	p0 =	seq.s32 s10, $0x1;
	s10 =	sld [smem:$0x3FB5];
	_ =	sdelay $0x3  }
0x34: {  	[smem:$0x3FB5] =	sst s10  }
0x35: {  	s10 =	sld [smem:$0x3FB4];
	_ =	sdelay $0x3  }
0x36: {  	p1 =	seq.s32 s10, $0x1;
	s10 =	sld [smem:$0x3FB5];
	_ =	sdelay $0x3  }
0x37: {  	[smem:$0x3FB5] =	sst s10  }
0x38: {  	s10 =	sld [smem:$0x3FB6]  }
0x39: {  	_ = 	snop;
	(pc) =	sbr.ind lr, $3  }
0x3a: {  	_ = 	snop  }
0x3b: {  	_ = 	snop  }
0x3c: {  	p2 =	seq.s32 s10, $0x1;
	s10 =	sld [smem:$0x3FB5]  }
0x3d: {  	_ =	shalt  }
0x3e: {  	_ =	shalt  }
0x3f: {  	_ =	shalt  }
0x40: {  	_ =	shalt  }
0x41: {  	_ =	shalt  }
0x42: {  	_ =	shalt  }
0x43: {  	_ =	shalt  }
0x44: {  	_ =	shalt  }
0x45: {  	_ =	shalt  }
0x46: {  	_ =	shalt  }
0x47: {  	_ =	shalt  }
0x48: {  	_ =	shalt  }
0x49: {  	_ =	shalt  }
0x4a: {  	_ =	shalt  }
0x4b: {  	_ =	shalt  }
0x4c: {  	_ =	shalt  }
0x4d: {  	_ =	shalt  }
0x4e: {  	_ =	shalt  }
0x4f: {  	_ =	shalt  }
0x50: {  	_ =	shalt  }
0x51: {  	_ =	shalt  }
0x52: {  	_ =	shalt  }
0x53: {  	_ =	shalt  }
0x54: {  	_ =	shalt  }
0x55: {  	_ =	shalt  }
0x56: {  	_ =	shalt  }
0x57: {  	_ =	shalt  }
0x58: {  	_ =	shalt  }
0x59: {  	_ =	shalt  }
0x5a: {  	_ =	shalt  }
0x5b: {  	_ =	shalt  }
0x5c: {  	_ =	shalt  }
0x5d: {  	_ =	shalt  }
0x5e: {  	_ =	shalt  }
0x5f: {  	_ =	shalt  }
0x60: {  	_ =	shalt  }
0x61: {  	_ =	shalt  }
0x62: {  	_ =	shalt  }
0x63: {  	_ =	shalt  }
0x64: {  	_ =	shalt  }
0x65: {  	_ =	shalt  }
0x66: {  	_ =	shalt  }
0x67: {  	_ =	shalt  }
0x68: {  	_ =	shalt  }
0x69: {  	_ =	shalt  }
0x6a: {  	_ =	shalt  }
0x6b: {  	_ =	shalt  }
0x6c: {  	_ =	shalt  }
0x6d: {  	_ =	shalt  }
0x6e: {  	_ =	shalt  }
0x6f: {  	_ =	shalt  }
0x70: {  	_ =	shalt  }
0x71: {  	_ =	shalt  }
0x72: {  	_ =	shalt  }
0x73: {  	_ =	shalt  }
0x74: {  	_ =	shalt  }
0x75: {  	_ =	shalt  }
0x76: {  	_ =	shalt  }
0x77: {  	_ =	shalt  }
0x78: {  	_ =	shalt  }
0x79: {  	_ =	shalt  }
0x7a: {  	_ =	shalt  }
0x7b: {  	_ =	shalt  }
0x7c: {  	_ =	shalt  }
0x7d: {  	_ =	shalt  }
0x7e: {  	_ =	shalt  }
0x7f: {  	_ =	shalt  }
0x80: {  	_ =	shalt  }
0x81: {  	_ =	shalt  }
0x82: {  	_ =	shalt  }
0x83: {  	_ =	shalt  }
0x84: {  	_ =	shalt  }
0x85: {  	_ =	shalt  }
0x86: {  	_ =	shalt  }
0x87: {  	_ =	shalt  }
.Lfunc_end0:
.L_simem_size_0:
called_computation.2_lowered:
.L_overlay_start_0:
0x88: {  	s2 =	sld [smem:$0x3FD9]  }
0x89: {  	s3 =	sld [smem:$0x3FFE];
	_ =	sdelay $0x1  }
0x8a: {  	s1 =	srdreg.scid  }
0x8b: {  	s0 =	sand.u32 $0x1, s1  }
0x8c: {  	s16 =	sshll.u32 s0, $0xA;
	s2 =	sadd.s32 s3, s2  }
0x8d: {  	s2 =	sadd.s32 s2, s16  }
0x8e: {  	[smem:$0x3FC1] =	sst s2  }
0x8f: {  	_ = 	snop  }
0x90: {  	(tm) =	ssettm $0x1  }
0x91: {  	s17 =	sld [smem:$0x3FFB];
	_ =	sdelay $0x3  }
0x92: {  	_ =	strace s17  }
0x93: {  	s2 =	sld [smem:$0x3FFC];
	_ =	sdelay $0x3  }
0x94: {  	_ =	strace s2  }
0x95: {  	s2 =	sld [smem:$0x3FFD];
	_ =	sdelay $0x3  }
0x96: {  	_ =	strace s2  }
0x97: {  	_ =	strace $0x8FFFFFFF  }
0x98: {  	s18 =	sld [smem:$0x3FDB];
	_ =	sdelay $0x1  }
0x99: {  	s19 =	simm.s32 $_scs_section_size  }
0x9a: {  	s4 =	simm.s32 $_size__tile_overlayer_lowered;
	s5 =	simm.s32 $_tile_overlayer_lowered  }
0x9b: {  	s22 =	simm.s32 $0x1BFF;
	s21 =	sshll.u32 s5, $0x1;
	s2 =	sadd.s32 s19, s18  }
0x9c: {  	s6 =	simm.s32 $0x0;
	s20 =	sshll.u32 s4, $0x1;
	s4 =	sadd.s32 s21, s2  }
0x9d: {  	[timem:s6], [sflag:s22] =	dma.local [hbm:s4], s20  }
0x9e: {  	_ =	swait.ge [sflag:s22], s20  }
0x9f: {  	s3 =	ssub.s32 $0x0, s20;
	[sflag:s22] =	ssyncset.done $0x0  }
0xa0: {  	[sflag:s22] =	ssyncadd.s32 s3;
	_ =	sdelay $0x1  }
0xa1: {  	s23 =	simm.s32 $0x1B8B  }
0xa2: {  	_ =	swait.ge [sflag:s23], $0x1  }
0xa3: {  	[sflag:s23] =	ssyncset.done $0x0  }
0xa4: {  	s25 =	simm.s32 $0x1B8E;
	s24 =	sld [smem:$0x3FFE];
	[sflag:s23] =	ssyncadd.s32 $0xFFFFFFFF  }
0xa5: {  	s26 =	simm.s32 $execute0_lowered;
	[smem:$0x3FD2] =	sst s25  }
0xa6: {  	s4 =	sshll.u32 s26, $0x1;
	_ =	strace $0x8000004C;
	[dreg:$0x1] =	wrdreg $0xFFFFFFFF  }
0xa7: {  	s28 =	simm.s32 $_size_execute0_lowered;
	s2 =	sadd.s32 s2, s4;
	[dreg:$0x0] =	wrdreg $0x0  }
0xa8: {  	s4 =	sshll.u32 s28, $0x1;
	[dreg:$0x2] =	wrdreg s2  }
0xa9: {  	[dreg:$0x3] =	wrdreg s4  }
0xaa: {  	[dreg:$0x4] =	wrdreg $0xC0  }
0xab: {  	_ =	task [dreg:s6], $0x5FFFF  }
0xac: {  	[dreg:$0x1] =	wrdreg $0xFFFFFFFF  }
0xad: {  	[dreg:$0x0] =	wrdreg $0x60  }
0xae: {  	[dreg:$0x2] =	wrdreg s24  }
0xaf: {  	[dreg:$0x3] =	wrdreg $0x0  }
0xb0: {  	[dreg:$0x4] =	wrdreg $0x9  }
0xb1: {  	_ =	task.clear_ibuf [dreg:s6], $0x5FFFF;
	_ =	strace $0x9000004C  }
0xb2: {  	s29 =	simm.s32 $0x9;
	_ =	strace $0x8000004E  }
0xb3: {  	_ =	swait.ge [sflag:s29], $0x1  }
0xb4: {  	[sflag:s29] =	ssyncadd.s32 $0xFFFFFFFF  }
0xb5: {  	_ =	strace $0x9000004E  }
0xb6: {  	_ =	sfence  }
0xb7: {  	s30 =	sld [smem:$0x0];
	_ =	sdelay $0x2  }
0xb8: {  	s31 =	sshll.u32 s1, $0xD;
	s1 =	sshrl.u32 s1, $0x2  }
0xb9: {  	s3 =	sand.u32 $0x4000, s31;
	s1 =	sadd.s32 s1, s30  }
0xba: {  	s0 =	sor.u32 s3, s0;
	s1 =	sshll.u32 s1, $0x11  }
0xbb: {  	s0 =	sor.u32 s1, s0  }
0xbc: {  	s0 =	sadd.s32 $0x8F2B, s0  }
0xbd: {  	[sflag:s0] =	ssyncadd.remote.s32 $0x1  }
0xbe: {  	_ =	sfence.sel $0xFFFF  }
0xbf: {  	[dreg:$0x0] =	wrdreg $0xFFFFFFFF;
	(pc) =	sbr.abs _section_cstart, $3  }
0xc0: {  	[dreg:$0x1] =	wrdreg $0xFFFFFFFF  }
0xc1: {  	_ =	task.clear_ibuf [dreg:s6], $0x2FFFF;
	_ =	strace $0x9FFFFFFF  }
0xc2: {  	(tm) =	ssettm $0x7FFFFFFF  }
0xc3: {  	_ =	shalt  }
tec
execute0_lowered:
.L_overlay_start_1:
0x0: {  	(tag) =	ssettag $0x1  }
0x1: {  	s0 =	srdreg.scid  }
0x2: {  	s9 =	stileid.u32;
	s1 =	rddreg [dreg:$0x0]  }
0x3: {  	s2 =	rddreg [dreg:$0x1];
	s4 =	simm.s32 $0x0;
	s28 =	simm.s32 $0x16010  }
0x4: {  	s29 =	simm.s32 $0x18720;
	s30 =	simm.s32 $0x50;
	s31 =	simm.s32 $0x1D720  }
0x5: {  	s0 =	sand.u32 $0x1, s0;
	s3 =	sshll.u32 s9, $0x1;
	s6 =	smul.u32 $0x13880, s9  }
0x6: {  	[smem:$0x7FF] =	sst s4;
	s4 =	sadd.s32 $0x48800, s1;
	s9 =	smul.u32 $0x4E200, s9  }
0x7: {  	s3 =	sor.u32 s0, s3;
	s5 =	ssub.s32 $0x2, s0;
	s0 =	smul.u32 $0x138800, s0  }
0x8: {  	_ =	strace $0x8000004D;
	s3 =	smul.u32 $0x4E2, s3;
	s7 =	sshrl.u32 s5, $0x1  }
0x9: {  	s15 =	sadd.s32 $0x11800, s6;
	s19 =	sshrl.u32 s9, $0x2;
	s20 =	sadd.s32 $0x2800, s6  }
0xa: {  	s21 =	sadd.s32 $0x5000, s6;
	s22 =	sadd.s32 $0x7800, s6;
	s23 =	sadd.s32 $0xA000, s6  }
0xb: {  	s10 =	sadd.s32 $0xC800, s6;
	s11 =	sadd.s32 $0xF000, s6;
	s5 =	ssub.s32 s5, s7  }
0xc: {  	s16 =	sadd.s32 s0, s15;
	s8 =	sadd.s32 s0, s6;
	s7 =	sadd.s32 s15, s2  }
0xd: {  	s12 =	sadd.s32 s20, s2;
	s13 =	sadd.s32 s21, s2;
	s15 =	sadd.s32 s23, s2  }
0xe: {  	s9 =	sadd.s32 s0, s23;
	s6 =	sadd.s32 s6, s2;
	s3 =	sadd.s32 s3, s1  }
0xf: {  	s1 =	sadd.s32 $0x6FA00, s1;
	s8 =	sshrl.u32 s8, $0x3;
	s18 =	smax.u32 s5, $0x1  }
0x10: {  	s5 =	sadd.s32 s0, s20;
	s25 =	sshrl.u32 s9, $0x3;
	s9 =	simm.s32 $0x6  }
0x11: {  	s14 =	sadd.s32 $0xDA00, s3;
	s3 =	sadd.s32 $0x3C00, s3;
	[dreg:$0x7] =	wrdreg s18  }
0x12: {  	s17 =	sadd.s32 s1, s8;
	s8 =	sadd.s32 s0, s22;
	[dreg:$0x3] =	wrdreg s14  }
0x13: {  	s5 =	sshrl.u32 s5, $0x3;
	[dreg:$0x4] =	wrdreg s3;
	s3 =	sshrl.u32 s16, $0x3  }
0x14: {  	[dreg:$0x6] =	wrdreg s17;
	s14 =	sadd.s32 s22, s2;
	s16 =	sadd.s32 s10, s2  }
0x15: {  	s10 =	sadd.s32 s0, s10;
	s17 =	sadd.s32 s11, s2;
	s5 =	sadd.s32 s1, s5  }
0x16: {  	s24 =	sshrl.u32 s8, $0x3;
	s8 =	simm.s32 $0x5;
	s3 =	sadd.s32 s1, s3  }
0x17: {  	[dreg:$0x9] =	wrdreg s5;
	s20 =	sadd.s32 s1, s24;
	s26 =	sshrl.u32 s10, $0x3  }
0x18: {  	s24 =	simm.s32 $0x13900;
	s5 =	simm.s32 $0x4;
	s10 =	simm.s32 $0x0  }
0x19: {  	[dreg:$0x5] =	wrdreg s3;
	s3 =	sadd.s32 s19, s2;
	s22 =	sadd.s32 s1, s26  }
0x1a: {  	s26 =	simm.s32 $0x7;
	[dreg:$0x8] =	wrdreg s3;
	s3 =	sadd.s32 s0, s21  }
0x1b: {  	s0 =	sadd.s32 s0, s11;
	s21 =	sadd.s32 s1, s25;
	s25 =	sshrl.u32 s6, $0x3  }
0x1c: {  	s6 =	simm.s32 $0x3;
	s3 =	sshrl.u32 s3, $0x3;
	s0 =	sshrl.u32 s0, $0x3  }
0x1d: {  	s3 =	sadd.s32 s1, s3;
	s23 =	sadd.s32 s1, s0;
	s1 =	simm.s32 $0x1AF20  }
0x1e: {  	v0 =	vimm.f32 $0.0e+00;
	s0 =	simm.s32 $0x1;
	[dreg:$0xa] =	wrdreg s3;
	s3 =	simm.s32 $0x2  }
.LBB2_1:
0x1f: {  	s11 =	simm.s32 $0x0;
	s18 =	rddreg [dreg:$0x3]  }
0x20: {  	[tilespmem:s24], [sflag:$0x7] =	stream.linear.gather [hbm4b:s18+s11], $0x2710, $0x38;
	[tilespmem:$0x1FF20] =	vst v63  }
0x21: {  	_ =	swait.ge [sflag:s26], $0x2710  }
0x22: {  	[sflag:s26] =	ssyncset.done $0x0  }
0x23: {  	s19 =	rddreg [dreg:$0x4];
	[sflag:s26] =	ssyncadd.s32 $0xFFFFD8F0  }
0x24: {  	[tilespmem:s28], [sflag:$0x7] =	stream.linear.gather [hbm4b:s19+s11], $0x2710, $0x38;
	[tilespmem:$0x1FF20] =	vst v63  }
0x25: {  	_ =	swait.ge [sflag:s26], $0x2710  }
0x26: {  	[sflag:s26] =	ssyncset.done $0x0  }
0x27: {  	s11 =	simm.s32 $0x0;
	[sflag:s26] =	ssyncadd.s32 $0xFFFFD8F0  }
0x28: {  	v5 =	vld [tilespmem:s11+$0x13900]  }
0x29: {  	v4 =	vld [tilespmem:s11+$0x13910]  }
0x2a: {  	v3 =	vld [tilespmem:s11+$0x13920]  }
0x2b: {  	v2 =	vld [tilespmem:s11+$0x13930]  }
0x2c: {  	v1 =	vld [tilespmem:s11+$0x13940]  }
0x2d: {  	v9 =	vld [tilespmem:s11+$0x16010]  }
0x2e: {  	v8 =	vld [tilespmem:s11+$0x16020]  }
0x2f: {  	v7 =	vld [tilespmem:s11+$0x16030]  }
0x30: {  	s18 =	simm.s32 $0x140;
	v6 =	vld [tilespmem:s11+$0x16040]  }
.LBB2_2:
0x31: {  	s19 =	sshra.s32 s18, $0x2;
	p0 =	sne.s32 s18, $0x9B00;
	v10 =	vld [tilespmem:s11+$0x16050]  }
0x32: {  	vm0 =	veq.s32 v5, v9;
	v5 =	vld [tilespmem:s19+$0x13900]  }
0x33: {  	v9 =	vsel vm0, $0x2710, v9;
	vm0 =	veq.s32 v4, v8;
	v4 =	vld [tilespmem:s19+$0x13910]  }
0x34: {  	[tilespmem:s11+$0x16010] =	vst v9;
	v8 =	vsel vm0, $0x2710, v8;
	vm0 =	veq.s32 v3, v7;
	v3 =	vld [tilespmem:s19+$0x13920]  }
0x35: {  	[tilespmem:s11+$0x16020] =	vst v8;
	v7 =	vsel vm0, $0x2710, v7;
	vm0 =	veq.s32 v2, v6;
	v2 =	vld [tilespmem:s19+$0x13930]  }
.Ltmp0:
0x36: {  	[tilespmem:s11+$0x16030] =	vst v7;
	v6 =	vsel vm0, $0x2710, v6;
	vm0 =	veq.s32 v1, v10;
	v1 =	vld [tilespmem:s19+$0x13940];
	(pc) =	sbr.rel @p0 .LBB2_2-.Ltmp0, $4  }
0x37: {  	v9 =	vld [tilespmem:s19+$0x16010];
	[tilespmem:s11+$0x16040] =	vst v6;
	v6 =	vsel vm0, $0x2710, v10  }
0x38: {  	v8 =	vld [tilespmem:s19+$0x16020];
	[tilespmem:s11+$0x16050] =	vst v6;
	s11 =	smov.u32 s19  }
0x39: {  	v7 =	vld [tilespmem:s11+$0x16030]  }
0x3a: {  	s18 =	sadd.s32 $0x140, s18;
	v6 =	vld [tilespmem:s11+$0x16040]  }
0x3b: {  	v10 =	vld [tilespmem:s11+$0x16050]  }
0x3c: {  	vm0 =	veq.s32 v5, v9  }
0x3d: {  	v5 =	vsel vm0, $0x2710, v9;
	vm12 =	veq.s32 v4, v8  }
0x3e: {  	[tilespmem:s11+$0x16010] =	vst v5;
	v4 =	vsel vm12, $0x2710, v8;
	vm13 =	veq.s32 v3, v7  }
0x3f: {  	[tilespmem:s11+$0x16020] =	vst v4;
	v3 =	vsel vm13, $0x2710, v7;
	vm14 =	veq.s32 v2, v6  }
0x40: {  	[tilespmem:s11+$0x16030] =	vst v3;
	v2 =	vsel vm14, $0x2710, v6;
	vm15 =	veq.s32 v1, v10  }
0x41: {  	[tilespmem:s11+$0x16040] =	vst v2;
	v1 =	vsel vm15, $0x2710, v10  }
0x42: {  	s18 =	simm.s32 $0x3C0;
	[tilespmem:s11+$0x16050] =	vst v1;
	s11 =	simm.s32 $0x70  }
.LBB2_4:
0x43: {  	p0 =	sne.s32 s18, $0x9FC0;
	[tilespmem:s11+$0x18720] =	vst v0  }
0x44: {  	[tilespmem:s11+$0x186B0] =	vst v0  }
0x45: {  	[tilespmem:s11+$0x186C0] =	vst v0  }
.Ltmp1:
0x46: {  	[tilespmem:s11+$0x186D0] =	vst v0;
	(pc) =	sbr.rel @p0 .LBB2_4-.Ltmp1, $4  }
0x47: {  	[tilespmem:s11+$0x186E0] =	vst v0  }
0x48: {  	[tilespmem:s11+$0x186F0] =	vst v0  }
0x49: {  	[tilespmem:s11+$0x18700] =	vst v0  }
0x4a: {  	[tilespmem:s11+$0x18710] =	vst v0;
	s11 =	sshra.s32 s18, $0x2;
	s18 =	sadd.s32 $0x200, s18  }
0x4b: {  	[tilespmem:s11+$0x18720] =	vst v0  }
0x4c: {  	[tilespmem:s11+$0x186B0] =	vst v0  }
0x4d: {  	[tilespmem:s11+$0x186C0] =	vst v0  }
0x4e: {  	[tilespmem:s11+$0x186D0] =	vst v0  }
0x4f: {  	[tilespmem:s11+$0x186E0] =	vst v0  }
0x50: {  	[tilespmem:s11+$0x186F0] =	vst v0  }
0x51: {  	[tilespmem:s11+$0x18700] =	vst v0  }
0x52: {  	[tilespmem:s11+$0x18710] =	vst v0;
	s18 =	rddreg [dreg:$0x8]  }
0x53: {  	[spmem:s18] =	stream.linear.scatter [tilespmem:s29], [sflag:$0x7], $0x2800, $0x38;
	[tilespmem:$0x1FF20] =	vst v63  }
0x54: {  	_ =	swait.ge [sflag:s26], $0x2800  }
0x55: {  	[sflag:s26] =	ssyncset.done $0x0  }
0x56: {  	[sflag:s26] =	ssyncadd.s32 $0xFFFFD800  }
0x57: {  	[spmem:s12] =	stream.linear.scatter [tilespmem:s29], [sflag:$0x7], $0x2800, $0x38;
	[tilespmem:$0x1FF20] =	vst v63  }
0x58: {  	_ =	swait.ge [sflag:s26], $0x2800  }
0x59: {  	[sflag:s26] =	ssyncset.done $0x0  }
0x5a: {  	[sflag:s26] =	ssyncadd.s32 $0xFFFFD800  }
0x5b: {  	[spmem:s13] =	stream.linear.scatter [tilespmem:s29], [sflag:$0x7], $0x2800, $0x38;
	[tilespmem:$0x1FF20] =	vst v63  }
0x5c: {  	_ =	swait.ge [sflag:s26], $0x2800  }
0x5d: {  	[sflag:s26] =	ssyncset.done $0x0  }
0x5e: {  	[sflag:s26] =	ssyncadd.s32 $0xFFFFD800  }
0x5f: {  	[spmem:s14] =	stream.linear.scatter [tilespmem:s29], [sflag:$0x7], $0x2800, $0x38;
	[tilespmem:$0x1FF20] =	vst v63  }
0x60: {  	_ =	swait.ge [sflag:s26], $0x2800  }
0x61: {  	[sflag:s26] =	ssyncset.done $0x0  }
0x62: {  	[sflag:s26] =	ssyncadd.s32 $0xFFFFD800  }
0x63: {  	[spmem:s15] =	stream.linear.scatter [tilespmem:s29], [sflag:$0x7], $0x2800, $0x38;
	[tilespmem:$0x1FF20] =	vst v63  }
0x64: {  	_ =	swait.ge [sflag:s26], $0x2800  }
0x65: {  	[sflag:s26] =	ssyncset.done $0x0  }
0x66: {  	[sflag:s26] =	ssyncadd.s32 $0xFFFFD800  }
0x67: {  	[spmem:s16] =	stream.linear.scatter [tilespmem:s29], [sflag:$0x7], $0x2800, $0x38;
	[tilespmem:$0x1FF20] =	vst v63  }
0x68: {  	_ =	swait.ge [sflag:s26], $0x2800  }
0x69: {  	[sflag:s26] =	ssyncset.done $0x0  }
0x6a: {  	[sflag:s26] =	ssyncadd.s32 $0xFFFFD800  }
0x6b: {  	[spmem:s17] =	stream.linear.scatter [tilespmem:s29], [sflag:$0x7], $0x2800, $0x38;
	[tilespmem:$0x1FF20] =	vst v63  }
0x6c: {  	_ =	swait.ge [sflag:s26], $0x2800  }
0x6d: {  	[sflag:s26] =	ssyncset.done $0x0  }
0x6e: {  	[sflag:s26] =	ssyncadd.s32 $0xFFFFD800  }
0x6f: {  	[spmem:s7] =	stream.linear.scatter [tilespmem:s29], [sflag:$0x7], $0x2080, $0x38;
	[tilespmem:$0x1FF20] =	vst v63  }
0x70: {  	_ =	swait.ge [sflag:s26], $0x2080  }
0x71: {  	[sflag:s26] =	ssyncset.done $0x0  }
0x72: {  	[sflag:s26] =	ssyncadd.s32 $0xFFFFDF80  }
0x73: {  	[tilespmem:s29], [sflag:$0x1] =	stream.indirect.gather [hbm4b:s4+s30], $0x80, s24, s30, $0xb8;
	[tilespmem:$0x1FF20] =	vst v63  }
0x74: {  	s19 =	simm.s32 $0x13950  }
0x75: {  	[tilespmem:s1], [sflag:$0x2] =	stream.indirect.gather [hbm4b:s4+s30], $0x80, s19, s30, $0xb8;
	[tilespmem:$0x1FF20] =	vst v63  }
0x76: {  	[bflag:$0x0] =	sbarrier.arrive $0xFFFF  }
0x77: {  	_ =	swait.ge [sflag:s0], $0x2800  }
0x78: {  	[sflag:s0] =	ssyncset.done $0x0  }
0x79: {  	s18 =	simm.s32 $0x139A0;
	[sflag:s0] =	ssyncadd.s32 $0xFFFFD800  }
0x7a: {  	[tilespmem:s31], [sflag:$0x3] =	stream.indirect.gather [hbm4b:s4+s30], $0x80, s18, s30, $0xb8;
	[tilespmem:$0x1FF20] =	vst v63  }
0x7b: {  	_ = 	snop  }
0x7c: {  	[spmem:s2] =	stream.indirect.scatter.add.f32 [tilespmem:s29], [sflag:$0x4], $0x80, s28, s30, $0xb8;
	[tilespmem:$0x1FF20] =	vst v63  }
0x7d: {  	_ =	swait.ge [sflag:s3], $0x2800  }
0x7e: {  	[sflag:s3] =	ssyncset.done $0x0  }
0x7f: {  	[sflag:s3] =	ssyncadd.s32 $0xFFFFD800  }
0x80: {  	_ =	swait.ge [sflag:s5], $0x2800  }
0x81: {  	[sflag:s5] =	ssyncset.done $0x0  }
0x82: {  	s19 =	simm.s32 $0x139F0;
	[sflag:s5] =	ssyncadd.s32 $0xFFFFD800  }
0x83: {  	[tilespmem:s29], [sflag:$0x1] =	stream.indirect.gather [hbm4b:s4+s30], $0x80, s19, s30, $0xb8;
	[tilespmem:$0x1FF20] =	vst v63  }
0x84: {  	s18 =	simm.s32 $0x16060  }
0x85: {  	[spmem:s2] =	stream.indirect.scatter.add.f32 [tilespmem:s1], [sflag:$0x5], $0x80, s18, s30, $0xb8;
	[tilespmem:$0x1FF20] =	vst v63  }
0x86: {  	_ =	swait.ge [sflag:s6], $0x2800  }
0x87: {  	[sflag:s6] =	ssyncset.done $0x0  }
0x88: {  	[sflag:s6] =	ssyncadd.s32 $0xFFFFD800  }
0x89: {  	_ =	swait.ge [sflag:s8], $0x2800  }
0x8a: {  	[sflag:s8] =	ssyncset.done $0x0  }
0x8b: {  	s19 =	simm.s32 $0x13A40;
	[sflag:s8] =	ssyncadd.s32 $0xFFFFD800  }
0x8c: {  	[tilespmem:s1], [sflag:$0x2] =	stream.indirect.gather [hbm4b:s4+s30], $0x80, s19, s30, $0xb8;
	[tilespmem:$0x1FF20] =	vst v63  }
0x8d: {  	s18 =	simm.s32 $0x160B0  }
0x8e: {  	[spmem:s2] =	stream.indirect.scatter.add.f32 [tilespmem:s31], [sflag:$0x6], $0x80, s18, s30, $0xb8;
	[tilespmem:$0x1FF20] =	vst v63  }
0x8f: {  	_ =	swait.ge [sflag:s0], $0x2800  }
0x90: {  	[sflag:s0] =	ssyncset.done $0x0  }
0x91: {  	[sflag:s0] =	ssyncadd.s32 $0xFFFFD800  }
0x92: {  	_ =	swait.ge [sflag:s9], $0x2800  }
0x93: {  	[sflag:s9] =	ssyncset.done $0x0  }
0x94: {  	s19 =	simm.s32 $0x13A90;
	[sflag:s9] =	ssyncadd.s32 $0xFFFFD800  }
0x95: {  	[tilespmem:s31], [sflag:$0x3] =	stream.indirect.gather [hbm4b:s4+s30], $0x80, s19, s30, $0xb8;
	[tilespmem:$0x1FF20] =	vst v63  }
0x96: {  	s18 =	simm.s32 $0x16100  }
0x97: {  	[spmem:s2] =	stream.indirect.scatter.add.f32 [tilespmem:s29], [sflag:$0x4], $0x80, s18, s30, $0xb8;
	[tilespmem:$0x1FF20] =	vst v63  }
0x98: {  	_ =	swait.ge [sflag:s3], $0x2800  }
0x99: {  	[sflag:s3] =	ssyncset.done $0x0  }
0x9a: {  	[sflag:s3] =	ssyncadd.s32 $0xFFFFD800  }
0x9b: {  	_ =	swait.ge [sflag:s5], $0x2800  }
0x9c: {  	[sflag:s5] =	ssyncset.done $0x0  }
0x9d: {  	s19 =	simm.s32 $0x13AE0;
	[sflag:s5] =	ssyncadd.s32 $0xFFFFD800  }
0x9e: {  	[tilespmem:s29], [sflag:$0x1] =	stream.indirect.gather [hbm4b:s4+s30], $0x80, s19, s30, $0xb8;
	[tilespmem:$0x1FF20] =	vst v63  }
0x9f: {  	s18 =	simm.s32 $0x16150  }
0xa0: {  	[spmem:s2] =	stream.indirect.scatter.add.f32 [tilespmem:s1], [sflag:$0x5], $0x80, s18, s30, $0xb8;
	[tilespmem:$0x1FF20] =	vst v63  }
0xa1: {  	_ =	swait.ge [sflag:s6], $0x2800  }
0xa2: {  	[sflag:s6] =	ssyncset.done $0x0  }
0xa3: {  	[sflag:s6] =	ssyncadd.s32 $0xFFFFD800  }
0xa4: {  	_ =	swait.ge [sflag:s8], $0x2800  }
0xa5: {  	s11 =	simm.s32 $0x3C0;
	[sflag:s8] =	ssyncset.done $0x0  }
0xa6: {  	s19 =	simm.s32 $0x13B30;
	s18 =	simm.s32 $0x161A0;
	[sflag:s8] =	ssyncadd.s32 $0xFFFFD800  }
0xa7: {  	[tilespmem:s1], [sflag:$0x2] =	stream.indirect.gather [hbm4b:s4+s30], $0x80, s19, s30, $0xb8;
	[tilespmem:$0x1FF20] =	vst v63  }
.LBB2_6:
0xa8: {  	[spmem:s2] =	stream.indirect.scatter.add.f32 [tilespmem:s31], [sflag:$0x6], $0x80, s18, s30, $0xb8;
	[tilespmem:$0x1FF20] =	vst v63  }
0xa9: {  	s18 =	smov.u32 s11  }
0xaa: {  	p0 =	sne.s32 s11, $0x9240;
	s11 =	sadd.s32 $0x3C0, s11;
	_ =	swait.ge [sflag:s0], $0x2800  }
0xab: {  	[sflag:s0] =	ssyncset.done $0x0  }
0xac: {  	[sflag:s0] =	ssyncadd.s32 $0xFFFFD800  }
0xad: {  	_ =	swait.ge [sflag:s9], $0x2800  }
0xae: {  	s18 =	sshra.s32 s18, $0x2;
	[sflag:s9] =	ssyncset.done $0x0  }
0xaf: {  	s19 =	sadd.s32 $0x13A90, s18;
	[sflag:s9] =	ssyncadd.s32 $0xFFFFD800  }
0xb0: {  	[tilespmem:s31], [sflag:$0x3] =	stream.indirect.gather [hbm4b:s4+s30], $0x80, s19, s30, $0xb8;
	[tilespmem:$0x1FF20] =	vst v63  }
0xb1: {  	s19 =	sadd.s32 $0x16100, s18  }
0xb2: {  	[spmem:s2] =	stream.indirect.scatter.add.f32 [tilespmem:s29], [sflag:$0x4], $0x80, s19, s30, $0xb8;
	[tilespmem:$0x1FF20] =	vst v63  }
0xb3: {  	_ =	swait.ge [sflag:s3], $0x2800  }
0xb4: {  	[sflag:s3] =	ssyncset.done $0x0  }
0xb5: {  	[sflag:s3] =	ssyncadd.s32 $0xFFFFD800  }
0xb6: {  	_ =	swait.ge [sflag:s5], $0x2800  }
0xb7: {  	[sflag:s5] =	ssyncset.done $0x0  }
0xb8: {  	s19 =	sadd.s32 $0x13AE0, s18;
	[sflag:s5] =	ssyncadd.s32 $0xFFFFD800  }
0xb9: {  	[tilespmem:s29], [sflag:$0x1] =	stream.indirect.gather [hbm4b:s4+s30], $0x80, s19, s30, $0xb8;
	[tilespmem:$0x1FF20] =	vst v63  }
0xba: {  	s19 =	sadd.s32 $0x16150, s18  }
0xbb: {  	[spmem:s2] =	stream.indirect.scatter.add.f32 [tilespmem:s1], [sflag:$0x5], $0x80, s19, s30, $0xb8;
	[tilespmem:$0x1FF20] =	vst v63  }
0xbc: {  	_ =	swait.ge [sflag:s6], $0x2800  }
0xbd: {  	[sflag:s6] =	ssyncset.done $0x0  }
0xbe: {  	[sflag:s6] =	ssyncadd.s32 $0xFFFFD800  }
.Ltmp2:
0xbf: {  	_ =	swait.ge [sflag:s8], $0x2800;
	(pc) =	sbr.rel @p0 .LBB2_6-.Ltmp2, $4  }
0xc0: {  	[sflag:s8] =	ssyncset.done $0x0  }
0xc1: {  	s19 =	sadd.s32 $0x13B30, s18;
	[sflag:s8] =	ssyncadd.s32 $0xFFFFD800  }
0xc2: {  	[tilespmem:s1], [sflag:$0x2] =	stream.indirect.gather [hbm4b:s4+s30], $0x80, s19, s30, $0xb8;
	[tilespmem:$0x1FF20] =	vst v63  }
0xc3: {  	s18 =	sadd.s32 $0x161A0, s18  }
0xc4: {  	[spmem:s2] =	stream.indirect.scatter.add.f32 [tilespmem:s31], [sflag:$0x6], $0x80, s18, s30, $0xb8;
	[tilespmem:$0x1FF20] =	vst v63  }
0xc5: {  	_ =	swait.ge [sflag:s0], $0x2800  }
0xc6: {  	[sflag:s0] =	ssyncset.done $0x0  }
0xc7: {  	[sflag:s0] =	ssyncadd.s32 $0xFFFFD800  }
0xc8: {  	_ =	swait.ge [sflag:s9], $0x2800  }
0xc9: {  	[sflag:s9] =	ssyncset.done $0x0  }
0xca: {  	s11 =	simm.s32 $0x18680;
	[sflag:s9] =	ssyncadd.s32 $0xFFFFD800  }
0xcb: {  	[spmem:s2] =	stream.indirect.scatter.add.f32 [tilespmem:s29], [sflag:$0x4], $0x80, s11, s30, $0xb8;
	[tilespmem:$0x1FF20] =	vst v63  }
0xcc: {  	_ =	swait.ge [sflag:s3], $0x2800  }
0xcd: {  	[sflag:s3] =	ssyncset.done $0x0  }
0xce: {  	[sflag:s3] =	ssyncadd.s32 $0xFFFFD800  }
0xcf: {  	_ =	swait.ge [sflag:s5], $0x2800  }
0xd0: {  	[sflag:s5] =	ssyncset.done $0x0  }
0xd1: {  	s19 =	simm.s32 $0x186D0;
	[sflag:s5] =	ssyncadd.s32 $0xFFFFD800  }
0xd2: {  	[spmem:s2] =	stream.indirect.scatter.add.f32 [tilespmem:s1], [sflag:$0x5], $0x80, s19, s30, $0xb8;
	[tilespmem:$0x1FF20] =	vst v63  }
0xd3: {  	_ =	swait.ge [sflag:s8], $0x2800  }
0xd4: {  	[sflag:s8] =	ssyncset.done $0x0  }
0xd5: {  	s18 =	stileid.u32;
	[sflag:s8] =	ssyncadd.s32 $0xFFFFD800  }
0xd6: {  	s11 =	sshll.u32 s18, $0x6;
	[bflag:$0x0] =	sbarrier.arrive $0xFFFF  }
0xd7: {  	s11 =	sor.u32 $0x1C07, s11;
	s19 =	rddreg [dreg:$0x6]  }
0xd8: {  	[hbm:s19], [sflag:s11] =	dma.local [spmem:s25], $0x500  }
0xd9: {  	_ =	swait.ge [sflag:s26], $0x500  }
0xda: {  	[sflag:s26] =	ssyncset.done $0x0  }
0xdb: {  	s18 =	sshrl.u32 s12, $0x3;
	s19 =	rddreg [dreg:$0x9];
	[sflag:s26] =	ssyncadd.s32 $0xFFFFFB00  }
0xdc: {  	[hbm:s19], [sflag:s11] =	dma.local [spmem:s18], $0x500  }
0xdd: {  	_ =	swait.ge [sflag:s26], $0x500  }
0xde: {  	[sflag:s26] =	ssyncset.done $0x0  }
0xdf: {  	s18 =	sshrl.u32 s13, $0x3;
	s19 =	rddreg [dreg:$0xa];
	[sflag:s26] =	ssyncadd.s32 $0xFFFFFB00  }
0xe0: {  	[hbm:s19], [sflag:s11] =	dma.local [spmem:s18], $0x500  }
0xe1: {  	_ =	swait.ge [sflag:s26], $0x500  }
0xe2: {  	[sflag:s26] =	ssyncset.done $0x0  }
0xe3: {  	s19 =	sshrl.u32 s14, $0x3;
	[sflag:s26] =	ssyncadd.s32 $0xFFFFFB00  }
0xe4: {  	[hbm:s20], [sflag:s11] =	dma.local [spmem:s19], $0x500  }
0xe5: {  	_ =	swait.ge [sflag:s26], $0x500  }
0xe6: {  	[sflag:s26] =	ssyncset.done $0x0  }
0xe7: {  	s19 =	sshrl.u32 s15, $0x3;
	[sflag:s26] =	ssyncadd.s32 $0xFFFFFB00  }
0xe8: {  	[hbm:s21], [sflag:s11] =	dma.local [spmem:s19], $0x500  }
0xe9: {  	_ =	swait.ge [sflag:s26], $0x500  }
0xea: {  	[sflag:s26] =	ssyncset.done $0x0  }
0xeb: {  	s19 =	sshrl.u32 s16, $0x3;
	[sflag:s26] =	ssyncadd.s32 $0xFFFFFB00  }
0xec: {  	[hbm:s22], [sflag:s11] =	dma.local [spmem:s19], $0x500  }
0xed: {  	_ =	swait.ge [sflag:s26], $0x500  }
0xee: {  	[sflag:s26] =	ssyncset.done $0x0  }
0xef: {  	s19 =	sshrl.u32 s17, $0x3;
	[sflag:s26] =	ssyncadd.s32 $0xFFFFFB00  }
0xf0: {  	[hbm:s23], [sflag:s11] =	dma.local [spmem:s19], $0x500  }
0xf1: {  	_ =	swait.ge [sflag:s26], $0x500  }
0xf2: {  	[sflag:s26] =	ssyncset.done $0x0  }
0xf3: {  	s18 =	sshrl.u32 s7, $0x3;
	s19 =	rddreg [dreg:$0x5];
	[sflag:s26] =	ssyncadd.s32 $0xFFFFFB00  }
0xf4: {  	[hbm:s19], [sflag:s11] =	dma.local [spmem:s18], $0x410  }
0xf5: {  	_ =	swait.ge [sflag:s26], $0x410  }
0xf6: {  	s10 =	sadd.s32 $0x1, s10;
	s19 =	rddreg [dreg:$0x7]  }
0xf7: {  	p0 =	sne.s32 s10, s19  }
.Ltmp3:
0xf8: {  	_ = 	snop;
	(pc) =	sbr.rel @p0 .LBB2_1-.Ltmp3, $3  }
0xf9: {  	_ =	sdelay $0x1  }
0xfa: {  	[sflag:s26] =	ssyncset.done $0x0  }
0xfb: {  	[sflag:s26] =	ssyncadd.s32 $0xFFFFFBF0  }
0xfc: {  	_ =	sfence.sel $0x180000  }
0xfd: {  	[bflag:$0x0] =	sbarrier.arrive $0xFFFF  }
0xfe: {  	_ =	strace $0x9000004D  }
0xff: {  	s0 =	stileid.u32;
	[bflag:$0x2] =	sbarrier.arrive $0xFFFF  }
0x100: {  	p0 =	sne.s32 s0, $0x0;
	s0 =	rddreg [dreg:$0x2]  }
0x101: {  	s0 =	sadd.s32 @!p0 $0x100000, s0  }
0x102: {  	[sflag:s0] =	ssyncadd.tile.s32 @!p0 $0x1;
	_ =	shalt  }
.Lfunc_end2:
_tile_overlayer_lowered:
.L_overlay_start_2:
0x103: {  	(tag) =	ssettag $0x2  }
0x104: {  	s0 =	rddreg [dreg:$0x0];
	s2 =	stileid.u32  }
0x105: {  	s1 =	rddreg [dreg:$0x1];
	p0 =	sne.s32 s2, $0x0  }
0x106: {  	s3 =	rddreg [dreg:$0x2];
	[bflag:$0x3] =	sbarrier.arrive $0xFFFF;
	s2 =	simm.s32 @!p0 $0x1C07  }
0x107: {  	[timem:s3], [sflag:s2] =	dma.local @!p0 [hbm:s0], s1  }
0x108: {  	s0 =	simm.s32 @!p0 $0x7  }
0x109: {  	_ =	swait.ge @!p0 [sflag:s0], s1  }
0x10a: {  	s1 =	ssub.s32 @!p0 $0x0, s1;
	[sflag:s0] =	ssyncset.done @!p0 $0x0  }
0x10b: {  	[sflag:s0] =	ssyncadd.s32 @!p0 s1  }
0x10c: {  	[bflag:$0x3] =	sbarrier.arrive $0xFFFF  }
0x10d: {  	_ =	shalt  }

// kernel: kernel.9.cloned.1.call-start
scs
__scs_entry_jumppad:
0x0: {  	(pc) =	sbr.rel $0x88, $3  }
0x1: {  	(tag) =	ssettag $0x0;
	lr =	simm.s32 $0x1  }
0x2: {  	[smem:$0x3F9A] =	sst lr;
	_ =	strace $0xD0000000  }
0x3: {  	_ = 	snop  }
0x4: {  	_ = 	snop  }
0x5: {  	_ = 	snop  }
0x6: {  	_ = 	snop  }
0x7: {  	_ = 	snop  }
__scs_overlays_trampoline_lowered:
0x8: {  	[smem:$0x3FA9] =	sst s0  }
0x9: {  	[smem:$0x3FAA] =	sst s1  }
0xa: {  	[smem:$0x3FAB] =	sst s2  }
0xb: {  	[smem:$0x3FAC] =	sst s3  }
0xc: {  	[smem:$0x3FAD] =	sst s4  }
0xd: {  	[smem:$0x3FAE] =	sst s5  }
0xe: {  	[smem:$0x3FAF] =	sst s6  }
0xf: {  	[smem:$0x3FB0] =	sst s7  }
0x10: {  	[smem:$0x3FB1] =	sst s8  }
0x11: {  	[smem:$0x3FB2] =	sst s9;
	s0 =	simm.s32 @!p0 $0x0  }
0x12: {  	s1 =	sld [smem:$0x3F98];
	s0 =	simm.s32 @p0 $0x1  }
0x13: {  	[smem:$0x3FB3] =	sst s0;
	s0 =	simm.s32 @!p1 $0x0  }
0x14: {  	s2 =	sld [smem:$0x3F97];
	s0 =	simm.s32 @p1 $0x1  }
0x15: {  	[smem:$0x3FB4] =	sst s0;
	s0 =	simm.s32 @!p2 $0x0  }
0x16: {  	s3 =	sld [smem:$0x3FDB];
	s0 =	simm.s32 @p2 $0x1  }
0x17: {  	s4 =	simm.s32 $0x1BF5;
	[smem:$0x3FB6] =	sst s0  }
0x18: {  	s0 =	sld [smem:$0x3F99];
	_ =	swait.ge [sflag:s4], $0x0  }
0x19: {  	s7 =	sld [smem:$0x3F9A]  }
0x1a: {  	s8 =	sadd.s32 $0xFFFFE003, lr  }
0x1b: {  	s9 =	sadd.s32 $0xFFFFFEF7, lr;
	s5 =	simm.s32 $0xFFFFFFFF;
	p2 =	slt.u32 s8, $0xFFFFF086  }
0x1c: {  	p1 =	slt.u32 s9, $0xF7A;
	s5 =	simm.s32 @!p2 $0x0  }
0x1d: {  	s5 =	simm.s32 @p1 $0x1;
	p0 =	seq.s32 s7, s2  }
0x1e: {  	s7 =	smul.u32 @!p0 $0xF7A, s2;
	p2 =	seq.s32 @!p0 s5, $0x0  }
0x1f: {  	s9 =	smul.u32 $0xF7A, s1;
	s8 =	simm.s32 @!p0 $0x1BF5;
	p2 =	por !p2, p0  }
0x20: {  	[sflag:s8] =	ssyncset.s32 @!p0 $0xFFFFF086;
	s6 =	sadd.s32 @!p0 s3, s7;
	s7 =	simm.s32 @!p0 $0x108  }
0x21: {  	s3 =	sadd.s32 s3, s9;
	s6 =	sadd.s32 @!p0 $0x88, s6;
	s7 =	simm.s32 @p2 $0x1082  }
0x22: {  	[simem:s7], [sflag:s8] =	dma.local @!p0 [hbm:s6], $0xF7A  }
0x23: {  	s9 =	sor.u32 $0xD0000000, s2;
	s6 =	simm.s32 $0x108;
	_ =	swait.ge @!p0 [sflag:s8], $0x0  }
0x24: {  	s3 =	sadd.s32 $0x88, s3;
	s6 =	simm.s32 @!p1 $0x1082;
	[sflag:s4] =	ssyncset.s32 $0xFFFFF086  }
0x25: {  	[simem:s6], [sflag:s4] =	dma.local [hbm:s3], $0xF7A  }
0x26: {  	[smem:$0x3F9A] =	sst s1;
	(tag) =	ssettag s2;
	_ =	strace s9  }
0x27: {  	s1 =	sld [smem:$0x3FAA]  }
0x28: {  	s2 =	sld [smem:$0x3FAB]  }
0x29: {  	s4 =	sld [smem:$0x3FAD]  }
0x2a: {  	p0 =	seq.s32 s5, $0x0;
	s5 =	sld [smem:$0x3FAE]  }
0x2b: {  	s6 =	sld [smem:$0x3FAF]  }
0x2c: {  	s7 =	sld [smem:$0x3FB0]  }
0x2d: {  	s3 =	simm.s32 $0x108;
	s8 =	sld [smem:$0x3FB1]  }
0x2e: {  	s3 =	simm.s32 @!p0 $0x1082;
	s9 =	sld [smem:$0x3FB2]  }
0x2f: {  	lr =	sadd.s32 s0, s3;
	s0 =	sld [smem:$0x3FA9]  }
0x30: {  	s3 =	sld [smem:$0x3FAC]  }
0x31: {  	[smem:$0x3FB5] =	sst s10  }
0x32: {  	s10 =	sld [smem:$0x3FB3];
	_ =	sdelay $0x3  }
0x33: {  	p0 =	seq.s32 s10, $0x1;
	s10 =	sld [smem:$0x3FB5];
	_ =	sdelay $0x3  }
0x34: {  	[smem:$0x3FB5] =	sst s10  }
0x35: {  	s10 =	sld [smem:$0x3FB4];
	_ =	sdelay $0x3  }
0x36: {  	p1 =	seq.s32 s10, $0x1;
	s10 =	sld [smem:$0x3FB5];
	_ =	sdelay $0x3  }
0x37: {  	[smem:$0x3FB5] =	sst s10  }
0x38: {  	s10 =	sld [smem:$0x3FB6]  }
0x39: {  	_ = 	snop;
	(pc) =	sbr.ind lr, $3  }
0x3a: {  	_ = 	snop  }
0x3b: {  	_ = 	snop  }
0x3c: {  	p2 =	seq.s32 s10, $0x1;
	s10 =	sld [smem:$0x3FB5]  }
0x3d: {  	_ =	shalt  }
0x3e: {  	_ =	shalt  }
0x3f: {  	_ =	shalt  }
0x40: {  	_ =	shalt  }
0x41: {  	_ =	shalt  }
0x42: {  	_ =	shalt  }
0x43: {  	_ =	shalt  }
0x44: {  	_ =	shalt  }
0x45: {  	_ =	shalt  }
0x46: {  	_ =	shalt  }
0x47: {  	_ =	shalt  }
0x48: {  	_ =	shalt  }
0x49: {  	_ =	shalt  }
0x4a: {  	_ =	shalt  }
0x4b: {  	_ =	shalt  }
0x4c: {  	_ =	shalt  }
0x4d: {  	_ =	shalt  }
0x4e: {  	_ =	shalt  }
0x4f: {  	_ =	shalt  }
0x50: {  	_ =	shalt  }
0x51: {  	_ =	shalt  }
0x52: {  	_ =	shalt  }
0x53: {  	_ =	shalt  }
0x54: {  	_ =	shalt  }
0x55: {  	_ =	shalt  }
0x56: {  	_ =	shalt  }
0x57: {  	_ =	shalt  }
0x58: {  	_ =	shalt  }
0x59: {  	_ =	shalt  }
0x5a: {  	_ =	shalt  }
0x5b: {  	_ =	shalt  }
0x5c: {  	_ =	shalt  }
0x5d: {  	_ =	shalt  }
0x5e: {  	_ =	shalt  }
0x5f: {  	_ =	shalt  }
0x60: {  	_ =	shalt  }
0x61: {  	_ =	shalt  }
0x62: {  	_ =	shalt  }
0x63: {  	_ =	shalt  }
0x64: {  	_ =	shalt  }
0x65: {  	_ =	shalt  }
0x66: {  	_ =	shalt  }
0x67: {  	_ =	shalt  }
0x68: {  	_ =	shalt  }
0x69: {  	_ =	shalt  }
0x6a: {  	_ =	shalt  }
0x6b: {  	_ =	shalt  }
0x6c: {  	_ =	shalt  }
0x6d: {  	_ =	shalt  }
0x6e: {  	_ =	shalt  }
0x6f: {  	_ =	shalt  }
0x70: {  	_ =	shalt  }
0x71: {  	_ =	shalt  }
0x72: {  	_ =	shalt  }
0x73: {  	_ =	shalt  }
0x74: {  	_ =	shalt  }
0x75: {  	_ =	shalt  }
0x76: {  	_ =	shalt  }
0x77: {  	_ =	shalt  }
0x78: {  	_ =	shalt  }
0x79: {  	_ =	shalt  }
0x7a: {  	_ =	shalt  }
0x7b: {  	_ =	shalt  }
0x7c: {  	_ =	shalt  }
0x7d: {  	_ =	shalt  }
0x7e: {  	_ =	shalt  }
0x7f: {  	_ =	shalt  }
0x80: {  	_ =	shalt  }
0x81: {  	_ =	shalt  }
0x82: {  	_ =	shalt  }
0x83: {  	_ =	shalt  }
0x84: {  	_ =	shalt  }
0x85: {  	_ =	shalt  }
0x86: {  	_ =	shalt  }
0x87: {  	_ =	shalt  }
.Lfunc_end0:
.L_simem_size_0:
called_computation_lowered:
.L_overlay_start_0:
0x88: {  	s2 =	sld [smem:$0x3FD9]  }
0x89: {  	s3 =	sld [smem:$0x3FFE];
	_ =	sdelay $0x1  }
0x8a: {  	s1 =	srdreg.scid  }
0x8b: {  	s0 =	sand.u32 $0x1, s1  }
0x8c: {  	s16 =	sshll.u32 s0, $0xA;
	s2 =	sadd.s32 s3, s2  }
0x8d: {  	s2 =	sadd.s32 s2, s16  }
0x8e: {  	[smem:$0x3FC1] =	sst s2  }
0x8f: {  	_ = 	snop  }
0x90: {  	(tm) =	ssettm $0x1  }
0x91: {  	s17 =	sld [smem:$0x3FFB];
	_ =	sdelay $0x3  }
0x92: {  	_ =	strace s17  }
0x93: {  	s2 =	sld [smem:$0x3FFC];
	_ =	sdelay $0x3  }
0x94: {  	_ =	strace s2  }
0x95: {  	s2 =	sld [smem:$0x3FFD];
	_ =	sdelay $0x3  }
0x96: {  	_ =	strace s2  }
0x97: {  	_ =	strace $0x8FFFFFFF  }
0x98: {  	s18 =	sld [smem:$0x3FDB];
	_ =	sdelay $0x1  }
0x99: {  	s19 =	simm.s32 $_scs_section_size  }
0x9a: {  	s4 =	simm.s32 $_size__tile_overlayer_lowered;
	s5 =	simm.s32 $_tile_overlayer_lowered  }
0x9b: {  	s22 =	simm.s32 $0x1BFF;
	s21 =	sshll.u32 s5, $0x1;
	s2 =	sadd.s32 s19, s18  }
0x9c: {  	s6 =	simm.s32 $0x0;
	s20 =	sshll.u32 s4, $0x1;
	s4 =	sadd.s32 s21, s2  }
0x9d: {  	[timem:s6], [sflag:s22] =	dma.local [hbm:s4], s20  }
0x9e: {  	_ =	swait.ge [sflag:s22], s20  }
0x9f: {  	s3 =	ssub.s32 $0x0, s20;
	[sflag:s22] =	ssyncset.done $0x0  }
0xa0: {  	[sflag:s22] =	ssyncadd.s32 s3;
	_ =	sdelay $0x1  }
0xa1: {  	s23 =	simm.s32 $0x1B8B  }
0xa2: {  	_ =	swait.ge [sflag:s23], $0x1  }
0xa3: {  	[sflag:s23] =	ssyncset.done $0x0  }
0xa4: {  	s25 =	simm.s32 $0x1B8E;
	s24 =	sld [smem:$0x3FFE];
	[sflag:s23] =	ssyncadd.s32 $0xFFFFFFFF  }
0xa5: {  	s26 =	simm.s32 $execute0_lowered;
	[smem:$0x3FD2] =	sst s25  }
0xa6: {  	s4 =	sshll.u32 s26, $0x1;
	_ =	strace $0x80000046;
	[dreg:$0x1] =	wrdreg $0xFFFFFFFF  }
0xa7: {  	s28 =	simm.s32 $_size_execute0_lowered;
	s2 =	sadd.s32 s2, s4;
	[dreg:$0x0] =	wrdreg $0x0  }
0xa8: {  	s4 =	sshll.u32 s28, $0x1;
	[dreg:$0x2] =	wrdreg s2  }
0xa9: {  	[dreg:$0x3] =	wrdreg s4  }
0xaa: {  	[dreg:$0x4] =	wrdreg $0xC0  }
0xab: {  	_ =	task [dreg:s6], $0x5FFFF  }
0xac: {  	[dreg:$0x1] =	wrdreg $0xFFFFFFFF  }
0xad: {  	[dreg:$0x0] =	wrdreg $0x60  }
0xae: {  	[dreg:$0x2] =	wrdreg s24  }
0xaf: {  	[dreg:$0x3] =	wrdreg $0x9  }
0xb0: {  	_ =	task.clear_ibuf [dreg:s6], $0x4FFFF;
	_ =	strace $0x90000046  }
0xb1: {  	s29 =	simm.s32 $0x9;
	_ =	strace $0x80000048  }
0xb2: {  	_ =	swait.ge [sflag:s29], $0x1  }
0xb3: {  	[sflag:s29] =	ssyncadd.s32 $0xFFFFFFFF  }
0xb4: {  	_ =	strace $0x90000048  }
0xb5: {  	_ =	sfence  }
0xb6: {  	s30 =	sld [smem:$0x0];
	_ =	sdelay $0x2  }
0xb7: {  	s31 =	sshll.u32 s1, $0xD;
	s1 =	sshrl.u32 s1, $0x2  }
0xb8: {  	s3 =	sand.u32 $0x4000, s31;
	s1 =	sadd.s32 s1, s30  }
0xb9: {  	s0 =	sor.u32 s3, s0;
	s1 =	sshll.u32 s1, $0x11  }
0xba: {  	s0 =	sor.u32 s1, s0  }
0xbb: {  	s0 =	sadd.s32 $0x8F2B, s0  }
0xbc: {  	[sflag:s0] =	ssyncadd.remote.s32 $0x1  }
0xbd: {  	_ =	sfence.sel $0xFFFF  }
0xbe: {  	[dreg:$0x0] =	wrdreg $0xFFFFFFFF;
	(pc) =	sbr.abs _section_cstart, $3  }
0xbf: {  	[dreg:$0x1] =	wrdreg $0xFFFFFFFF  }
0xc0: {  	_ =	task.clear_ibuf [dreg:s6], $0x2FFFF;
	_ =	strace $0x9FFFFFFF  }
0xc1: {  	(tm) =	ssettm $0x7FFFFFFF  }
tec
execute0_lowered:
.L_overlay_start_1:
0x0: {  	(tag) =	ssettag $0x1  }
0x1: {  	s1 =	srdreg.scid  }
0x2: {  	s0 =	stileid.u32;
	s4 =	rddreg [dreg:$0x0];
	s2 =	simm.s32 $0x0  }
0x3: {  	s11 =	simm.s32 $0x1;
	s12 =	simm.s32 $0x2710;
	s13 =	simm.s32 $0x4E20  }
0x4: {  	s14 =	simm.s32 $0x55F0;
	s3 =	sand.u32 $0x1, s1;
	s31 =	sshll.u32 s0, $0x1  }
0x5: {  	s15 =	simm.s32 $0x5DC0;
	s16 =	simm.s32 $0x6590;
	s5 =	sor.u32 s3, s31  }
0x6: {  	s17 =	simm.s32 $0x6D60;
	s18 =	simm.s32 $0x0;
	s6 =	smul.u32 $0x4E2, s5  }
0x7: {  	[smem:$0x7FF] =	sst s2;
	s3 =	ssub.s32 $0x2, s3;
	s5 =	smul.u32 $0x7D0, s5  }
0x8: {  	s1 =	rddreg [dreg:$0x1];
	_ =	strace $0x80000047;
	s7 =	sshrl.u32 s3, $0x1  }
0x9: {  	s7 =	ssub.s32 s3, s7;
	s6 =	sadd.s32 s6, s4;
	s5 =	sshrl.u32 s5, $0x3  }
0xa: {  	s10 =	sadd.s32 s5, s4;
	s3 =	sadd.s32 $0xDA00, s6;
	s4 =	sadd.s32 $0x3C00, s6  }
0xb: {  	s6 =	smax.u32 s7, $0x1;
	s5 =	sadd.s32 $0x17800, s10;
	s7 =	sadd.s32 $0x19740, s10  }
0xc: {  	v0 =	vimm.f32 $0.0e+00;
	v1 =	vimm.f32 $1.000000000e+00;
	s8 =	sadd.s32 $0x1B680, s10;
	s9 =	sadd.s32 $0x1D5C0, s10;
	s10 =	sadd.s32 $0x1F500, s10  }
.LBB2_1:
0xd: {  	[tilespmem:s2], [sflag:$0x1] =	stream.linear.gather [hbm4b:s3+s2], $0x2710, $0x38;
	[tilespmem:$0x7530] =	vst v63  }
0xe: {  	_ =	swait.ge [sflag:s11], $0x2710  }
0xf: {  	[sflag:s11] =	ssyncset.done $0x0  }
0x10: {  	[sflag:s11] =	ssyncadd.s32 $0xFFFFD8F0  }
0x11: {  	[tilespmem:s12], [sflag:$0x1] =	stream.linear.gather [hbm4b:s4+s2], $0x2710, $0x38;
	[tilespmem:$0x7530] =	vst v63  }
0x12: {  	_ =	swait.ge [sflag:s11], $0x2710  }
0x13: {  	[sflag:s11] =	ssyncset.done $0x0  }
0x14: {  	s19 =	simm.s32 $0x0;
	[sflag:s11] =	ssyncadd.s32 $0xFFFFD8F0  }
.LBB2_2:
0x15: {  	p0 =	sne.s32 s19, $0x9C00  }
.Ltmp0:
0x16: {  	_ = 	snop;
	(pc) =	sbr.rel @p0 .LBB2_2-.Ltmp0, $3  }
0x17: {  	_ =	sdelay $0x1  }
0x18: {  	s20 =	sshra.s32 s19, $0x2  }
0x19: {  	s19 =	sadd.s32 $0x40, s19;
	[tilespmem:s20+$0x4E20] =	vst v0  }
0x1a: {  	s19 =	simm.s32 $0x0  }
.LBB2_4:
0x1b: {  	s20 =	sshra.s32 s19, $0x2  }
0x1c: {  	v2 =	vld [tilespmem:s20+$0x0]  }
0x1d: {  	v3 =	vld [tilespmem:s20+$0x2710];
	_ =	sdelay $0x4  }
0x1e: {  	vm0 =	vne.s32 v2, v3;
	_ =	sdelay $0x5  }
0x1f: {  	[tilespmem:v2+s13+$0x0] =	vst.idx.add.f32.msk vm0, v1  }
0x20: {  	v2 =	vld [tilespmem:s20+$0x10]  }
0x21: {  	v3 =	vld [tilespmem:s20+$0x2720];
	_ =	sdelay $0x4  }
0x22: {  	vm12 =	vne.s32 v2, v3;
	_ =	sdelay $0x5  }
0x23: {  	[tilespmem:v2+s13+$0x0] =	vst.idx.add.f32.msk vm12, v1  }
0x24: {  	v2 =	vld [tilespmem:s20+$0x20]  }
0x25: {  	v3 =	vld [tilespmem:s20+$0x2730];
	_ =	sdelay $0x4  }
0x26: {  	vm13 =	vne.s32 v2, v3;
	_ =	sdelay $0x5  }
0x27: {  	[tilespmem:v2+s13+$0x0] =	vst.idx.add.f32.msk vm13, v1  }
0x28: {  	v2 =	vld [tilespmem:s20+$0x30]  }
0x29: {  	v3 =	vld [tilespmem:s20+$0x2740];
	_ =	sdelay $0x4  }
0x2a: {  	vm14 =	vne.s32 v2, v3;
	_ =	sdelay $0x5  }
0x2b: {  	[tilespmem:v2+s13+$0x0] =	vst.idx.add.f32.msk vm14, v1  }
0x2c: {  	v2 =	vld [tilespmem:s20+$0x40]  }
0x2d: {  	v3 =	vld [tilespmem:s20+$0x2750];
	_ =	sdelay $0x4  }
0x2e: {  	vm15 =	vne.s32 v2, v3  }
0x2f: {  	p0 =	sne.s32 s19, $0x9B00  }
.Ltmp1:
0x30: {  	_ = 	snop;
	(pc) =	sbr.rel @p0 .LBB2_4-.Ltmp1, $2  }
0x31: {  	_ =	sdelay $0x2  }
0x32: {  	s19 =	sadd.s32 $0x140, s19;
	[tilespmem:v2+s13+$0x0] =	vst.idx.add.f32.msk vm15, v1  }
0x33: {  	[hbm4b:s5+s2] =	stream.linear.scatter [tilespmem:s13], [sflag:$0x1], $0x7D0, $0x38;
	[tilespmem:$0x7530] =	vst v63  }
0x34: {  	_ =	swait.ge [sflag:s11], $0x7D0  }
0x35: {  	[sflag:s11] =	ssyncset.done $0x0  }
0x36: {  	[sflag:s11] =	ssyncadd.s32 $0xFFFFF830  }
0x37: {  	[hbm4b:s7+s2] =	stream.linear.scatter [tilespmem:s14], [sflag:$0x1], $0x7D0, $0x38;
	[tilespmem:$0x7530] =	vst v63  }
0x38: {  	_ =	swait.ge [sflag:s11], $0x7D0  }
0x39: {  	[sflag:s11] =	ssyncset.done $0x0  }
0x3a: {  	[sflag:s11] =	ssyncadd.s32 $0xFFFFF830  }
0x3b: {  	[hbm4b:s8+s2] =	stream.linear.scatter [tilespmem:s15], [sflag:$0x1], $0x7D0, $0x38;
	[tilespmem:$0x7530] =	vst v63  }
0x3c: {  	_ =	swait.ge [sflag:s11], $0x7D0  }
0x3d: {  	[sflag:s11] =	ssyncset.done $0x0  }
0x3e: {  	[sflag:s11] =	ssyncadd.s32 $0xFFFFF830  }
0x3f: {  	[hbm4b:s9+s2] =	stream.linear.scatter [tilespmem:s16], [sflag:$0x1], $0x7D0, $0x38;
	[tilespmem:$0x7530] =	vst v63  }
0x40: {  	s18 =	sadd.s32 $0x1, s18;
	_ =	swait.ge [sflag:s11], $0x7D0  }
0x41: {  	p0 =	sne.s32 s18, s6;
	[sflag:s11] =	ssyncset.done $0x0  }
.Ltmp2:
0x42: {  	[sflag:s11] =	ssyncadd.s32 $0xFFFFF830;
	(pc) =	sbr.rel @p0 .LBB2_1-.Ltmp2, $4  }
0x43: {  	[hbm4b:s10+s2] =	stream.linear.scatter [tilespmem:s17], [sflag:$0x1], $0x7D0, $0x38;
	[tilespmem:$0x7530] =	vst v63  }
0x44: {  	_ =	swait.ge [sflag:s11], $0x7D0  }
0x45: {  	[sflag:s11] =	ssyncset.done $0x0  }
0x46: {  	[sflag:s11] =	ssyncadd.s32 $0xFFFFF830  }
0x47: {  	_ =	sfence.sel $0x180000  }
0x48: {  	[bflag:$0x0] =	sbarrier.arrive $0xFFFF  }
0x49: {  	p0 =	sne.s32 s0, $0x0;
	_ =	strace $0x90000047  }
0x4a: {  	s0 =	sadd.s32 @!p0 $0x100000, s1;
	[bflag:$0x2] =	sbarrier.arrive $0xFFFF  }
0x4b: {  	[sflag:s0] =	ssyncadd.tile.s32 @!p0 $0x1;
	_ =	shalt  }
.Lfunc_end2:
_tile_overlayer_lowered:
.L_overlay_start_2:
0x4c: {  	(tag) =	ssettag $0x2  }
0x4d: {  	s0 =	rddreg [dreg:$0x0];
	s2 =	stileid.u32  }
0x4e: {  	s1 =	rddreg [dreg:$0x1];
	p0 =	sne.s32 s2, $0x0  }
0x4f: {  	s3 =	rddreg [dreg:$0x2];
	[bflag:$0x3] =	sbarrier.arrive $0xFFFF;
	s2 =	simm.s32 @!p0 $0x1C01  }
0x50: {  	[timem:s3], [sflag:s2] =	dma.local @!p0 [hbm:s0], s1  }
0x51: {  	s0 =	simm.s32 @!p0 $0x1  }
0x52: {  	_ =	swait.ge @!p0 [sflag:s0], s1  }
0x53: {  	s1 =	ssub.s32 @!p0 $0x0, s1;
	[sflag:s0] =	ssyncset.done @!p0 $0x0  }
0x54: {  	[sflag:s0] =	ssyncadd.s32 @!p0 s1  }
0x55: {  	[bflag:$0x3] =	sbarrier.arrive $0xFFFF  }
0x56: {  	_ =	shalt  }

</sc_bundles>
